<compile_context>
chip_gen: v7x
topology: tpu7x:2x2x1
jax: 0.10.2.dev20260603
libtpu: 0.0.44.dev20260713+nightly
codegen_flags: <defaults>
</compile_context>

<pallas_src>
import functools

import jax
import jax.numpy as jnp
from jax import lax
from jax.experimental import pallas as pl
from jax.experimental.pallas import tpu as pltpu
from jax.experimental.pallas import tpu_sc as plsc

NK = 10000
NP = 10240
E = 160000
EPS = 10240
EP = 16 * EPS
NCH = EPS // 128
NB = 2
D = 256
H = 128
NG = 64
R = 2048

_mesh = plsc.VectorSubcoreMesh(core_axis_name="c", subcore_axis_name="s")



@functools.partial(
    pl.kernel,
    out_type=jax.ShapeDtypeStruct((2 * NP, 16), jnp.float32),
    mesh=_mesh,
    scratch_types=[
        pltpu.VMEM_SHARED((NP, 16), jnp.float32),
        pltpu.VMEM((640, 16), jnp.float32),
        pltpu.VMEM((128, 16), jnp.float32),
        pltpu.VMEM((40, 128), jnp.int32),
        pltpu.SemaphoreType.DMA,
    ],
)
def _sc_deg(dstd_hbm, out_hbm, acc, zbuf, vals, didx, sem):
    c = lax.axis_index("c")
    s = lax.axis_index("s")
    zero16 = jnp.zeros((16,), jnp.float32)
    e0 = jnp.where(lax.iota(jnp.int32, 16) == 0, 1.0, 0.0).astype(jnp.float32)

    @pl.loop(0, 640)
    def _(j):
        zbuf[j, :] = zero16

    @pl.loop(0, 128)
    def _(j):
        vals[j, :] = e0

    w = c * 16 + s
    pltpu.sync_copy(dstd_hbm.at[pl.ds(w * 40, 40)], didx)
    pltpu.sync_copy(zbuf, acc.at[pl.ds(s * 640, 640)])
    plsc.subcore_barrier()

    @pl.loop(0, 40)
    def _(i):
        pltpu.async_copy(vals, acc.at[didx.at[i]], sem, add=True)

    @pl.loop(0, 40)
    def _(i):
        pltpu.make_async_copy(vals, acc.at[didx.at[i]], sem).wait()

    plsc.subcore_barrier()
    pltpu.sync_copy(acc.at[pl.ds(s * 640, 640)],
                    out_hbm.at[pl.ds(c * NP + s * 640, 640)])


@functools.partial(
    pl.kernel,
    out_type=jax.ShapeDtypeStruct((2 * NP, H), jnp.float32),
    mesh=_mesh,
    scratch_types=[
        pltpu.VMEM_SHARED((NP, H), jnp.float32),
        pltpu.VMEM((NCH, 128), jnp.int32),
        pltpu.VMEM((NB, 128), jnp.int32),
        pltpu.VMEM((NB, 128, H), jnp.float32),
        pltpu.SemaphoreType.DMA((NB,)),
        pltpu.SemaphoreType.DMA((NB,)),
    ],
)
def _sc_prop(g_hbm, src2_hbm, dstp_hbm, out_hbm, acc, sidx, didx, rows, sem,
             sem2):
    c = lax.axis_index("c")
    s = lax.axis_index("s")
    pltpu.sync_copy(g_hbm.at[pl.ds(c * NP + s * 640, 640)],
                    acc.at[pl.ds(s * 640, 640)])
    w = c * 16 + s
    pltpu.sync_copy(src2_hbm.at[pl.ds(w * NCH, NCH)], sidx)
    plsc.subcore_barrier()

    def _fetch(g, b):
        pltpu.async_copy(g_hbm.at[sidx.at[g]], rows.at[b], sem.at[b])
        pltpu.async_copy(dstp_hbm.at[pl.ds((s * NCH + g) * 128, 128)],
                         didx.at[b], sem2.at[b])

    for b in range(NB):
        _fetch(b, b)

    @pl.loop(0, NCH // NB)
    def _(t):
        for b in range(NB):
            g = t * NB + b
            pltpu.make_async_copy(g_hbm.at[sidx.at[g]], rows.at[b],
                                  sem.at[b]).wait()
            pltpu.make_async_copy(dstp_hbm.at[pl.ds((s * NCH + g) * 128, 128)],
                                  didx.at[b], sem2.at[b]).wait()
            pltpu.sync_copy(rows.at[b], acc.at[didx.at[b]], add=True)
            nxt = g + NB

            @pl.when(nxt < NCH)
            def _():
                _fetch(nxt, b)

    plsc.subcore_barrier()
    pltpu.sync_copy(acc.at[pl.ds(s * 640, 640)],
                    out_hbm.at[pl.ds(c * NP + s * 640, 640)])



def _dis_of(d_blk):
    deg = d_blk[0, :, 0:1] + d_blk[1, :, 0:1] + 1.0
    return lax.rsqrt(deg)


def _mm_first_body(x_ref, w_ref, d_ref, o_ref):
    dis = _dis_of(d_ref[...])
    t = jnp.dot(x_ref[...], w_ref[...], preferred_element_type=jnp.float32)
    g = t * dis
    o_ref[0] = g[:, :H]
    o_ref[1] = g[:, H:]


def _mm_mid_body(p_ref, w_ref, d_ref, o_ref):
    pb = p_ref[...]
    dis = _dis_of(d_ref[...])
    h = jnp.concatenate([pb[0], pb[1]], axis=1)
    h = jnp.maximum(h * dis, 0.0)
    t = jnp.dot(h, w_ref[...], preferred_element_type=jnp.float32)
    g = t * dis
    o_ref[0] = g[:, :H]
    o_ref[1] = g[:, H:]


def _mm_first(x_pad, W, degp):
    return pl.pallas_call(
        _mm_first_body,
        grid=(NP // R,),
        in_specs=[
            pl.BlockSpec((R, D), lambda i: (i, 0)),
            pl.BlockSpec((D, D), lambda i: (0, 0)),
            pl.BlockSpec((2, R, 16), lambda i: (0, i, 0)),
        ],
        out_specs=pl.BlockSpec((2, R, H), lambda i: (0, i, 0)),
        out_shape=jax.ShapeDtypeStruct((2, NP, H), jnp.float32),
    )(x_pad, W, degp)


def _mm_mid(P, W, degp):
    return pl.pallas_call(
        _mm_mid_body,
        grid=(NP // R,),
        in_specs=[
            pl.BlockSpec((2, R, H), lambda i: (0, i, 0)),
            pl.BlockSpec((D, D), lambda i: (0, 0)),
            pl.BlockSpec((2, R, 16), lambda i: (0, i, 0)),
        ],
        out_specs=pl.BlockSpec((2, R, H), lambda i: (0, i, 0)),
        out_shape=jax.ShapeDtypeStruct((2, NP, H), jnp.float32),
    )(P, W, degp)


RP = 2000


def _pool_body(p_ref, d_ref, b_ref, hn_ref, hg_ref, sums, counts):
    i = pl.program_id(0)
    pb = p_ref[...]
    dis = _dis_of(d_ref[...])
    h = jnp.concatenate([pb[0], pb[1]], axis=1)
    h = jnp.maximum(h * dis, 0.0)
    hn_ref[...] = h
    bb = b_ref[...]
    gid = lax.broadcasted_iota(jnp.int32, (RP, NG), 1)
    mask = (bb == gid).astype(jnp.float32)
    dn = (((0,), (0,)), ((), ()))
    s_blk = lax.dot_general(mask, h, dn, preferred_element_type=jnp.float32)
    ones = jnp.ones((RP, H), jnp.float32)
    c_blk = lax.dot_general(mask, ones, dn, preferred_element_type=jnp.float32)

    @pl.when(i == 0)
    def _():
        sums[...] = s_blk
        counts[...] = c_blk

    @pl.when(i > 0)
    def _():
        sums[...] += s_blk
        counts[...] += c_blk

    @pl.when(i == NK // RP - 1)
    def _():
        cnt = jnp.maximum(counts[...][:, 0:1], 1.0)
        hg_ref[...] = sums[...] / cnt


def _pool(P, degp, batch_col):
    return pl.pallas_call(
        _pool_body,
        grid=(NK // RP,),
        in_specs=[
            pl.BlockSpec((2, RP, H), lambda i: (0, i, 0)),
            pl.BlockSpec((2, RP, 16), lambda i: (0, i, 0)),
            pl.BlockSpec((RP, 1), lambda i: (i, 0)),
        ],
        out_specs=[
            pl.BlockSpec((RP, D), lambda i: (i, 0)),
            pl.BlockSpec((NG, D), lambda i: (0, 0)),
        ],
        out_shape=[
            jax.ShapeDtypeStruct((NK, D), jnp.float32),
            jax.ShapeDtypeStruct((NG, D), jnp.float32),
        ],
        scratch_shapes=[
            pltpu.VMEM((NG, D), jnp.float32),
            pltpu.VMEM((NG, H), jnp.float32),
        ],
    )(P, degp, batch_col)



def kernel(x, edge_index, edge_weight, batch, W0, W1, W2):
    src = edge_index[0]
    dst = edge_index[1]

    e = jnp.arange(E, EP, dtype=jnp.int32)
    src_p = jnp.concatenate([src, e % NP])
    src2 = jnp.concatenate([src_p, src_p + NP])
    src2 = src2.reshape(2 * 16 * NCH, 128)
    dstd = jnp.concatenate([dst, NK + e % (NP - NK)])

    x_pad = jnp.pad(x, ((0, NP - NK), (0, 0)))
    batch_col = batch.reshape(NK, 1)

    degp = _sc_deg(dstd.reshape(32 * 40, 128)).reshape(2, NP, 16)
    g = _mm_first(x_pad, W0, degp)
    P = _sc_prop(g.reshape(2 * NP, H), src2, dstd).reshape(2, NP, H)
    g = _mm_mid(P, W1, degp)
    P = _sc_prop(g.reshape(2 * NP, H), src2, dstd).reshape(2, NP, H)
    g = _mm_mid(P, W2, degp)
    P = _sc_prop(g.reshape(2 * NP, H), src2, dstd).reshape(2, NP, H)
    h_node, h_graph = _pool(P, degp, batch_col)
    return h_node, h_graph

# --- scband reference (transcript-rebuilt; emitter-appended) ---
"""Pipeline reference for scband-gcn-74165495267688 (READ-ONLY COPY).

The authoritative reference and input builder live on the scoring server;
editing this copy changes nothing except your own understanding.
"""

import jax, jax.numpy as jnp
import numpy as np

N = 10000
E = 160000
D = 256
NG = 64

def setup_inputs(seed: int = 0) -> dict:
    key = jax.random.key(seed)
    ks = jax.random.split(key, 8)
    x = jax.random.normal(ks[0], (N, D), dtype=jnp.float32)
    edge_index = jax.random.randint(ks[1], (2, E), 0, N, dtype=jnp.int32)
    edge_weight = jax.random.uniform(ks[2], (E,), dtype=jnp.float32)
    batch = jnp.sort(jax.random.randint(ks[3], (N,), 0, NG, dtype=jnp.int32))
    scale = 1.0 / np.sqrt(D)
    W0 = jax.random.normal(ks[4], (D, D), dtype=jnp.float32) * scale
    W1 = jax.random.normal(ks[5], (D, D), dtype=jnp.float32) * scale
    W2 = jax.random.normal(ks[6], (D, D), dtype=jnp.float32) * scale
    return {"x": x, "edge_index": edge_index, "edge_weight": edge_weight, "batch": batch, "W0": W0, "W1": W1, "W2": W2}


def _gcn_layer(h, W, src, dst, norm):
    h = h @ W
    msg = h[src] * norm[:, None]
    out = jnp.zeros_like(h).at[dst].add(msg)
    return out


def reference(x, edge_index, edge_weight, batch, W0, W1, W2):
    # GCNConv with add_self_loops=True, symmetric normalization, bias=False.
    # edge_weight is accepted by forward but the module passes edge_weight=None
    # to each conv, so it is unused (matches the torch code).
    self_loop = jnp.arange(N, dtype=edge_index.dtype)
    src = jnp.concatenate([edge_index[0], self_loop])
    dst = jnp.concatenate([edge_index[1], self_loop])
    deg = jnp.zeros((N,), jnp.float32).at[dst].add(1.0)
    deg_inv_sqrt = jnp.where(deg > 0, 1.0 / jnp.sqrt(deg), 0.0)
    norm = deg_inv_sqrt[src] * deg_inv_sqrt[dst]
    h = x
    for W in (W0, W1, W2):
        h = jax.nn.relu(_gcn_layer(h, W, src, dst, norm))
    h_node = h
    sums = jax.ops.segment_sum(h, batch, num_segments=NG)
    counts = jax.ops.segment_sum(jnp.ones((N,), jnp.float32), batch, num_segments=NG)
    h_graph = sums / jnp.clip(counts, 1.0)[:, None]
    return (h_node, h_graph)

if __name__ == "__main__":
    import jax
    _d = setup_inputs()
    print(jax.jit(kernel)(*tuple(_d.values())))

</pallas_src>

<mosaic_0001>
#map = affine_map<(d0, d1) -> (0, 0)>
#map1 = affine_map<(d0, d1) -> (0)>
module attributes {stable_mosaic.version = 14 : i64} {
  func.func @_sc_prop(%arg0: i32, %arg1: i32, %arg2: memref<20480x128xf32, #tpu.memory_space<hbm>>, %arg3: memref<2560x128xi32, #tpu.memory_space<hbm>>, %arg4: memref<163840xi32, #tpu.memory_space<hbm>>, %arg5: memref<20480x128xf32, #tpu.memory_space<hbm>>, %arg6: memref<10240x128xf32, #tpu.memory_space<vmem_shared>>, %arg7: memref<80x128xi32, #tpu.memory_space<vmem>>, %arg8: memref<2x128xi32, #tpu.memory_space<vmem>>, %arg9: memref<2x128x128xf32, #tpu.memory_space<vmem>>, %arg10: memref<2x!tpu.dma_semaphore, #tpu.memory_space<semaphore_mem>>, %arg11: memref<2x!tpu.dma_semaphore, #tpu.memory_space<semaphore_mem>>) attributes {dimension_semantics = [#tpu.dimension_semantics<core_parallel>, #tpu.dimension_semantics<subcore_parallel>], iteration_bounds = array<i64: 2, 16>, scalar_prefetch = 0 : i64, scratch_operands = 6 : i64, tpu.core_type = #tpu.core_type<sc_vector_subcore>, window_params = [{transform_indices = #map}, {transform_indices = #map}, {transform_indices = #map1}, {transform_indices = #map}]} {
    %mul3A = arith.constant 10240 : i32
    %mul3A_0 = arith.muli %arg0, %mul3A : i32
    %mul3A_1 = arith.constant 640 : i32
    %mul3A_2 = arith.muli %arg1, %mul3A_1 : i32
    %add3A = arith.addi %mul3A_0, %mul3A_2 : i32
    %mul3A_3 = arith.constant 640 : i32
    %mul3A_4 = arith.muli %arg1, %mul3A_3 : i32
    "tpu.region"() ({
      %run_scoped3A = tpu.sem_alloc : memref<!tpu.dma_semaphore, #tpu.memory_space<semaphore_mem>>
      %dma_start3A_87 = arith.constant 0 : i32
      %dma_start3A_88 = tpu.memref_slice %arg6[%mul3A_4, %dma_start3A_87] : memref<10240x128xf32, #tpu.memory_space<vmem_shared>> -> memref<640x128xf32, #tpu.memory_space<vmem_shared>>
      %dma_start3A_89 = arith.constant 0 : i32
      %dma_start3A_90 = tpu.memref_slice %arg2[%add3A, %dma_start3A_89] : memref<20480x128xf32, #tpu.memory_space<hbm>> -> memref<640x128xf32, #tpu.memory_space<hbm>>
      tpu.enqueue_dma source(%dma_start3A_90 : memref<640x128xf32, #tpu.memory_space<hbm>>) target(%dma_start3A_88 : memref<640x128xf32, #tpu.memory_space<vmem_shared>>) target_semaphore(%run_scoped3A : memref<!tpu.dma_semaphore, #tpu.memory_space<semaphore_mem>>)
      %dma_wait3A = arith.constant 0 : i32
      %dma_wait3A_91 = tpu.memref_slice %arg6[%mul3A_4, %dma_wait3A] : memref<10240x128xf32, #tpu.memory_space<vmem_shared>> -> memref<640x128xf32, #tpu.memory_space<vmem_shared>>
      %dma_wait3A_92 = arith.constant 0 : i32
      %dma_wait3A_93 = tpu.memref_slice %arg2[%add3A, %dma_wait3A_92] : memref<20480x128xf32, #tpu.memory_space<hbm>> -> memref<640x128xf32, #tpu.memory_space<hbm>>
      tpu.wait_dma2 semaphore(%run_scoped3A : memref<!tpu.dma_semaphore, #tpu.memory_space<semaphore_mem>>) src(%dma_wait3A_93 : memref<640x128xf32, #tpu.memory_space<hbm>>) dst(%dma_wait3A_91 : memref<640x128xf32, #tpu.memory_space<vmem_shared>>)
      tpu.yield
    }) : () -> ()
    %mul3A_5 = arith.constant 16 : i32
    %mul3A_6 = arith.muli %arg0, %mul3A_5 : i32
    %add3A_7 = arith.addi %mul3A_6, %arg1 : i32
    %mul3A_8 = arith.constant 80 : i32
    %mul3A_9 = arith.muli %add3A_7, %mul3A_8 : i32
    "tpu.region"() ({
      %run_scoped3A = tpu.sem_alloc : memref<!tpu.dma_semaphore, #tpu.memory_space<semaphore_mem>>
      %dma_start3A_87 = arith.constant 0 : i32
      %dma_start3A_88 = tpu.memref_slice %arg3[%mul3A_9, %dma_start3A_87] : memref<2560x128xi32, #tpu.memory_space<hbm>> -> memref<80x128xi32, #tpu.memory_space<hbm>>
      %dma_start3A_89 = arith.constant 0 : i32
      %dma_start3A_90 = tpu.memref_slice %arg3[%mul3A_9, %dma_start3A_89] : memref<2560x128xi32, #tpu.memory_space<hbm>> -> memref<80x128xi32, #tpu.memory_space<hbm>>
      tpu.enqueue_dma source(%dma_start3A_90 : memref<80x128xi32, #tpu.memory_space<hbm>>) target(%arg7 : memref<80x128xi32, #tpu.memory_space<vmem>>) target_semaphore(%run_scoped3A : memref<!tpu.dma_semaphore, #tpu.memory_space<semaphore_mem>>)
      %dma_wait3A = arith.constant 0 : i32
      %dma_wait3A_91 = tpu.memref_slice %arg3[%mul3A_9, %dma_wait3A] : memref<2560x128xi32, #tpu.memory_space<hbm>> -> memref<80x128xi32, #tpu.memory_space<hbm>>
      %dma_wait3A_92 = arith.constant 0 : i32
      %dma_wait3A_93 = tpu.memref_slice %arg3[%mul3A_9, %dma_wait3A_92] : memref<2560x128xi32, #tpu.memory_space<hbm>> -> memref<80x128xi32, #tpu.memory_space<hbm>>
      tpu.wait_dma2 semaphore(%run_scoped3A : memref<!tpu.dma_semaphore, #tpu.memory_space<semaphore_mem>>) src(%dma_wait3A_93 : memref<80x128xi32, #tpu.memory_space<hbm>>) dst(%arg7 : memref<80x128xi32, #tpu.memory_space<vmem>>)
      tpu.yield
    }) : () -> ()
    %barrier3A = arith.constant 0 : index
    tpu.barrier barrier_id(%barrier3A)
    %dma_start3A = arith.constant 0 : i32
    %dma_start3A_10 = arith.constant 0 : i32
    %dma_start3A_11 = arith.constant 0 : i32
    %dma_start3A_12 = arith.constant 0 : i32
    %dma_start3A_13 = arith.constant 0 : i32
    %dma_start3A_14 = tpu.memref_slice %arg9[%dma_start3A_10, %dma_start3A_12, %dma_start3A_13] : memref<2x128x128xf32, #tpu.memory_space<vmem>> -> memref<1x128x128xf32, #tpu.memory_space<vmem>>
    %dma_start3A_15 = tpu.memref_squeeze %dma_start3A_14 : memref<1x128x128xf32, #tpu.memory_space<vmem>> -> memref<128x128xf32, #tpu.memory_space<vmem>>
    %dma_start3A_16 = arith.constant 0 : i32
    %dma_start3A_17 = tpu.memref_slice %arg7[%dma_start3A, %dma_start3A_16] : memref<80x128xi32, #tpu.memory_space<vmem>> -> memref<1x128xi32, #tpu.memory_space<vmem>>
    %dma_start3A_18 = tpu.memref_squeeze %dma_start3A_17 : memref<1x128xi32, #tpu.memory_space<vmem>> -> memref<128xi32, #tpu.memory_space<vmem>>
    %dma_start3A_19 = arith.constant 0 : i32
    %dma_start3A_20 = arith.constant 0 : i32
    %dma_start3A_21 = tpu.memref_slice %arg2[%dma_start3A_19, %dma_start3A_20] : memref<20480x128xf32, #tpu.memory_space<hbm>> -> memref<20480x128xf32, #tpu.memory_space<hbm>>
    %dma_start3A_22 = tpu.memref_slice %arg10[%dma_start3A_11] : memref<2x!tpu.dma_semaphore, #tpu.memory_space<semaphore_mem>> -> memref<1x!tpu.dma_semaphore, #tpu.memory_space<semaphore_mem>>
    %dma_start3A_23 = tpu.memref_squeeze %dma_start3A_22 : memref<1x!tpu.dma_semaphore, #tpu.memory_space<semaphore_mem>> -> memref<!tpu.dma_semaphore, #tpu.memory_space<semaphore_mem>>
    tpu.enqueue_indirect_dma source(%dma_start3A_21 : memref<20480x128xf32, #tpu.memory_space<hbm>>) target(%dma_start3A_15 : memref<128x128xf32, #tpu.memory_space<vmem>>) offsets(%dma_start3A_18 : memref<128xi32, #tpu.memory_space<vmem>>) semaphore(%dma_start3A_23 : memref<!tpu.dma_semaphore, #tpu.memory_space<semaphore_mem>>)
    %mul3A_24 = arith.constant 80 : i32
    %mul3A_25 = arith.muli %arg1, %mul3A_24 : i32
    %add3A_26 = arith.constant 0 : i32
    %add3A_27 = arith.addi %mul3A_25, %add3A_26 : i32
    %mul3A_28 = arith.constant 128 : i32
    %mul3A_29 = arith.muli %add3A_27, %mul3A_28 : i32
    %dma_start3A_30 = arith.constant 0 : i32
    %dma_start3A_31 = arith.constant 0 : i32
    %dma_start3A_32 = arith.constant 0 : i32
    %dma_start3A_33 = tpu.memref_slice %arg8[%dma_start3A_30, %dma_start3A_32] : memref<2x128xi32, #tpu.memory_space<vmem>> -> memref<1x128xi32, #tpu.memory_space<vmem>>
    %dma_start3A_34 = tpu.memref_squeeze %dma_start3A_33 : memref<1x128xi32, #tpu.memory_space<vmem>> -> memref<128xi32, #tpu.memory_space<vmem>>
    %dma_start3A_35 = tpu.memref_slice %arg4[%mul3A_29] : memref<163840xi32, #tpu.memory_space<hbm>> -> memref<128xi32, #tpu.memory_space<hbm>>
    %dma_start3A_36 = tpu.memref_slice %arg11[%dma_start3A_31] : memref<2x!tpu.dma_semaphore, #tpu.memory_space<semaphore_mem>> -> memref<1x!tpu.dma_semaphore, #tpu.memory_space<semaphore_mem>>
    %dma_start3A_37 = tpu.memref_squeeze %dma_start3A_36 : memref<1x!tpu.dma_semaphore, #tpu.memory_space<semaphore_mem>> -> memref<!tpu.dma_semaphore, #tpu.memory_space<semaphore_mem>>
    %dma_start3A_38 = arith.constant 0 : i32
    %dma_start3A_39 = tpu.memref_slice %arg8[%dma_start3A_30, %dma_start3A_38] : memref<2x128xi32, #tpu.memory_space<vmem>> -> memref<1x128xi32, #tpu.memory_space<vmem>>
    %dma_start3A_40 = tpu.memref_squeeze %dma_start3A_39 : memref<1x128xi32, #tpu.memory_space<vmem>> -> memref<128xi32, #tpu.memory_space<vmem>>
    %dma_start3A_41 = tpu.memref_slice %arg4[%mul3A_29] : memref<163840xi32, #tpu.memory_space<hbm>> -> memref<128xi32, #tpu.memory_space<hbm>>
    tpu.enqueue_dma source(%dma_start3A_41 : memref<128xi32, #tpu.memory_space<hbm>>) target(%dma_start3A_40 : memref<128xi32, #tpu.memory_space<vmem>>) target_semaphore(%dma_start3A_37 : memref<!tpu.dma_semaphore, #tpu.memory_space<semaphore_mem>>)
    %dma_start3A_42 = arith.constant 1 : i32
    %dma_start3A_43 = arith.constant 1 : i32
    %dma_start3A_44 = arith.constant 1 : i32
    %dma_start3A_45 = arith.constant 0 : i32
    %dma_start3A_46 = arith.constant 0 : i32
    %dma_start3A_47 = tpu.memref_slice %arg9[%dma_start3A_43, %dma_start3A_45, %dma_start3A_46] : memref<2x128x128xf32, #tpu.memory_space<vmem>> -> memref<1x128x128xf32, #tpu.memory_space<vmem>>
    %dma_start3A_48 = tpu.memref_squeeze %dma_start3A_47 : memref<1x128x128xf32, #tpu.memory_space<vmem>> -> memref<128x128xf32, #tpu.memory_space<vmem>>
    %dma_start3A_49 = arith.constant 0 : i32
    %dma_start3A_50 = tpu.memref_slice %arg7[%dma_start3A_42, %dma_start3A_49] : memref<80x128xi32, #tpu.memory_space<vmem>> -> memref<1x128xi32, #tpu.memory_space<vmem>>
    %dma_start3A_51 = tpu.memref_squeeze %dma_start3A_50 : memref<1x128xi32, #tpu.memory_space<vmem>> -> memref<128xi32, #tpu.memory_space<vmem>>
    %dma_start3A_52 = arith.constant 0 : i32
    %dma_start3A_53 = arith.constant 0 : i32
    %dma_start3A_54 = tpu.memref_slice %arg2[%dma_start3A_52, %dma_start3A_53] : memref<20480x128xf32, #tpu.memory_space<hbm>> -> memref<20480x128xf32, #tpu.memory_space<hbm>>
    %dma_start3A_55 = tpu.memref_slice %arg10[%dma_start3A_44] : memref<2x!tpu.dma_semaphore, #tpu.memory_space<semaphore_mem>> -> memref<1x!tpu.dma_semaphore, #tpu.memory_space<semaphore_mem>>
    %dma_start3A_56 = tpu.memref_squeeze %dma_start3A_55 : memref<1x!tpu.dma_semaphore, #tpu.memory_space<semaphore_mem>> -> memref<!tpu.dma_semaphore, #tpu.memory_space<semaphore_mem>>
    tpu.enqueue_indirect_dma source(%dma_start3A_54 : memref<20480x128xf32, #tpu.memory_space<hbm>>) target(%dma_start3A_48 : memref<128x128xf32, #tpu.memory_space<vmem>>) offsets(%dma_start3A_51 : memref<128xi32, #tpu.memory_space<vmem>>) semaphore(%dma_start3A_56 : memref<!tpu.dma_semaphore, #tpu.memory_space<semaphore_mem>>)
    %mul3A_57 = arith.constant 80 : i32
    %mul3A_58 = arith.muli %arg1, %mul3A_57 : i32
    %add3A_59 = arith.constant 1 : i32
    %add3A_60 = arith.addi %mul3A_58, %add3A_59 : i32
    %mul3A_61 = arith.constant 128 : i32
    %mul3A_62 = arith.muli %add3A_60, %mul3A_61 : i32
    %dma_start3A_63 = arith.constant 1 : i32
    %dma_start3A_64 = arith.constant 1 : i32
    %dma_start3A_65 = arith.constant 0 : i32
    %dma_start3A_66 = tpu.memref_slice %arg8[%dma_start3A_63, %dma_start3A_65] : memref<2x128xi32, #tpu.memory_space<vmem>> -> memref<1x128xi32, #tpu.memory_space<vmem>>
    %dma_start3A_67 = tpu.memref_squeeze %dma_start3A_66 : memref<1x128xi32, #tpu.memory_space<vmem>> -> memref<128xi32, #tpu.memory_space<vmem>>
    %dma_start3A_68 = tpu.memref_slice %arg4[%mul3A_62] : memref<163840xi32, #tpu.memory_space<hbm>> -> memref<128xi32, #tpu.memory_space<hbm>>
    %dma_start3A_69 = tpu.memref_slice %arg11[%dma_start3A_64] : memref<2x!tpu.dma_semaphore, #tpu.memory_space<semaphore_mem>> -> memref<1x!tpu.dma_semaphore, #tpu.memory_space<semaphore_mem>>
    %dma_start3A_70 = tpu.memref_squeeze %dma_start3A_69 : memref<1x!tpu.dma_semaphore, #tpu.memory_space<semaphore_mem>> -> memref<!tpu.dma_semaphore, #tpu.memory_space<semaphore_mem>>
    %dma_start3A_71 = arith.constant 0 : i32
    %dma_start3A_72 = tpu.memref_slice %arg8[%dma_start3A_63, %dma_start3A_71] : memref<2x128xi32, #tpu.memory_space<vmem>> -> memref<1x128xi32, #tpu.memory_space<vmem>>
    %dma_start3A_73 = tpu.memref_squeeze %dma_start3A_72 : memref<1x128xi32, #tpu.memory_space<vmem>> -> memref<128xi32, #tpu.memory_space<vmem>>
    %dma_start3A_74 = tpu.memref_slice %arg4[%mul3A_62] : memref<163840xi32, #tpu.memory_space<hbm>> -> memref<128xi32, #tpu.memory_space<hbm>>
    tpu.enqueue_dma source(%dma_start3A_74 : memref<128xi32, #tpu.memory_space<hbm>>) target(%dma_start3A_73 : memref<128xi32, #tpu.memory_space<vmem>>) target_semaphore(%dma_start3A_70 : memref<!tpu.dma_semaphore, #tpu.memory_space<semaphore_mem>>)
    %scan3A = arith.constant 0 : i32
    %scan3A_75 = arith.constant 40 : i32
    %scan3A_76 = arith.addi %scan3A, %scan3A_75 : i32
    %scan3A_77 = arith.constant 1 : i32
    scf.for %scan3A_87 = %scan3A to %scan3A_76 step %scan3A_77  : i32 {
      %mul3A_88 = arith.constant 1 : i32
      %mul3A_89 = arith.muli %scan3A_87, %mul3A_88 : i32
      %add3A_90 = arith.constant 0 : i32
      %add3A_91 = arith.addi %add3A_90, %mul3A_89 : i32
      %mul3A_92 = arith.constant 2 : i32
      %mul3A_93 = arith.muli %add3A_91, %mul3A_92 : i32
      %add3A_94 = arith.constant 0 : i32
      %add3A_95 = arith.addi %mul3A_93, %add3A_94 : i32
      %dma_wait3A = arith.constant 0 : i32
      %dma_wait3A_96 = arith.constant 0 : i32
      %dma_wait3A_97 = arith.constant 0 : i32
      %dma_wait3A_98 = arith.constant 0 : i32
      %dma_wait3A_99 = tpu.memref_slice %arg9[%dma_wait3A, %dma_wait3A_97, %dma_wait3A_98] : memref<2x128x128xf32, #tpu.memory_space<vmem>> -> memref<1x128x128xf32, #tpu.memory_space<vmem>>
      %dma_wait3A_100 = tpu.memref_squeeze %dma_wait3A_99 : memref<1x128x128xf32, #tpu.memory_space<vmem>> -> memref<128x128xf32, #tpu.memory_space<vmem>>
      %dma_wait3A_101 = arith.constant 0 : i32
      %dma_wait3A_102 = tpu.memref_slice %arg7[%add3A_95, %dma_wait3A_101] : memref<80x128xi32, #tpu.memory_space<vmem>> -> memref<1x128xi32, #tpu.memory_space<vmem>>
      %dma_wait3A_103 = tpu.memref_squeeze %dma_wait3A_102 : memref<1x128xi32, #tpu.memory_space<vmem>> -> memref<128xi32, #tpu.memory_space<vmem>>
      %dma_wait3A_104 = arith.constant 0 : i32
      %dma_wait3A_105 = arith.constant 0 : i32
      %dma_wait3A_106 = tpu.memref_slice %arg2[%dma_wait3A_104, %dma_wait3A_105] : memref<20480x128xf32, #tpu.memory_space<hbm>> -> memref<20480x128xf32, #tpu.memory_space<hbm>>
      %dma_wait3A_107 = tpu.memref_slice %arg10[%dma_wait3A_96] : memref<2x!tpu.dma_semaphore, #tpu.memory_space<semaphore_mem>> -> memref<1x!tpu.dma_semaphore, #tpu.memory_space<semaphore_mem>>
      %dma_wait3A_108 = tpu.memref_squeeze %dma_wait3A_107 : memref<1x!tpu.dma_semaphore, #tpu.memory_space<semaphore_mem>> -> memref<!tpu.dma_semaphore, #tpu.memory_space<semaphore_mem>>
      tpu.wait_indirect_dma semaphore(%dma_wait3A_108 : memref<!tpu.dma_semaphore, #tpu.memory_space<semaphore_mem>>) src(%dma_wait3A_106 : memref<20480x128xf32, #tpu.memory_space<hbm>>) dst(%dma_wait3A_100 : memref<128x128xf32, #tpu.memory_space<vmem>>)
      %mul3A_109 = arith.constant 80 : i32
      %mul3A_110 = arith.muli %arg1, %mul3A_109 : i32
      %add3A_111 = arith.addi %mul3A_110, %add3A_95 : i32
      %mul3A_112 = arith.constant 128 : i32
      %mul3A_113 = arith.muli %add3A_111, %mul3A_112 : i32
      %dma_wait3A_114 = arith.constant 0 : i32
      %dma_wait3A_115 = arith.constant 0 : i32
      %dma_wait3A_116 = arith.constant 0 : i32
      %dma_wait3A_117 = tpu.memref_slice %arg8[%dma_wait3A_114, %dma_wait3A_116] : memref<2x128xi32, #tpu.memory_space<vmem>> -> memref<1x128xi32, #tpu.memory_space<vmem>>
      %dma_wait3A_118 = tpu.memref_squeeze %dma_wait3A_117 : memref<1x128xi32, #tpu.memory_space<vmem>> -> memref<128xi32, #tpu.memory_space<vmem>>
      %dma_wait3A_119 = tpu.memref_slice %arg4[%mul3A_113] : memref<163840xi32, #tpu.memory_space<hbm>> -> memref<128xi32, #tpu.memory_space<hbm>>
      %dma_wait3A_120 = tpu.memref_slice %arg11[%dma_wait3A_115] : memref<2x!tpu.dma_semaphore, #tpu.memory_space<semaphore_mem>> -> memref<1x!tpu.dma_semaphore, #tpu.memory_space<semaphore_mem>>
      %dma_wait3A_121 = tpu.memref_squeeze %dma_wait3A_120 : memref<1x!tpu.dma_semaphore, #tpu.memory_space<semaphore_mem>> -> memref<!tpu.dma_semaphore, #tpu.memory_space<semaphore_mem>>
      %dma_wait3A_122 = arith.constant 0 : i32
      %dma_wait3A_123 = tpu.memref_slice %arg8[%dma_wait3A_114, %dma_wait3A_122] : memref<2x128xi32, #tpu.memory_space<vmem>> -> memref<1x128xi32, #tpu.memory_space<vmem>>
      %dma_wait3A_124 = tpu.memref_squeeze %dma_wait3A_123 : memref<1x128xi32, #tpu.memory_space<vmem>> -> memref<128xi32, #tpu.memory_space<vmem>>
      %dma_wait3A_125 = tpu.memref_slice %arg4[%mul3A_113] : memref<163840xi32, #tpu.memory_space<hbm>> -> memref<128xi32, #tpu.memory_space<hbm>>
      tpu.wait_dma2 semaphore(%dma_wait3A_121 : memref<!tpu.dma_semaphore, #tpu.memory_space<semaphore_mem>>) src(%dma_wait3A_125 : memref<128xi32, #tpu.memory_space<hbm>>) dst(%dma_wait3A_124 : memref<128xi32, #tpu.memory_space<vmem>>)
      %run_scoped3A = arith.constant 0 : i32
      %run_scoped3A_126 = arith.constant 0 : i32
      "tpu.region"() ({
        %run_scoped3A_175 = tpu.sem_alloc : memref<!tpu.dma_semaphore, #tpu.memory_space<semaphore_mem>>
        %dma_start3A_176 = arith.constant 0 : i32
        %dma_start3A_177 = arith.constant 0 : i32
        %dma_start3A_178 = tpu.memref_slice %arg9[%run_scoped3A, %dma_start3A_176, %dma_start3A_177] : memref<2x128x128xf32, #tpu.memory_space<vmem>> -> memref<1x128x128xf32, #tpu.memory_space<vmem>>
        %dma_start3A_179 = tpu.memref_squeeze %dma_start3A_178 : memref<1x128x128xf32, #tpu.memory_space<vmem>> -> memref<128x128xf32, #tpu.memory_space<vmem>>
        %dma_start3A_180 = arith.constant 0 : i32
        %dma_start3A_181 = tpu.memref_slice %arg8[%run_scoped3A_126, %dma_start3A_180] : memref<2x128xi32, #tpu.memory_space<vmem>> -> memref<1x128xi32, #tpu.memory_space<vmem>>
        %dma_start3A_182 = tpu.memref_squeeze %dma_start3A_181 : memref<1x128xi32, #tpu.memory_space<vmem>> -> memref<128xi32, #tpu.memory_space<vmem>>
        %dma_start3A_183 = arith.constant 0 : i32
        %dma_start3A_184 = arith.constant 0 : i32
        %dma_start3A_185 = tpu.memref_slice %arg6[%dma_start3A_183, %dma_start3A_184] : memref<10240x128xf32, #tpu.memory_space<vmem_shared>> -> memref<10240x128xf32, #tpu.memory_space<vmem_shared>>
        tpu.enqueue_indirect_dma source(%dma_start3A_179 : memref<128x128xf32, #tpu.memory_space<vmem>>) target(%dma_start3A_185 : memref<10240x128xf32, #tpu.memory_space<vmem_shared>>) offsets(%dma_start3A_182 : memref<128xi32, #tpu.memory_space<vmem>>) semaphore(%run_scoped3A_175 : memref<!tpu.dma_semaphore, #tpu.memory_space<semaphore_mem>>) {add = true}
        %dma_wait3A_186 = arith.constant 0 : i32
        %dma_wait3A_187 = arith.constant 0 : i32
        %dma_wait3A_188 = tpu.memref_slice %arg9[%run_scoped3A, %dma_wait3A_186, %dma_wait3A_187] : memref<2x128x128xf32, #tpu.memory_space<vmem>> -> memref<1x128x128xf32, #tpu.memory_space<vmem>>
        %dma_wait3A_189 = tpu.memref_squeeze %dma_wait3A_188 : memref<1x128x128xf32, #tpu.memory_space<vmem>> -> memref<128x128xf32, #tpu.memory_space<vmem>>
        %dma_wait3A_190 = arith.constant 0 : i32
        %dma_wait3A_191 = tpu.memref_slice %arg8[%run_scoped3A_126, %dma_wait3A_190] : memref<2x128xi32, #tpu.memory_space<vmem>> -> memref<1x128xi32, #tpu.memory_space<vmem>>
        %dma_wait3A_192 = tpu.memref_squeeze %dma_wait3A_191 : memref<1x128xi32, #tpu.memory_space<vmem>> -> memref<128xi32, #tpu.memory_space<vmem>>
        %dma_wait3A_193 = arith.constant 0 : i32
        %dma_wait3A_194 = arith.constant 0 : i32
        %dma_wait3A_195 = tpu.memref_slice %arg6[%dma_wait3A_193, %dma_wait3A_194] : memref<10240x128xf32, #tpu.memory_space<vmem_shared>> -> memref<10240x128xf32, #tpu.memory_space<vmem_shared>>
        tpu.wait_indirect_dma semaphore(%run_scoped3A_175 : memref<!tpu.dma_semaphore, #tpu.memory_space<semaphore_mem>>) src(%dma_wait3A_189 : memref<128x128xf32, #tpu.memory_space<vmem>>) dst(%dma_wait3A_195 : memref<10240x128xf32, #tpu.memory_space<vmem_shared>>)
        tpu.yield
      }) : () -> ()
      %add3A_127 = arith.constant 2 : i32
      %add3A_128 = arith.addi %add3A_95, %add3A_127 : i32
      %lt3A = arith.constant 80 : i32
      %lt3A_129 = arith.cmpi slt, %add3A_128, %lt3A : i32
      %convert_element_type3A = arith.extui %lt3A_129 : i1 to i32
      %cond3A = arith.constant 0 : i32
      %cond3A_130 = arith.cmpi ne, %convert_element_type3A, %cond3A : i32
      scf.if %cond3A_130 {
        %dma_start3A_175 = arith.constant 0 : i32
        %dma_start3A_176 = arith.constant 0 : i32
        %dma_start3A_177 = arith.constant 0 : i32
        %dma_start3A_178 = arith.constant 0 : i32
        %dma_start3A_179 = tpu.memref_slice %arg9[%dma_start3A_175, %dma_start3A_177, %dma_start3A_178] : memref<2x128x128xf32, #tpu.memory_space<vmem>> -> memref<1x128x128xf32, #tpu.memory_space<vmem>>
        %dma_start3A_180 = tpu.memref_squeeze %dma_start3A_179 : memref<1x128x128xf32, #tpu.memory_space<vmem>> -> memref<128x128xf32, #tpu.memory_space<vmem>>
        %dma_start3A_181 = arith.constant 0 : i32
        %dma_start3A_182 = tpu.memref_slice %arg7[%add3A_128, %dma_start3A_181] : memref<80x128xi32, #tpu.memory_space<vmem>> -> memref<1x128xi32, #tpu.memory_space<vmem>>
        %dma_start3A_183 = tpu.memref_squeeze %dma_start3A_182 : memref<1x128xi32, #tpu.memory_space<vmem>> -> memref<128xi32, #tpu.memory_space<vmem>>
        %dma_start3A_184 = arith.constant 0 : i32
        %dma_start3A_185 = arith.constant 0 : i32
        %dma_start3A_186 = tpu.memref_slice %arg2[%dma_start3A_184, %dma_start3A_185] : memref<20480x128xf32, #tpu.memory_space<hbm>> -> memref<20480x128xf32, #tpu.memory_space<hbm>>
        %dma_start3A_187 = tpu.memref_slice %arg10[%dma_start3A_176] : memref<2x!tpu.dma_semaphore, #tpu.memory_space<semaphore_mem>> -> memref<1x!tpu.dma_semaphore, #tpu.memory_space<semaphore_mem>>
        %dma_start3A_188 = tpu.memref_squeeze %dma_start3A_187 : memref<1x!tpu.dma_semaphore, #tpu.memory_space<semaphore_mem>> -> memref<!tpu.dma_semaphore, #tpu.memory_space<semaphore_mem>>
        tpu.enqueue_indirect_dma source(%dma_start3A_186 : memref<20480x128xf32, #tpu.memory_space<hbm>>) target(%dma_start3A_180 : memref<128x128xf32, #tpu.memory_space<vmem>>) offsets(%dma_start3A_183 : memref<128xi32, #tpu.memory_space<vmem>>) semaphore(%dma_start3A_188 : memref<!tpu.dma_semaphore, #tpu.memory_space<semaphore_mem>>)
        %mul3A_189 = arith.constant 80 : i32
        %mul3A_190 = arith.muli %arg1, %mul3A_189 : i32
        %add3A_191 = arith.addi %mul3A_190, %add3A_128 : i32
        %mul3A_192 = arith.constant 128 : i32
        %mul3A_193 = arith.muli %add3A_191, %mul3A_192 : i32
        %dma_start3A_194 = arith.constant 0 : i32
        %dma_start3A_195 = arith.constant 0 : i32
        %dma_start3A_196 = arith.constant 0 : i32
        %dma_start3A_197 = tpu.memref_slice %arg8[%dma_start3A_194, %dma_start3A_196] : memref<2x128xi32, #tpu.memory_space<vmem>> -> memref<1x128xi32, #tpu.memory_space<vmem>>
        %dma_start3A_198 = tpu.memref_squeeze %dma_start3A_197 : memref<1x128xi32, #tpu.memory_space<vmem>> -> memref<128xi32, #tpu.memory_space<vmem>>
        %dma_start3A_199 = tpu.memref_slice %arg4[%mul3A_193] : memref<163840xi32, #tpu.memory_space<hbm>> -> memref<128xi32, #tpu.memory_space<hbm>>
        %dma_start3A_200 = tpu.memref_slice %arg11[%dma_start3A_195] : memref<2x!tpu.dma_semaphore, #tpu.memory_space<semaphore_mem>> -> memref<1x!tpu.dma_semaphore, #tpu.memory_space<semaphore_mem>>
        %dma_start3A_201 = tpu.memref_squeeze %dma_start3A_200 : memref<1x!tpu.dma_semaphore, #tpu.memory_space<semaphore_mem>> -> memref<!tpu.dma_semaphore, #tpu.memory_space<semaphore_mem>>
        %dma_start3A_202 = arith.constant 0 : i32
        %dma_start3A_203 = tpu.memref_slice %arg8[%dma_start3A_194, %dma_start3A_202] : memref<2x128xi32, #tpu.memory_space<vmem>> -> memref<1x128xi32, #tpu.memory_space<vmem>>
        %dma_start3A_204 = tpu.memref_squeeze %dma_start3A_203 : memref<1x128xi32, #tpu.memory_space<vmem>> -> memref<128xi32, #tpu.memory_space<vmem>>
        %dma_start3A_205 = tpu.memref_slice %arg4[%mul3A_193] : memref<163840xi32, #tpu.memory_space<hbm>> -> memref<128xi32, #tpu.memory_space<hbm>>
        tpu.enqueue_dma source(%dma_start3A_205 : memref<128xi32, #tpu.memory_space<hbm>>) target(%dma_start3A_204 : memref<128xi32, #tpu.memory_space<vmem>>) target_semaphore(%dma_start3A_201 : memref<!tpu.dma_semaphore, #tpu.memory_space<semaphore_mem>>)
      } else {
      }
      %mul3A_131 = arith.constant 2 : i32
      %mul3A_132 = arith.muli %add3A_91, %mul3A_131 : i32
      %add3A_133 = arith.constant 1 : i32
      %add3A_134 = arith.addi %mul3A_132, %add3A_133 : i32
      %dma_wait3A_135 = arith.constant 1 : i32
      %dma_wait3A_136 = arith.constant 1 : i32
      %dma_wait3A_137 = arith.constant 0 : i32
      %dma_wait3A_138 = arith.constant 0 : i32
      %dma_wait3A_139 = tpu.memref_slice %arg9[%dma_wait3A_135, %dma_wait3A_137, %dma_wait3A_138] : memref<2x128x128xf32, #tpu.memory_space<vmem>> -> memref<1x128x128xf32, #tpu.memory_space<vmem>>
      %dma_wait3A_140 = tpu.memref_squeeze %dma_wait3A_139 : memref<1x128x128xf32, #tpu.memory_space<vmem>> -> memref<128x128xf32, #tpu.memory_space<vmem>>
      %dma_wait3A_141 = arith.constant 0 : i32
      %dma_wait3A_142 = tpu.memref_slice %arg7[%add3A_134, %dma_wait3A_141] : memref<80x128xi32, #tpu.memory_space<vmem>> -> memref<1x128xi32, #tpu.memory_space<vmem>>
      %dma_wait3A_143 = tpu.memref_squeeze %dma_wait3A_142 : memref<1x128xi32, #tpu.memory_space<vmem>> -> memref<128xi32, #tpu.memory_space<vmem>>
      %dma_wait3A_144 = arith.constant 0 : i32
      %dma_wait3A_145 = arith.constant 0 : i32
      %dma_wait3A_146 = tpu.memref_slice %arg2[%dma_wait3A_144, %dma_wait3A_145] : memref<20480x128xf32, #tpu.memory_space<hbm>> -> memref<20480x128xf32, #tpu.memory_space<hbm>>
      %dma_wait3A_147 = tpu.memref_slice %arg10[%dma_wait3A_136] : memref<2x!tpu.dma_semaphore, #tpu.memory_space<semaphore_mem>> -> memref<1x!tpu.dma_semaphore, #tpu.memory_space<semaphore_mem>>
      %dma_wait3A_148 = tpu.memref_squeeze %dma_wait3A_147 : memref<1x!tpu.dma_semaphore, #tpu.memory_space<semaphore_mem>> -> memref<!tpu.dma_semaphore, #tpu.memory_space<semaphore_mem>>
      tpu.wait_indirect_dma semaphore(%dma_wait3A_148 : memref<!tpu.dma_semaphore, #tpu.memory_space<semaphore_mem>>) src(%dma_wait3A_146 : memref<20480x128xf32, #tpu.memory_space<hbm>>) dst(%dma_wait3A_140 : memref<128x128xf32, #tpu.memory_space<vmem>>)
      %mul3A_149 = arith.constant 80 : i32
      %mul3A_150 = arith.muli %arg1, %mul3A_149 : i32
      %add3A_151 = arith.addi %mul3A_150, %add3A_134 : i32
      %mul3A_152 = arith.constant 128 : i32
      %mul3A_153 = arith.muli %add3A_151, %mul3A_152 : i32
      %dma_wait3A_154 = arith.constant 1 : i32
      %dma_wait3A_155 = arith.constant 1 : i32
      %dma_wait3A_156 = arith.constant 0 : i32
      %dma_wait3A_157 = tpu.memref_slice %arg8[%dma_wait3A_154, %dma_wait3A_156] : memref<2x128xi32, #tpu.memory_space<vmem>> -> memref<1x128xi32, #tpu.memory_space<vmem>>
      %dma_wait3A_158 = tpu.memref_squeeze %dma_wait3A_157 : memref<1x128xi32, #tpu.memory_space<vmem>> -> memref<128xi32, #tpu.memory_space<vmem>>
      %dma_wait3A_159 = tpu.memref_slice %arg4[%mul3A_153] : memref<163840xi32, #tpu.memory_space<hbm>> -> memref<128xi32, #tpu.memory_space<hbm>>
      %dma_wait3A_160 = tpu.memref_slice %arg11[%dma_wait3A_155] : memref<2x!tpu.dma_semaphore, #tpu.memory_space<semaphore_mem>> -> memref<1x!tpu.dma_semaphore, #tpu.memory_space<semaphore_mem>>
      %dma_wait3A_161 = tpu.memref_squeeze %dma_wait3A_160 : memref<1x!tpu.dma_semaphore, #tpu.memory_space<semaphore_mem>> -> memref<!tpu.dma_semaphore, #tpu.memory_space<semaphore_mem>>
      %dma_wait3A_162 = arith.constant 0 : i32
      %dma_wait3A_163 = tpu.memref_slice %arg8[%dma_wait3A_154, %dma_wait3A_162] : memref<2x128xi32, #tpu.memory_space<vmem>> -> memref<1x128xi32, #tpu.memory_space<vmem>>
      %dma_wait3A_164 = tpu.memref_squeeze %dma_wait3A_163 : memref<1x128xi32, #tpu.memory_space<vmem>> -> memref<128xi32, #tpu.memory_space<vmem>>
      %dma_wait3A_165 = tpu.memref_slice %arg4[%mul3A_153] : memref<163840xi32, #tpu.memory_space<hbm>> -> memref<128xi32, #tpu.memory_space<hbm>>
      tpu.wait_dma2 semaphore(%dma_wait3A_161 : memref<!tpu.dma_semaphore, #tpu.memory_space<semaphore_mem>>) src(%dma_wait3A_165 : memref<128xi32, #tpu.memory_space<hbm>>) dst(%dma_wait3A_164 : memref<128xi32, #tpu.memory_space<vmem>>)
      %run_scoped3A_166 = arith.constant 1 : i32
      %run_scoped3A_167 = arith.constant 1 : i32
      "tpu.region"() ({
        %run_scoped3A_175 = tpu.sem_alloc : memref<!tpu.dma_semaphore, #tpu.memory_space<semaphore_mem>>
        %dma_start3A_176 = arith.constant 0 : i32
        %dma_start3A_177 = arith.constant 0 : i32
        %dma_start3A_178 = tpu.memref_slice %arg9[%run_scoped3A_166, %dma_start3A_176, %dma_start3A_177] : memref<2x128x128xf32, #tpu.memory_space<vmem>> -> memref<1x128x128xf32, #tpu.memory_space<vmem>>
        %dma_start3A_179 = tpu.memref_squeeze %dma_start3A_178 : memref<1x128x128xf32, #tpu.memory_space<vmem>> -> memref<128x128xf32, #tpu.memory_space<vmem>>
        %dma_start3A_180 = arith.constant 0 : i32
        %dma_start3A_181 = tpu.memref_slice %arg8[%run_scoped3A_167, %dma_start3A_180] : memref<2x128xi32, #tpu.memory_space<vmem>> -> memref<1x128xi32, #tpu.memory_space<vmem>>
        %dma_start3A_182 = tpu.memref_squeeze %dma_start3A_181 : memref<1x128xi32, #tpu.memory_space<vmem>> -> memref<128xi32, #tpu.memory_space<vmem>>
        %dma_start3A_183 = arith.constant 0 : i32
        %dma_start3A_184 = arith.constant 0 : i32
        %dma_start3A_185 = tpu.memref_slice %arg6[%dma_start3A_183, %dma_start3A_184] : memref<10240x128xf32, #tpu.memory_space<vmem_shared>> -> memref<10240x128xf32, #tpu.memory_space<vmem_shared>>
        tpu.enqueue_indirect_dma source(%dma_start3A_179 : memref<128x128xf32, #tpu.memory_space<vmem>>) target(%dma_start3A_185 : memref<10240x128xf32, #tpu.memory_space<vmem_shared>>) offsets(%dma_start3A_182 : memref<128xi32, #tpu.memory_space<vmem>>) semaphore(%run_scoped3A_175 : memref<!tpu.dma_semaphore, #tpu.memory_space<semaphore_mem>>) {add = true}
        %dma_wait3A_186 = arith.constant 0 : i32
        %dma_wait3A_187 = arith.constant 0 : i32
        %dma_wait3A_188 = tpu.memref_slice %arg9[%run_scoped3A_166, %dma_wait3A_186, %dma_wait3A_187] : memref<2x128x128xf32, #tpu.memory_space<vmem>> -> memref<1x128x128xf32, #tpu.memory_space<vmem>>
        %dma_wait3A_189 = tpu.memref_squeeze %dma_wait3A_188 : memref<1x128x128xf32, #tpu.memory_space<vmem>> -> memref<128x128xf32, #tpu.memory_space<vmem>>
        %dma_wait3A_190 = arith.constant 0 : i32
        %dma_wait3A_191 = tpu.memref_slice %arg8[%run_scoped3A_167, %dma_wait3A_190] : memref<2x128xi32, #tpu.memory_space<vmem>> -> memref<1x128xi32, #tpu.memory_space<vmem>>
        %dma_wait3A_192 = tpu.memref_squeeze %dma_wait3A_191 : memref<1x128xi32, #tpu.memory_space<vmem>> -> memref<128xi32, #tpu.memory_space<vmem>>
        %dma_wait3A_193 = arith.constant 0 : i32
        %dma_wait3A_194 = arith.constant 0 : i32
        %dma_wait3A_195 = tpu.memref_slice %arg6[%dma_wait3A_193, %dma_wait3A_194] : memref<10240x128xf32, #tpu.memory_space<vmem_shared>> -> memref<10240x128xf32, #tpu.memory_space<vmem_shared>>
        tpu.wait_indirect_dma semaphore(%run_scoped3A_175 : memref<!tpu.dma_semaphore, #tpu.memory_space<semaphore_mem>>) src(%dma_wait3A_189 : memref<128x128xf32, #tpu.memory_space<vmem>>) dst(%dma_wait3A_195 : memref<10240x128xf32, #tpu.memory_space<vmem_shared>>)
        tpu.yield
      }) : () -> ()
      %add3A_168 = arith.constant 2 : i32
      %add3A_169 = arith.addi %add3A_134, %add3A_168 : i32
      %lt3A_170 = arith.constant 80 : i32
      %lt3A_171 = arith.cmpi slt, %add3A_169, %lt3A_170 : i32
      %convert_element_type3A_172 = arith.extui %lt3A_171 : i1 to i32
      %cond3A_173 = arith.constant 0 : i32
      %cond3A_174 = arith.cmpi ne, %convert_element_type3A_172, %cond3A_173 : i32
      scf.if %cond3A_174 {
        %dma_start3A_175 = arith.constant 1 : i32
        %dma_start3A_176 = arith.constant 1 : i32
        %dma_start3A_177 = arith.constant 0 : i32
        %dma_start3A_178 = arith.constant 0 : i32
        %dma_start3A_179 = tpu.memref_slice %arg9[%dma_start3A_175, %dma_start3A_177, %dma_start3A_178] : memref<2x128x128xf32, #tpu.memory_space<vmem>> -> memref<1x128x128xf32, #tpu.memory_space<vmem>>
        %dma_start3A_180 = tpu.memref_squeeze %dma_start3A_179 : memref<1x128x128xf32, #tpu.memory_space<vmem>> -> memref<128x128xf32, #tpu.memory_space<vmem>>
        %dma_start3A_181 = arith.constant 0 : i32
        %dma_start3A_182 = tpu.memref_slice %arg7[%add3A_169, %dma_start3A_181] : memref<80x128xi32, #tpu.memory_space<vmem>> -> memref<1x128xi32, #tpu.memory_space<vmem>>
        %dma_start3A_183 = tpu.memref_squeeze %dma_start3A_182 : memref<1x128xi32, #tpu.memory_space<vmem>> -> memref<128xi32, #tpu.memory_space<vmem>>
        %dma_start3A_184 = arith.constant 0 : i32
        %dma_start3A_185 = arith.constant 0 : i32
        %dma_start3A_186 = tpu.memref_slice %arg2[%dma_start3A_184, %dma_start3A_185] : memref<20480x128xf32, #tpu.memory_space<hbm>> -> memref<20480x128xf32, #tpu.memory_space<hbm>>
        %dma_start3A_187 = tpu.memref_slice %arg10[%dma_start3A_176] : memref<2x!tpu.dma_semaphore, #tpu.memory_space<semaphore_mem>> -> memref<1x!tpu.dma_semaphore, #tpu.memory_space<semaphore_mem>>
        %dma_start3A_188 = tpu.memref_squeeze %dma_start3A_187 : memref<1x!tpu.dma_semaphore, #tpu.memory_space<semaphore_mem>> -> memref<!tpu.dma_semaphore, #tpu.memory_space<semaphore_mem>>
        tpu.enqueue_indirect_dma source(%dma_start3A_186 : memref<20480x128xf32, #tpu.memory_space<hbm>>) target(%dma_start3A_180 : memref<128x128xf32, #tpu.memory_space<vmem>>) offsets(%dma_start3A_183 : memref<128xi32, #tpu.memory_space<vmem>>) semaphore(%dma_start3A_188 : memref<!tpu.dma_semaphore, #tpu.memory_space<semaphore_mem>>)
        %mul3A_189 = arith.constant 80 : i32
        %mul3A_190 = arith.muli %arg1, %mul3A_189 : i32
        %add3A_191 = arith.addi %mul3A_190, %add3A_169 : i32
        %mul3A_192 = arith.constant 128 : i32
        %mul3A_193 = arith.muli %add3A_191, %mul3A_192 : i32
        %dma_start3A_194 = arith.constant 1 : i32
        %dma_start3A_195 = arith.constant 1 : i32
        %dma_start3A_196 = arith.constant 0 : i32
        %dma_start3A_197 = tpu.memref_slice %arg8[%dma_start3A_194, %dma_start3A_196] : memref<2x128xi32, #tpu.memory_space<vmem>> -> memref<1x128xi32, #tpu.memory_space<vmem>>
        %dma_start3A_198 = tpu.memref_squeeze %dma_start3A_197 : memref<1x128xi32, #tpu.memory_space<vmem>> -> memref<128xi32, #tpu.memory_space<vmem>>
        %dma_start3A_199 = tpu.memref_slice %arg4[%mul3A_193] : memref<163840xi32, #tpu.memory_space<hbm>> -> memref<128xi32, #tpu.memory_space<hbm>>
        %dma_start3A_200 = tpu.memref_slice %arg11[%dma_start3A_195] : memref<2x!tpu.dma_semaphore, #tpu.memory_space<semaphore_mem>> -> memref<1x!tpu.dma_semaphore, #tpu.memory_space<semaphore_mem>>
        %dma_start3A_201 = tpu.memref_squeeze %dma_start3A_200 : memref<1x!tpu.dma_semaphore, #tpu.memory_space<semaphore_mem>> -> memref<!tpu.dma_semaphore, #tpu.memory_space<semaphore_mem>>
        %dma_start3A_202 = arith.constant 0 : i32
        %dma_start3A_203 = tpu.memref_slice %arg8[%dma_start3A_194, %dma_start3A_202] : memref<2x128xi32, #tpu.memory_space<vmem>> -> memref<1x128xi32, #tpu.memory_space<vmem>>
        %dma_start3A_204 = tpu.memref_squeeze %dma_start3A_203 : memref<1x128xi32, #tpu.memory_space<vmem>> -> memref<128xi32, #tpu.memory_space<vmem>>
        %dma_start3A_205 = tpu.memref_slice %arg4[%mul3A_193] : memref<163840xi32, #tpu.memory_space<hbm>> -> memref<128xi32, #tpu.memory_space<hbm>>
        tpu.enqueue_dma source(%dma_start3A_205 : memref<128xi32, #tpu.memory_space<hbm>>) target(%dma_start3A_204 : memref<128xi32, #tpu.memory_space<vmem>>) target_semaphore(%dma_start3A_201 : memref<!tpu.dma_semaphore, #tpu.memory_space<semaphore_mem>>)
      } else {
      }
    }
    %scan3A_78 = arith.constant 40 : i32
    %barrier3A_79 = arith.constant 0 : index
    tpu.barrier barrier_id(%barrier3A_79)
    %mul3A_80 = arith.constant 640 : i32
    %mul3A_81 = arith.muli %arg1, %mul3A_80 : i32
    %mul3A_82 = arith.constant 10240 : i32
    %mul3A_83 = arith.muli %arg0, %mul3A_82 : i32
    %mul3A_84 = arith.constant 640 : i32
    %mul3A_85 = arith.muli %arg1, %mul3A_84 : i32
    %add3A_86 = arith.addi %mul3A_83, %mul3A_85 : i32
    "tpu.region"() ({
      %run_scoped3A = tpu.sem_alloc : memref<!tpu.dma_semaphore, #tpu.memory_space<semaphore_mem>>
      %dma_start3A_87 = arith.constant 0 : i32
      %dma_start3A_88 = tpu.memref_slice %arg5[%add3A_86, %dma_start3A_87] : memref<20480x128xf32, #tpu.memory_space<hbm>> -> memref<640x128xf32, #tpu.memory_space<hbm>>
      %dma_start3A_89 = arith.constant 0 : i32
      %dma_start3A_90 = tpu.memref_slice %arg6[%mul3A_81, %dma_start3A_89] : memref<10240x128xf32, #tpu.memory_space<vmem_shared>> -> memref<640x128xf32, #tpu.memory_space<vmem_shared>>
      tpu.enqueue_dma source(%dma_start3A_90 : memref<640x128xf32, #tpu.memory_space<vmem_shared>>) target(%dma_start3A_88 : memref<640x128xf32, #tpu.memory_space<hbm>>) target_semaphore(%run_scoped3A : memref<!tpu.dma_semaphore, #tpu.memory_space<semaphore_mem>>)
      %dma_wait3A = arith.constant 0 : i32
      %dma_wait3A_91 = tpu.memref_slice %arg5[%add3A_86, %dma_wait3A] : memref<20480x128xf32, #tpu.memory_space<hbm>> -> memref<640x128xf32, #tpu.memory_space<hbm>>
      %dma_wait3A_92 = arith.constant 0 : i32
      %dma_wait3A_93 = tpu.memref_slice %arg6[%mul3A_81, %dma_wait3A_92] : memref<10240x128xf32, #tpu.memory_space<vmem_shared>> -> memref<640x128xf32, #tpu.memory_space<vmem_shared>>
      tpu.wait_dma2 semaphore(%run_scoped3A : memref<!tpu.dma_semaphore, #tpu.memory_space<semaphore_mem>>) src(%dma_wait3A_93 : memref<640x128xf32, #tpu.memory_space<vmem_shared>>) dst(%dma_wait3A_91 : memref<640x128xf32, #tpu.memory_space<hbm>>)
      tpu.yield
    }) : () -> ()
    return
  }
}

#map = affine_map<(d0, d1) -> (0, 0)>
module attributes {stable_mosaic.version = 14 : i64} {
  func.func @_sc_deg(%arg0: i32, %arg1: i32, %arg2: memref<1280x128xi32, #tpu.memory_space<hbm>>, %arg3: memref<20480x16xf32, #tpu.memory_space<hbm>>, %arg4: memref<10240x16xf32, #tpu.memory_space<vmem_shared>>, %arg5: memref<640x16xf32, #tpu.memory_space<vmem>>, %arg6: memref<128x16xf32, #tpu.memory_space<vmem>>, %arg7: memref<40x128xi32, #tpu.memory_space<vmem>>, %arg8: memref<!tpu.dma_semaphore, #tpu.memory_space<semaphore_mem>>) attributes {dimension_semantics = [#tpu.dimension_semantics<core_parallel>, #tpu.dimension_semantics<subcore_parallel>], iteration_bounds = array<i64: 2, 16>, scalar_prefetch = 0 : i64, scratch_operands = 5 : i64, tpu.core_type = #tpu.core_type<sc_vector_subcore>, window_params = [{transform_indices = #map}, {transform_indices = #map}]} {
    %broadcast_in_dim3A = arith.constant 0.000000e+00 : f32
    %broadcast_in_dim3A_0 = vector.broadcast %broadcast_in_dim3A : f32 to vector<16xf32>
    %iota3A = tpu.iota {dimensions = array<i32: 0>} : vector<16xi32>
    %eq3A = arith.constant 0 : i32
    %eq3A_1 = vector.broadcast %eq3A : i32 to vector<16xi32>
    %eq3A_2 = arith.cmpi eq, %iota3A, %eq3A_1 : vector<16xi32>
    %jit3A = arith.constant 1.000000e+00 : f32
    %jit3A_3 = arith.constant 0.000000e+00 : f32
    %broadcast_in_dim3A_4 = vector.broadcast %jit3A : f32 to vector<16xf32>
    %broadcast_in_dim3A_5 = vector.broadcast %jit3A_3 : f32 to vector<16xf32>
    %select_n3A = arith.select %eq3A_2, %broadcast_in_dim3A_4, %broadcast_in_dim3A_5 : vector<16xi1>, vector<16xf32>
    %scan3A = arith.constant 0 : i32
    %scan3A_6 = arith.constant 640 : i32
    %scan3A_7 = arith.addi %scan3A, %scan3A_6 : i32
    %scan3A_8 = arith.constant 1 : i32
    scf.for %scan3A_38 = %scan3A to %scan3A_7 step %scan3A_8  : i32 {
      %mul3A_39 = arith.constant 1 : i32
      %mul3A_40 = arith.muli %scan3A_38, %mul3A_39 : i32
      %add3A_41 = arith.constant 0 : i32
      %add3A_42 = arith.addi %add3A_41, %mul3A_40 : i32
      %swap3A = arith.index_cast %add3A_42 : i32 to index
      %swap3A_43 = arith.constant 0 : index
      %swap3A_44 = tpu.vector_load %arg5[%swap3A, %swap3A_43] {strides = array<i32>} : memref<640x16xf32, #tpu.memory_space<vmem>>, vector<1x16xf32>,
      %swap3A_45 = vector.shape_cast %swap3A_44 : vector<1x16xf32> to vector<16xf32>
      %swap3A_46 = vector.shape_cast %broadcast_in_dim3A_0 : vector<16xf32> to vector<1x16xf32>
      tpu.vector_store %arg5[%swap3A, %swap3A_43], %swap3A_46 {strides = array<i32>} : memref<640x16xf32, #tpu.memory_space<vmem>>, vector<1x16xf32>,
    }
    %scan3A_9 = arith.constant 640 : i32
    %scan3A_10 = arith.constant 0 : i32
    %scan3A_11 = arith.constant 128 : i32
    %scan3A_12 = arith.addi %scan3A_10, %scan3A_11 : i32
    %scan3A_13 = arith.constant 1 : i32
    scf.for %scan3A_38 = %scan3A_10 to %scan3A_12 step %scan3A_13  : i32 {
      %mul3A_39 = arith.constant 1 : i32
      %mul3A_40 = arith.muli %scan3A_38, %mul3A_39 : i32
      %add3A_41 = arith.constant 0 : i32
      %add3A_42 = arith.addi %add3A_41, %mul3A_40 : i32
      %swap3A = arith.index_cast %add3A_42 : i32 to index
      %swap3A_43 = arith.constant 0 : index
      %swap3A_44 = tpu.vector_load %arg6[%swap3A, %swap3A_43] {strides = array<i32>} : memref<128x16xf32, #tpu.memory_space<vmem>>, vector<1x16xf32>,
      %swap3A_45 = vector.shape_cast %swap3A_44 : vector<1x16xf32> to vector<16xf32>
      %swap3A_46 = vector.shape_cast %select_n3A : vector<16xf32> to vector<1x16xf32>
      tpu.vector_store %arg6[%swap3A, %swap3A_43], %swap3A_46 {strides = array<i32>} : memref<128x16xf32, #tpu.memory_space<vmem>>, vector<1x16xf32>,
    }
    %scan3A_14 = arith.constant 128 : i32
    %mul3A = arith.constant 16 : i32
    %mul3A_15 = arith.muli %arg0, %mul3A : i32
    %add3A = arith.addi %mul3A_15, %arg1 : i32
    %mul3A_16 = arith.constant 40 : i32
    %mul3A_17 = arith.muli %add3A, %mul3A_16 : i32
    "tpu.region"() ({
      %run_scoped3A = tpu.sem_alloc : memref<!tpu.dma_semaphore, #tpu.memory_space<semaphore_mem>>
      %dma_start3A = arith.constant 0 : i32
      %dma_start3A_38 = tpu.memref_slice %arg2[%mul3A_17, %dma_start3A] : memref<1280x128xi32, #tpu.memory_space<hbm>> -> memref<40x128xi32, #tpu.memory_space<hbm>>
      %dma_start3A_39 = arith.constant 0 : i32
      %dma_start3A_40 = tpu.memref_slice %arg2[%mul3A_17, %dma_start3A_39] : memref<1280x128xi32, #tpu.memory_space<hbm>> -> memref<40x128xi32, #tpu.memory_space<hbm>>
      tpu.enqueue_dma source(%dma_start3A_40 : memref<40x128xi32, #tpu.memory_space<hbm>>) target(%arg7 : memref<40x128xi32, #tpu.memory_space<vmem>>) target_semaphore(%run_scoped3A : memref<!tpu.dma_semaphore, #tpu.memory_space<semaphore_mem>>)
      %dma_wait3A = arith.constant 0 : i32
      %dma_wait3A_41 = tpu.memref_slice %arg2[%mul3A_17, %dma_wait3A] : memref<1280x128xi32, #tpu.memory_space<hbm>> -> memref<40x128xi32, #tpu.memory_space<hbm>>
      %dma_wait3A_42 = arith.constant 0 : i32
      %dma_wait3A_43 = tpu.memref_slice %arg2[%mul3A_17, %dma_wait3A_42] : memref<1280x128xi32, #tpu.memory_space<hbm>> -> memref<40x128xi32, #tpu.memory_space<hbm>>
      tpu.wait_dma2 semaphore(%run_scoped3A : memref<!tpu.dma_semaphore, #tpu.memory_space<semaphore_mem>>) src(%dma_wait3A_43 : memref<40x128xi32, #tpu.memory_space<hbm>>) dst(%arg7 : memref<40x128xi32, #tpu.memory_space<vmem>>)
      tpu.yield
    }) : () -> ()
    %mul3A_18 = arith.constant 640 : i32
    %mul3A_19 = arith.muli %arg1, %mul3A_18 : i32
    "tpu.region"() ({
      %run_scoped3A = tpu.sem_alloc : memref<!tpu.dma_semaphore, #tpu.memory_space<semaphore_mem>>
      %dma_start3A = arith.constant 0 : i32
      %dma_start3A_38 = tpu.memref_slice %arg4[%mul3A_19, %dma_start3A] : memref<10240x16xf32, #tpu.memory_space<vmem_shared>> -> memref<640x16xf32, #tpu.memory_space<vmem_shared>>
      %dma_start3A_39 = arith.constant 0 : i32
      %dma_start3A_40 = tpu.memref_slice %arg4[%mul3A_19, %dma_start3A_39] : memref<10240x16xf32, #tpu.memory_space<vmem_shared>> -> memref<640x16xf32, #tpu.memory_space<vmem_shared>>
      tpu.enqueue_dma source(%arg5 : memref<640x16xf32, #tpu.memory_space<vmem>>) target(%dma_start3A_40 : memref<640x16xf32, #tpu.memory_space<vmem_shared>>) target_semaphore(%run_scoped3A : memref<!tpu.dma_semaphore, #tpu.memory_space<semaphore_mem>>)
      %dma_wait3A = arith.constant 0 : i32
      %dma_wait3A_41 = tpu.memref_slice %arg4[%mul3A_19, %dma_wait3A] : memref<10240x16xf32, #tpu.memory_space<vmem_shared>> -> memref<640x16xf32, #tpu.memory_space<vmem_shared>>
      %dma_wait3A_42 = arith.constant 0 : i32
      %dma_wait3A_43 = tpu.memref_slice %arg4[%mul3A_19, %dma_wait3A_42] : memref<10240x16xf32, #tpu.memory_space<vmem_shared>> -> memref<640x16xf32, #tpu.memory_space<vmem_shared>>
      tpu.wait_dma2 semaphore(%run_scoped3A : memref<!tpu.dma_semaphore, #tpu.memory_space<semaphore_mem>>) src(%arg5 : memref<640x16xf32, #tpu.memory_space<vmem>>) dst(%dma_wait3A_43 : memref<640x16xf32, #tpu.memory_space<vmem_shared>>)
      tpu.yield
    }) : () -> ()
    %barrier3A = arith.constant 0 : index
    tpu.barrier barrier_id(%barrier3A)
    %scan3A_20 = arith.constant 0 : i32
    %scan3A_21 = arith.constant 40 : i32
    %scan3A_22 = arith.addi %scan3A_20, %scan3A_21 : i32
    %scan3A_23 = arith.constant 1 : i32
    scf.for %scan3A_38 = %scan3A_20 to %scan3A_22 step %scan3A_23  : i32 {
      %mul3A_39 = arith.constant 1 : i32
      %mul3A_40 = arith.muli %scan3A_38, %mul3A_39 : i32
      %add3A_41 = arith.constant 0 : i32
      %add3A_42 = arith.addi %add3A_41, %mul3A_40 : i32
      %dma_start3A = arith.constant 0 : i32
      %dma_start3A_43 = tpu.memref_slice %arg7[%add3A_42, %dma_start3A] : memref<40x128xi32, #tpu.memory_space<vmem>> -> memref<1x128xi32, #tpu.memory_space<vmem>>
      %dma_start3A_44 = tpu.memref_squeeze %dma_start3A_43 : memref<1x128xi32, #tpu.memory_space<vmem>> -> memref<128xi32, #tpu.memory_space<vmem>>
      %dma_start3A_45 = arith.constant 0 : i32
      %dma_start3A_46 = arith.constant 0 : i32
      %dma_start3A_47 = tpu.memref_slice %arg4[%dma_start3A_45, %dma_start3A_46] : memref<10240x16xf32, #tpu.memory_space<vmem_shared>> -> memref<10240x16xf32, #tpu.memory_space<vmem_shared>>
      tpu.enqueue_indirect_dma source(%arg6 : memref<128x16xf32, #tpu.memory_space<vmem>>) target(%dma_start3A_47 : memref<10240x16xf32, #tpu.memory_space<vmem_shared>>) offsets(%dma_start3A_44 : memref<128xi32, #tpu.memory_space<vmem>>) semaphore(%arg8 : memref<!tpu.dma_semaphore, #tpu.memory_space<semaphore_mem>>) {add = true}
    }
    %scan3A_24 = arith.constant 40 : i32
    %scan3A_25 = arith.constant 0 : i32
    %scan3A_26 = arith.constant 40 : i32
    %scan3A_27 = arith.addi %scan3A_25, %scan3A_26 : i32
    %scan3A_28 = arith.constant 1 : i32
    scf.for %scan3A_38 = %scan3A_25 to %scan3A_27 step %scan3A_28  : i32 {
      %mul3A_39 = arith.constant 1 : i32
      %mul3A_40 = arith.muli %scan3A_38, %mul3A_39 : i32
      %add3A_41 = arith.constant 0 : i32
      %add3A_42 = arith.addi %add3A_41, %mul3A_40 : i32
      %dma_wait3A = arith.constant 0 : i32
      %dma_wait3A_43 = tpu.memref_slice %arg7[%add3A_42, %dma_wait3A] : memref<40x128xi32, #tpu.memory_space<vmem>> -> memref<1x128xi32, #tpu.memory_space<vmem>>
      %dma_wait3A_44 = tpu.memref_squeeze %dma_wait3A_43 : memref<1x128xi32, #tpu.memory_space<vmem>> -> memref<128xi32, #tpu.memory_space<vmem>>
      %dma_wait3A_45 = arith.constant 0 : i32
      %dma_wait3A_46 = arith.constant 0 : i32
      %dma_wait3A_47 = tpu.memref_slice %arg4[%dma_wait3A_45, %dma_wait3A_46] : memref<10240x16xf32, #tpu.memory_space<vmem_shared>> -> memref<10240x16xf32, #tpu.memory_space<vmem_shared>>
      tpu.wait_indirect_dma semaphore(%arg8 : memref<!tpu.dma_semaphore, #tpu.memory_space<semaphore_mem>>) src(%arg6 : memref<128x16xf32, #tpu.memory_space<vmem>>) dst(%dma_wait3A_47 : memref<10240x16xf32, #tpu.memory_space<vmem_shared>>)
    }
    %scan3A_29 = arith.constant 40 : i32
    %barrier3A_30 = arith.constant 0 : index
    tpu.barrier barrier_id(%barrier3A_30)
    %mul3A_31 = arith.constant 640 : i32
    %mul3A_32 = arith.muli %arg1, %mul3A_31 : i32
    %mul3A_33 = arith.constant 10240 : i32
    %mul3A_34 = arith.muli %arg0, %mul3A_33 : i32
    %mul3A_35 = arith.constant 640 : i32
    %mul3A_36 = arith.muli %arg1, %mul3A_35 : i32
    %add3A_37 = arith.addi %mul3A_34, %mul3A_36 : i32
    "tpu.region"() ({
      %run_scoped3A = tpu.sem_alloc : memref<!tpu.dma_semaphore, #tpu.memory_space<semaphore_mem>>
      %dma_start3A = arith.constant 0 : i32
      %dma_start3A_38 = tpu.memref_slice %arg3[%add3A_37, %dma_start3A] : memref<20480x16xf32, #tpu.memory_space<hbm>> -> memref<640x16xf32, #tpu.memory_space<hbm>>
      %dma_start3A_39 = arith.constant 0 : i32
      %dma_start3A_40 = tpu.memref_slice %arg4[%mul3A_32, %dma_start3A_39] : memref<10240x16xf32, #tpu.memory_space<vmem_shared>> -> memref<640x16xf32, #tpu.memory_space<vmem_shared>>
      tpu.enqueue_dma source(%dma_start3A_40 : memref<640x16xf32, #tpu.memory_space<vmem_shared>>) target(%dma_start3A_38 : memref<640x16xf32, #tpu.memory_space<hbm>>) target_semaphore(%run_scoped3A : memref<!tpu.dma_semaphore, #tpu.memory_space<semaphore_mem>>)
      %dma_wait3A = arith.constant 0 : i32
      %dma_wait3A_41 = tpu.memref_slice %arg3[%add3A_37, %dma_wait3A] : memref<20480x16xf32, #tpu.memory_space<hbm>> -> memref<640x16xf32, #tpu.memory_space<hbm>>
      %dma_wait3A_42 = arith.constant 0 : i32
      %dma_wait3A_43 = tpu.memref_slice %arg4[%mul3A_32, %dma_wait3A_42] : memref<10240x16xf32, #tpu.memory_space<vmem_shared>> -> memref<640x16xf32, #tpu.memory_space<vmem_shared>>
      tpu.wait_dma2 semaphore(%run_scoped3A : memref<!tpu.dma_semaphore, #tpu.memory_space<semaphore_mem>>) src(%dma_wait3A_43 : memref<640x16xf32, #tpu.memory_space<vmem_shared>>) dst(%dma_wait3A_41 : memref<640x16xf32, #tpu.memory_space<hbm>>)
      tpu.yield
    }) : () -> ()
    return
  }
}

#map = affine_map<(d0, d1) -> (0, 0)>
#map1 = affine_map<(d0, d1) -> (0)>
module attributes {stable_mosaic.version = 14 : i64} {
  func.func @_sc_prop(%arg0: i32, %arg1: i32, %arg2: memref<20480x128xf32, #tpu.memory_space<hbm>>, %arg3: memref<2560x128xi32, #tpu.memory_space<hbm>>, %arg4: memref<163840xi32, #tpu.memory_space<hbm>>, %arg5: memref<20480x128xf32, #tpu.memory_space<hbm>>, %arg6: memref<10240x128xf32, #tpu.memory_space<vmem_shared>>, %arg7: memref<80x128xi32, #tpu.memory_space<vmem>>, %arg8: memref<2x128xi32, #tpu.memory_space<vmem>>, %arg9: memref<2x128x128xf32, #tpu.memory_space<vmem>>, %arg10: memref<2x!tpu.dma_semaphore, #tpu.memory_space<semaphore_mem>>, %arg11: memref<2x!tpu.dma_semaphore, #tpu.memory_space<semaphore_mem>>) attributes {dimension_semantics = [#tpu.dimension_semantics<core_parallel>, #tpu.dimension_semantics<subcore_parallel>], iteration_bounds = array<i64: 2, 16>, scalar_prefetch = 0 : i64, scratch_operands = 6 : i64, tpu.core_type = #tpu.core_type<sc_vector_subcore>, window_params = [{transform_indices = #map}, {transform_indices = #map}, {transform_indices = #map1}, {transform_indices = #map}]} {
    %mul3A = arith.constant 10240 : i32
    %mul3A_0 = arith.muli %arg0, %mul3A : i32
    %mul3A_1 = arith.constant 640 : i32
    %mul3A_2 = arith.muli %arg1, %mul3A_1 : i32
    %add3A = arith.addi %mul3A_0, %mul3A_2 : i32
    %mul3A_3 = arith.constant 640 : i32
    %mul3A_4 = arith.muli %arg1, %mul3A_3 : i32
    "tpu.region"() ({
      %run_scoped3A = tpu.sem_alloc : memref<!tpu.dma_semaphore, #tpu.memory_space<semaphore_mem>>
      %dma_start3A_87 = arith.constant 0 : i32
      %dma_start3A_88 = tpu.memref_slice %arg6[%mul3A_4, %dma_start3A_87] : memref<10240x128xf32, #tpu.memory_space<vmem_shared>> -> memref<640x128xf32, #tpu.memory_space<vmem_shared>>
      %dma_start3A_89 = arith.constant 0 : i32
      %dma_start3A_90 = tpu.memref_slice %arg2[%add3A, %dma_start3A_89] : memref<20480x128xf32, #tpu.memory_space<hbm>> -> memref<640x128xf32, #tpu.memory_space<hbm>>
      tpu.enqueue_dma source(%dma_start3A_90 : memref<640x128xf32, #tpu.memory_space<hbm>>) target(%dma_start3A_88 : memref<640x128xf32, #tpu.memory_space<vmem_shared>>) target_semaphore(%run_scoped3A : memref<!tpu.dma_semaphore, #tpu.memory_space<semaphore_mem>>)
      %dma_wait3A = arith.constant 0 : i32
      %dma_wait3A_91 = tpu.memref_slice %arg6[%mul3A_4, %dma_wait3A] : memref<10240x128xf32, #tpu.memory_space<vmem_shared>> -> memref<640x128xf32, #tpu.memory_space<vmem_shared>>
      %dma_wait3A_92 = arith.constant 0 : i32
      %dma_wait3A_93 = tpu.memref_slice %arg2[%add3A, %dma_wait3A_92] : memref<20480x128xf32, #tpu.memory_space<hbm>> -> memref<640x128xf32, #tpu.memory_space<hbm>>
      tpu.wait_dma2 semaphore(%run_scoped3A : memref<!tpu.dma_semaphore, #tpu.memory_space<semaphore_mem>>) src(%dma_wait3A_93 : memref<640x128xf32, #tpu.memory_space<hbm>>) dst(%dma_wait3A_91 : memref<640x128xf32, #tpu.memory_space<vmem_shared>>)
      tpu.yield
    }) : () -> ()
    %mul3A_5 = arith.constant 16 : i32
    %mul3A_6 = arith.muli %arg0, %mul3A_5 : i32
    %add3A_7 = arith.addi %mul3A_6, %arg1 : i32
    %mul3A_8 = arith.constant 80 : i32
    %mul3A_9 = arith.muli %add3A_7, %mul3A_8 : i32
    "tpu.region"() ({
      %run_scoped3A = tpu.sem_alloc : memref<!tpu.dma_semaphore, #tpu.memory_space<semaphore_mem>>
      %dma_start3A_87 = arith.constant 0 : i32
      %dma_start3A_88 = tpu.memref_slice %arg3[%mul3A_9, %dma_start3A_87] : memref<2560x128xi32, #tpu.memory_space<hbm>> -> memref<80x128xi32, #tpu.memory_space<hbm>>
      %dma_start3A_89 = arith.constant 0 : i32
      %dma_start3A_90 = tpu.memref_slice %arg3[%mul3A_9, %dma_start3A_89] : memref<2560x128xi32, #tpu.memory_space<hbm>> -> memref<80x128xi32, #tpu.memory_space<hbm>>
      tpu.enqueue_dma source(%dma_start3A_90 : memref<80x128xi32, #tpu.memory_space<hbm>>) target(%arg7 : memref<80x128xi32, #tpu.memory_space<vmem>>) target_semaphore(%run_scoped3A : memref<!tpu.dma_semaphore, #tpu.memory_space<semaphore_mem>>)
      %dma_wait3A = arith.constant 0 : i32
      %dma_wait3A_91 = tpu.memref_slice %arg3[%mul3A_9, %dma_wait3A] : memref<2560x128xi32, #tpu.memory_space<hbm>> -> memref<80x128xi32, #tpu.memory_space<hbm>>
      %dma_wait3A_92 = arith.constant 0 : i32
      %dma_wait3A_93 = tpu.memref_slice %arg3[%mul3A_9, %dma_wait3A_92] : memref<2560x128xi32, #tpu.memory_space<hbm>> -> memref<80x128xi32, #tpu.memory_space<hbm>>
      tpu.wait_dma2 semaphore(%run_scoped3A : memref<!tpu.dma_semaphore, #tpu.memory_space<semaphore_mem>>) src(%dma_wait3A_93 : memref<80x128xi32, #tpu.memory_space<hbm>>) dst(%arg7 : memref<80x128xi32, #tpu.memory_space<vmem>>)
      tpu.yield
    }) : () -> ()
    %barrier3A = arith.constant 0 : index
    tpu.barrier barrier_id(%barrier3A)
    %dma_start3A = arith.constant 0 : i32
    %dma_start3A_10 = arith.constant 0 : i32
    %dma_start3A_11 = arith.constant 0 : i32
    %dma_start3A_12 = arith.constant 0 : i32
    %dma_start3A_13 = arith.constant 0 : i32
    %dma_start3A_14 = tpu.memref_slice %arg9[%dma_start3A_10, %dma_start3A_12, %dma_start3A_13] : memref<2x128x128xf32, #tpu.memory_space<vmem>> -> memref<1x128x128xf32, #tpu.memory_space<vmem>>
    %dma_start3A_15 = tpu.memref_squeeze %dma_start3A_14 : memref<1x128x128xf32, #tpu.memory_space<vmem>> -> memref<128x128xf32, #tpu.memory_space<vmem>>
    %dma_start3A_16 = arith.constant 0 : i32
    %dma_start3A_17 = tpu.memref_slice %arg7[%dma_start3A, %dma_start3A_16] : memref<80x128xi32, #tpu.memory_space<vmem>> -> memref<1x128xi32, #tpu.memory_space<vmem>>
    %dma_start3A_18 = tpu.memref_squeeze %dma_start3A_17 : memref<1x128xi32, #tpu.memory_space<vmem>> -> memref<128xi32, #tpu.memory_space<vmem>>
    %dma_start3A_19 = arith.constant 0 : i32
    %dma_start3A_20 = arith.constant 0 : i32
    %dma_start3A_21 = tpu.memref_slice %arg2[%dma_start3A_19, %dma_start3A_20] : memref<20480x128xf32, #tpu.memory_space<hbm>> -> memref<20480x128xf32, #tpu.memory_space<hbm>>
    %dma_start3A_22 = tpu.memref_slice %arg10[%dma_start3A_11] : memref<2x!tpu.dma_semaphore, #tpu.memory_space<semaphore_mem>> -> memref<1x!tpu.dma_semaphore, #tpu.memory_space<semaphore_mem>>
    %dma_start3A_23 = tpu.memref_squeeze %dma_start3A_22 : memref<1x!tpu.dma_semaphore, #tpu.memory_space<semaphore_mem>> -> memref<!tpu.dma_semaphore, #tpu.memory_space<semaphore_mem>>
    tpu.enqueue_indirect_dma source(%dma_start3A_21 : memref<20480x128xf32, #tpu.memory_space<hbm>>) target(%dma_start3A_15 : memref<128x128xf32, #tpu.memory_space<vmem>>) offsets(%dma_start3A_18 : memref<128xi32, #tpu.memory_space<vmem>>) semaphore(%dma_start3A_23 : memref<!tpu.dma_semaphore, #tpu.memory_space<semaphore_mem>>)
    %mul3A_24 = arith.constant 80 : i32
    %mul3A_25 = arith.muli %arg1, %mul3A_24 : i32
    %add3A_26 = arith.constant 0 : i32
    %add3A_27 = arith.addi %mul3A_25, %add3A_26 : i32
    %mul3A_28 = arith.constant 128 : i32
    %mul3A_29 = arith.muli %add3A_27, %mul3A_28 : i32
    %dma_start3A_30 = arith.constant 0 : i32
    %dma_start3A_31 = arith.constant 0 : i32
    %dma_start3A_32 = arith.constant 0 : i32
    %dma_start3A_33 = tpu.memref_slice %arg8[%dma_start3A_30, %dma_start3A_32] : memref<2x128xi32, #tpu.memory_space<vmem>> -> memref<1x128xi32, #tpu.memory_space<vmem>>
    %dma_start3A_34 = tpu.memref_squeeze %dma_start3A_33 : memref<1x128xi32, #tpu.memory_space<vmem>> -> memref<128xi32, #tpu.memory_space<vmem>>
    %dma_start3A_35 = tpu.memref_slice %arg4[%mul3A_29] : memref<163840xi32, #tpu.memory_space<hbm>> -> memref<128xi32, #tpu.memory_space<hbm>>
    %dma_start3A_36 = tpu.memref_slice %arg11[%dma_start3A_31] : memref<2x!tpu.dma_semaphore, #tpu.memory_space<semaphore_mem>> -> memref<1x!tpu.dma_semaphore, #tpu.memory_space<semaphore_mem>>
    %dma_start3A_37 = tpu.memref_squeeze %dma_start3A_36 : memref<1x!tpu.dma_semaphore, #tpu.memory_space<semaphore_mem>> -> memref<!tpu.dma_semaphore, #tpu.memory_space<semaphore_mem>>
    %dma_start3A_38 = arith.constant 0 : i32
    %dma_start3A_39 = tpu.memref_slice %arg8[%dma_start3A_30, %dma_start3A_38] : memref<2x128xi32, #tpu.memory_space<vmem>> -> memref<1x128xi32, #tpu.memory_space<vmem>>
    %dma_start3A_40 = tpu.memref_squeeze %dma_start3A_39 : memref<1x128xi32, #tpu.memory_space<vmem>> -> memref<128xi32, #tpu.memory_space<vmem>>
    %dma_start3A_41 = tpu.memref_slice %arg4[%mul3A_29] : memref<163840xi32, #tpu.memory_space<hbm>> -> memref<128xi32, #tpu.memory_space<hbm>>
    tpu.enqueue_dma source(%dma_start3A_41 : memref<128xi32, #tpu.memory_space<hbm>>) target(%dma_start3A_40 : memref<128xi32, #tpu.memory_space<vmem>>) target_semaphore(%dma_start3A_37 : memref<!tpu.dma_semaphore, #tpu.memory_space<semaphore_mem>>)
    %dma_start3A_42 = arith.constant 1 : i32
    %dma_start3A_43 = arith.constant 1 : i32
    %dma_start3A_44 = arith.constant 1 : i32
    %dma_start3A_45 = arith.constant 0 : i32
    %dma_start3A_46 = arith.constant 0 : i32
    %dma_start3A_47 = tpu.memref_slice %arg9[%dma_start3A_43, %dma_start3A_45, %dma_start3A_46] : memref<2x128x128xf32, #tpu.memory_space<vmem>> -> memref<1x128x128xf32, #tpu.memory_space<vmem>>
    %dma_start3A_48 = tpu.memref_squeeze %dma_start3A_47 : memref<1x128x128xf32, #tpu.memory_space<vmem>> -> memref<128x128xf32, #tpu.memory_space<vmem>>
    %dma_start3A_49 = arith.constant 0 : i32
    %dma_start3A_50 = tpu.memref_slice %arg7[%dma_start3A_42, %dma_start3A_49] : memref<80x128xi32, #tpu.memory_space<vmem>> -> memref<1x128xi32, #tpu.memory_space<vmem>>
    %dma_start3A_51 = tpu.memref_squeeze %dma_start3A_50 : memref<1x128xi32, #tpu.memory_space<vmem>> -> memref<128xi32, #tpu.memory_space<vmem>>
    %dma_start3A_52 = arith.constant 0 : i32
    %dma_start3A_53 = arith.constant 0 : i32
    %dma_start3A_54 = tpu.memref_slice %arg2[%dma_start3A_52, %dma_start3A_53] : memref<20480x128xf32, #tpu.memory_space<hbm>> -> memref<20480x128xf32, #tpu.memory_space<hbm>>
    %dma_start3A_55 = tpu.memref_slice %arg10[%dma_start3A_44] : memref<2x!tpu.dma_semaphore, #tpu.memory_space<semaphore_mem>> -> memref<1x!tpu.dma_semaphore, #tpu.memory_space<semaphore_mem>>
    %dma_start3A_56 = tpu.memref_squeeze %dma_start3A_55 : memref<1x!tpu.dma_semaphore, #tpu.memory_space<semaphore_mem>> -> memref<!tpu.dma_semaphore, #tpu.memory_space<semaphore_mem>>
    tpu.enqueue_indirect_dma source(%dma_start3A_54 : memref<20480x128xf32, #tpu.memory_space<hbm>>) target(%dma_start3A_48 : memref<128x128xf32, #tpu.memory_space<vmem>>) offsets(%dma_start3A_51 : memref<128xi32, #tpu.memory_space<vmem>>) semaphore(%dma_start3A_56 : memref<!tpu.dma_semaphore, #tpu.memory_space<semaphore_mem>>)
    %mul3A_57 = arith.constant 80 : i32
    %mul3A_58 = arith.muli %arg1, %mul3A_57 : i32
    %add3A_59 = arith.constant 1 : i32
    %add3A_60 = arith.addi %mul3A_58, %add3A_59 : i32
    %mul3A_61 = arith.constant 128 : i32
    %mul3A_62 = arith.muli %add3A_60, %mul3A_61 : i32
    %dma_start3A_63 = arith.constant 1 : i32
    %dma_start3A_64 = arith.constant 1 : i32
    %dma_start3A_65 = arith.constant 0 : i32
    %dma_start3A_66 = tpu.memref_slice %arg8[%dma_start3A_63, %dma_start3A_65] : memref<2x128xi32, #tpu.memory_space<vmem>> -> memref<1x128xi32, #tpu.memory_space<vmem>>
    %dma_start3A_67 = tpu.memref_squeeze %dma_start3A_66 : memref<1x128xi32, #tpu.memory_space<vmem>> -> memref<128xi32, #tpu.memory_space<vmem>>
    %dma_start3A_68 = tpu.memref_slice %arg4[%mul3A_62] : memref<163840xi32, #tpu.memory_space<hbm>> -> memref<128xi32, #tpu.memory_space<hbm>>
    %dma_start3A_69 = tpu.memref_slice %arg11[%dma_start3A_64] : memref<2x!tpu.dma_semaphore, #tpu.memory_space<semaphore_mem>> -> memref<1x!tpu.dma_semaphore, #tpu.memory_space<semaphore_mem>>
    %dma_start3A_70 = tpu.memref_squeeze %dma_start3A_69 : memref<1x!tpu.dma_semaphore, #tpu.memory_space<semaphore_mem>> -> memref<!tpu.dma_semaphore, #tpu.memory_space<semaphore_mem>>
    %dma_start3A_71 = arith.constant 0 : i32
    %dma_start3A_72 = tpu.memref_slice %arg8[%dma_start3A_63, %dma_start3A_71] : memref<2x128xi32, #tpu.memory_space<vmem>> -> memref<1x128xi32, #tpu.memory_space<vmem>>
    %dma_start3A_73 = tpu.memref_squeeze %dma_start3A_72 : memref<1x128xi32, #tpu.memory_space<vmem>> -> memref<128xi32, #tpu.memory_space<vmem>>
    %dma_start3A_74 = tpu.memref_slice %arg4[%mul3A_62] : memref<163840xi32, #tpu.memory_space<hbm>> -> memref<128xi32, #tpu.memory_space<hbm>>
    tpu.enqueue_dma source(%dma_start3A_74 : memref<128xi32, #tpu.memory_space<hbm>>) target(%dma_start3A_73 : memref<128xi32, #tpu.memory_space<vmem>>) target_semaphore(%dma_start3A_70 : memref<!tpu.dma_semaphore, #tpu.memory_space<semaphore_mem>>)
    %scan3A = arith.constant 0 : i32
    %scan3A_75 = arith.constant 40 : i32
    %scan3A_76 = arith.addi %scan3A, %scan3A_75 : i32
    %scan3A_77 = arith.constant 1 : i32
    scf.for %scan3A_87 = %scan3A to %scan3A_76 step %scan3A_77  : i32 {
      %mul3A_88 = arith.constant 1 : i32
      %mul3A_89 = arith.muli %scan3A_87, %mul3A_88 : i32
      %add3A_90 = arith.constant 0 : i32
      %add3A_91 = arith.addi %add3A_90, %mul3A_89 : i32
      %mul3A_92 = arith.constant 2 : i32
      %mul3A_93 = arith.muli %add3A_91, %mul3A_92 : i32
      %add3A_94 = arith.constant 0 : i32
      %add3A_95 = arith.addi %mul3A_93, %add3A_94 : i32
      %dma_wait3A = arith.constant 0 : i32
      %dma_wait3A_96 = arith.constant 0 : i32
      %dma_wait3A_97 = arith.constant 0 : i32
      %dma_wait3A_98 = arith.constant 0 : i32
      %dma_wait3A_99 = tpu.memref_slice %arg9[%dma_wait3A, %dma_wait3A_97, %dma_wait3A_98] : memref<2x128x128xf32, #tpu.memory_space<vmem>> -> memref<1x128x128xf32, #tpu.memory_space<vmem>>
      %dma_wait3A_100 = tpu.memref_squeeze %dma_wait3A_99 : memref<1x128x128xf32, #tpu.memory_space<vmem>> -> memref<128x128xf32, #tpu.memory_space<vmem>>
      %dma_wait3A_101 = arith.constant 0 : i32
      %dma_wait3A_102 = tpu.memref_slice %arg7[%add3A_95, %dma_wait3A_101] : memref<80x128xi32, #tpu.memory_space<vmem>> -> memref<1x128xi32, #tpu.memory_space<vmem>>
      %dma_wait3A_103 = tpu.memref_squeeze %dma_wait3A_102 : memref<1x128xi32, #tpu.memory_space<vmem>> -> memref<128xi32, #tpu.memory_space<vmem>>
      %dma_wait3A_104 = arith.constant 0 : i32
      %dma_wait3A_105 = arith.constant 0 : i32
      %dma_wait3A_106 = tpu.memref_slice %arg2[%dma_wait3A_104, %dma_wait3A_105] : memref<20480x128xf32, #tpu.memory_space<hbm>> -> memref<20480x128xf32, #tpu.memory_space<hbm>>
      %dma_wait3A_107 = tpu.memref_slice %arg10[%dma_wait3A_96] : memref<2x!tpu.dma_semaphore, #tpu.memory_space<semaphore_mem>> -> memref<1x!tpu.dma_semaphore, #tpu.memory_space<semaphore_mem>>
      %dma_wait3A_108 = tpu.memref_squeeze %dma_wait3A_107 : memref<1x!tpu.dma_semaphore, #tpu.memory_space<semaphore_mem>> -> memref<!tpu.dma_semaphore, #tpu.memory_space<semaphore_mem>>
      tpu.wait_indirect_dma semaphore(%dma_wait3A_108 : memref<!tpu.dma_semaphore, #tpu.memory_space<semaphore_mem>>) src(%dma_wait3A_106 : memref<20480x128xf32, #tpu.memory_space<hbm>>) dst(%dma_wait3A_100 : memref<128x128xf32, #tpu.memory_space<vmem>>)
      %mul3A_109 = arith.constant 80 : i32
      %mul3A_110 = arith.muli %arg1, %mul3A_109 : i32
      %add3A_111 = arith.addi %mul3A_110, %add3A_95 : i32
      %mul3A_112 = arith.constant 128 : i32
      %mul3A_113 = arith.muli %add3A_111, %mul3A_112 : i32
      %dma_wait3A_114 = arith.constant 0 : i32
      %dma_wait3A_115 = arith.constant 0 : i32
      %dma_wait3A_116 = arith.constant 0 : i32
      %dma_wait3A_117 = tpu.memref_slice %arg8[%dma_wait3A_114, %dma_wait3A_116] : memref<2x128xi32, #tpu.memory_space<vmem>> -> memref<1x128xi32, #tpu.memory_space<vmem>>
      %dma_wait3A_118 = tpu.memref_squeeze %dma_wait3A_117 : memref<1x128xi32, #tpu.memory_space<vmem>> -> memref<128xi32, #tpu.memory_space<vmem>>
      %dma_wait3A_119 = tpu.memref_slice %arg4[%mul3A_113] : memref<163840xi32, #tpu.memory_space<hbm>> -> memref<128xi32, #tpu.memory_space<hbm>>
      %dma_wait3A_120 = tpu.memref_slice %arg11[%dma_wait3A_115] : memref<2x!tpu.dma_semaphore, #tpu.memory_space<semaphore_mem>> -> memref<1x!tpu.dma_semaphore, #tpu.memory_space<semaphore_mem>>
      %dma_wait3A_121 = tpu.memref_squeeze %dma_wait3A_120 : memref<1x!tpu.dma_semaphore, #tpu.memory_space<semaphore_mem>> -> memref<!tpu.dma_semaphore, #tpu.memory_space<semaphore_mem>>
      %dma_wait3A_122 = arith.constant 0 : i32
      %dma_wait3A_123 = tpu.memref_slice %arg8[%dma_wait3A_114, %dma_wait3A_122] : memref<2x128xi32, #tpu.memory_space<vmem>> -> memref<1x128xi32, #tpu.memory_space<vmem>>
      %dma_wait3A_124 = tpu.memref_squeeze %dma_wait3A_123 : memref<1x128xi32, #tpu.memory_space<vmem>> -> memref<128xi32, #tpu.memory_space<vmem>>
      %dma_wait3A_125 = tpu.memref_slice %arg4[%mul3A_113] : memref<163840xi32, #tpu.memory_space<hbm>> -> memref<128xi32, #tpu.memory_space<hbm>>
      tpu.wait_dma2 semaphore(%dma_wait3A_121 : memref<!tpu.dma_semaphore, #tpu.memory_space<semaphore_mem>>) src(%dma_wait3A_125 : memref<128xi32, #tpu.memory_space<hbm>>) dst(%dma_wait3A_124 : memref<128xi32, #tpu.memory_space<vmem>>)
      %run_scoped3A = arith.constant 0 : i32
      %run_scoped3A_126 = arith.constant 0 : i32
      "tpu.region"() ({
        %run_scoped3A_175 = tpu.sem_alloc : memref<!tpu.dma_semaphore, #tpu.memory_space<semaphore_mem>>
        %dma_start3A_176 = arith.constant 0 : i32
        %dma_start3A_177 = arith.constant 0 : i32
        %dma_start3A_178 = tpu.memref_slice %arg9[%run_scoped3A, %dma_start3A_176, %dma_start3A_177] : memref<2x128x128xf32, #tpu.memory_space<vmem>> -> memref<1x128x128xf32, #tpu.memory_space<vmem>>
        %dma_start3A_179 = tpu.memref_squeeze %dma_start3A_178 : memref<1x128x128xf32, #tpu.memory_space<vmem>> -> memref<128x128xf32, #tpu.memory_space<vmem>>
        %dma_start3A_180 = arith.constant 0 : i32
        %dma_start3A_181 = tpu.memref_slice %arg8[%run_scoped3A_126, %dma_start3A_180] : memref<2x128xi32, #tpu.memory_space<vmem>> -> memref<1x128xi32, #tpu.memory_space<vmem>>
        %dma_start3A_182 = tpu.memref_squeeze %dma_start3A_181 : memref<1x128xi32, #tpu.memory_space<vmem>> -> memref<128xi32, #tpu.memory_space<vmem>>
        %dma_start3A_183 = arith.constant 0 : i32
        %dma_start3A_184 = arith.constant 0 : i32
        %dma_start3A_185 = tpu.memref_slice %arg6[%dma_start3A_183, %dma_start3A_184] : memref<10240x128xf32, #tpu.memory_space<vmem_shared>> -> memref<10240x128xf32, #tpu.memory_space<vmem_shared>>
        tpu.enqueue_indirect_dma source(%dma_start3A_179 : memref<128x128xf32, #tpu.memory_space<vmem>>) target(%dma_start3A_185 : memref<10240x128xf32, #tpu.memory_space<vmem_shared>>) offsets(%dma_start3A_182 : memref<128xi32, #tpu.memory_space<vmem>>) semaphore(%run_scoped3A_175 : memref<!tpu.dma_semaphore, #tpu.memory_space<semaphore_mem>>) {add = true}
        %dma_wait3A_186 = arith.constant 0 : i32
        %dma_wait3A_187 = arith.constant 0 : i32
        %dma_wait3A_188 = tpu.memref_slice %arg9[%run_scoped3A, %dma_wait3A_186, %dma_wait3A_187] : memref<2x128x128xf32, #tpu.memory_space<vmem>> -> memref<1x128x128xf32, #tpu.memory_space<vmem>>
        %dma_wait3A_189 = tpu.memref_squeeze %dma_wait3A_188 : memref<1x128x128xf32, #tpu.memory_space<vmem>> -> memref<128x128xf32, #tpu.memory_space<vmem>>
        %dma_wait3A_190 = arith.constant 0 : i32
        %dma_wait3A_191 = tpu.memref_slice %arg8[%run_scoped3A_126, %dma_wait3A_190] : memref<2x128xi32, #tpu.memory_space<vmem>> -> memref<1x128xi32, #tpu.memory_space<vmem>>
        %dma_wait3A_192 = tpu.memref_squeeze %dma_wait3A_191 : memref<1x128xi32, #tpu.memory_space<vmem>> -> memref<128xi32, #tpu.memory_space<vmem>>
        %dma_wait3A_193 = arith.constant 0 : i32
        %dma_wait3A_194 = arith.constant 0 : i32
        %dma_wait3A_195 = tpu.memref_slice %arg6[%dma_wait3A_193, %dma_wait3A_194] : memref<10240x128xf32, #tpu.memory_space<vmem_shared>> -> memref<10240x128xf32, #tpu.memory_space<vmem_shared>>
        tpu.wait_indirect_dma semaphore(%run_scoped3A_175 : memref<!tpu.dma_semaphore, #tpu.memory_space<semaphore_mem>>) src(%dma_wait3A_189 : memref<128x128xf32, #tpu.memory_space<vmem>>) dst(%dma_wait3A_195 : memref<10240x128xf32, #tpu.memory_space<vmem_shared>>)
        tpu.yield
      }) : () -> ()
      %add3A_127 = arith.constant 2 : i32
      %add3A_128 = arith.addi %add3A_95, %add3A_127 : i32
      %lt3A = arith.constant 80 : i32
      %lt3A_129 = arith.cmpi slt, %add3A_128, %lt3A : i32
      %convert_element_type3A = arith.extui %lt3A_129 : i1 to i32
      %cond3A = arith.constant 0 : i32
      %cond3A_130 = arith.cmpi ne, %convert_element_type3A, %cond3A : i32
      scf.if %cond3A_130 {
        %dma_start3A_175 = arith.constant 0 : i32
        %dma_start3A_176 = arith.constant 0 : i32
        %dma_start3A_177 = arith.constant 0 : i32
        %dma_start3A_178 = arith.constant 0 : i32
        %dma_start3A_179 = tpu.memref_slice %arg9[%dma_start3A_175, %dma_start3A_177, %dma_start3A_178] : memref<2x128x128xf32, #tpu.memory_space<vmem>> -> memref<1x128x128xf32, #tpu.memory_space<vmem>>
        %dma_start3A_180 = tpu.memref_squeeze %dma_start3A_179 : memref<1x128x128xf32, #tpu.memory_space<vmem>> -> memref<128x128xf32, #tpu.memory_space<vmem>>
        %dma_start3A_181 = arith.constant 0 : i32
        %dma_start3A_182 = tpu.memref_slice %arg7[%add3A_128, %dma_start3A_181] : memref<80x128xi32, #tpu.memory_space<vmem>> -> memref<1x128xi32, #tpu.memory_space<vmem>>
        %dma_start3A_183 = tpu.memref_squeeze %dma_start3A_182 : memref<1x128xi32, #tpu.memory_space<vmem>> -> memref<128xi32, #tpu.memory_space<vmem>>
        %dma_start3A_184 = arith.constant 0 : i32
        %dma_start3A_185 = arith.constant 0 : i32
        %dma_start3A_186 = tpu.memref_slice %arg2[%dma_start3A_184, %dma_start3A_185] : memref<20480x128xf32, #tpu.memory_space<hbm>> -> memref<20480x128xf32, #tpu.memory_space<hbm>>
        %dma_start3A_187 = tpu.memref_slice %arg10[%dma_start3A_176] : memref<2x!tpu.dma_semaphore, #tpu.memory_space<semaphore_mem>> -> memref<1x!tpu.dma_semaphore, #tpu.memory_space<semaphore_mem>>
        %dma_start3A_188 = tpu.memref_squeeze %dma_start3A_187 : memref<1x!tpu.dma_semaphore, #tpu.memory_space<semaphore_mem>> -> memref<!tpu.dma_semaphore, #tpu.memory_space<semaphore_mem>>
        tpu.enqueue_indirect_dma source(%dma_start3A_186 : memref<20480x128xf32, #tpu.memory_space<hbm>>) target(%dma_start3A_180 : memref<128x128xf32, #tpu.memory_space<vmem>>) offsets(%dma_start3A_183 : memref<128xi32, #tpu.memory_space<vmem>>) semaphore(%dma_start3A_188 : memref<!tpu.dma_semaphore, #tpu.memory_space<semaphore_mem>>)
        %mul3A_189 = arith.constant 80 : i32
        %mul3A_190 = arith.muli %arg1, %mul3A_189 : i32
        %add3A_191 = arith.addi %mul3A_190, %add3A_128 : i32
        %mul3A_192 = arith.constant 128 : i32
        %mul3A_193 = arith.muli %add3A_191, %mul3A_192 : i32
        %dma_start3A_194 = arith.constant 0 : i32
        %dma_start3A_195 = arith.constant 0 : i32
        %dma_start3A_196 = arith.constant 0 : i32
        %dma_start3A_197 = tpu.memref_slice %arg8[%dma_start3A_194, %dma_start3A_196] : memref<2x128xi32, #tpu.memory_space<vmem>> -> memref<1x128xi32, #tpu.memory_space<vmem>>
        %dma_start3A_198 = tpu.memref_squeeze %dma_start3A_197 : memref<1x128xi32, #tpu.memory_space<vmem>> -> memref<128xi32, #tpu.memory_space<vmem>>
        %dma_start3A_199 = tpu.memref_slice %arg4[%mul3A_193] : memref<163840xi32, #tpu.memory_space<hbm>> -> memref<128xi32, #tpu.memory_space<hbm>>
        %dma_start3A_200 = tpu.memref_slice %arg11[%dma_start3A_195] : memref<2x!tpu.dma_semaphore, #tpu.memory_space<semaphore_mem>> -> memref<1x!tpu.dma_semaphore, #tpu.memory_space<semaphore_mem>>
        %dma_start3A_201 = tpu.memref_squeeze %dma_start3A_200 : memref<1x!tpu.dma_semaphore, #tpu.memory_space<semaphore_mem>> -> memref<!tpu.dma_semaphore, #tpu.memory_space<semaphore_mem>>
        %dma_start3A_202 = arith.constant 0 : i32
        %dma_start3A_203 = tpu.memref_slice %arg8[%dma_start3A_194, %dma_start3A_202] : memref<2x128xi32, #tpu.memory_space<vmem>> -> memref<1x128xi32, #tpu.memory_space<vmem>>
        %dma_start3A_204 = tpu.memref_squeeze %dma_start3A_203 : memref<1x128xi32, #tpu.memory_space<vmem>> -> memref<128xi32, #tpu.memory_space<vmem>>
        %dma_start3A_205 = tpu.memref_slice %arg4[%mul3A_193] : memref<163840xi32, #tpu.memory_space<hbm>> -> memref<128xi32, #tpu.memory_space<hbm>>
        tpu.enqueue_dma source(%dma_start3A_205 : memref<128xi32, #tpu.memory_space<hbm>>) target(%dma_start3A_204 : memref<128xi32, #tpu.memory_space<vmem>>) target_semaphore(%dma_start3A_201 : memref<!tpu.dma_semaphore, #tpu.memory_space<semaphore_mem>>)
      } else {
      }
      %mul3A_131 = arith.constant 2 : i32
      %mul3A_132 = arith.muli %add3A_91, %mul3A_131 : i32
      %add3A_133 = arith.constant 1 : i32
      %add3A_134 = arith.addi %mul3A_132, %add3A_133 : i32
      %dma_wait3A_135 = arith.constant 1 : i32
      %dma_wait3A_136 = arith.constant 1 : i32
      %dma_wait3A_137 = arith.constant 0 : i32
      %dma_wait3A_138 = arith.constant 0 : i32
      %dma_wait3A_139 = tpu.memref_slice %arg9[%dma_wait3A_135, %dma_wait3A_137, %dma_wait3A_138] : memref<2x128x128xf32, #tpu.memory_space<vmem>> -> memref<1x128x128xf32, #tpu.memory_space<vmem>>
      %dma_wait3A_140 = tpu.memref_squeeze %dma_wait3A_139 : memref<1x128x128xf32, #tpu.memory_space<vmem>> -> memref<128x128xf32, #tpu.memory_space<vmem>>
      %dma_wait3A_141 = arith.constant 0 : i32
      %dma_wait3A_142 = tpu.memref_slice %arg7[%add3A_134, %dma_wait3A_141] : memref<80x128xi32, #tpu.memory_space<vmem>> -> memref<1x128xi32, #tpu.memory_space<vmem>>
      %dma_wait3A_143 = tpu.memref_squeeze %dma_wait3A_142 : memref<1x128xi32, #tpu.memory_space<vmem>> -> memref<128xi32, #tpu.memory_space<vmem>>
      %dma_wait3A_144 = arith.constant 0 : i32
      %dma_wait3A_145 = arith.constant 0 : i32
      %dma_wait3A_146 = tpu.memref_slice %arg2[%dma_wait3A_144, %dma_wait3A_145] : memref<20480x128xf32, #tpu.memory_space<hbm>> -> memref<20480x128xf32, #tpu.memory_space<hbm>>
      %dma_wait3A_147 = tpu.memref_slice %arg10[%dma_wait3A_136] : memref<2x!tpu.dma_semaphore, #tpu.memory_space<semaphore_mem>> -> memref<1x!tpu.dma_semaphore, #tpu.memory_space<semaphore_mem>>
      %dma_wait3A_148 = tpu.memref_squeeze %dma_wait3A_147 : memref<1x!tpu.dma_semaphore, #tpu.memory_space<semaphore_mem>> -> memref<!tpu.dma_semaphore, #tpu.memory_space<semaphore_mem>>
      tpu.wait_indirect_dma semaphore(%dma_wait3A_148 : memref<!tpu.dma_semaphore, #tpu.memory_space<semaphore_mem>>) src(%dma_wait3A_146 : memref<20480x128xf32, #tpu.memory_space<hbm>>) dst(%dma_wait3A_140 : memref<128x128xf32, #tpu.memory_space<vmem>>)
      %mul3A_149 = arith.constant 80 : i32
      %mul3A_150 = arith.muli %arg1, %mul3A_149 : i32
      %add3A_151 = arith.addi %mul3A_150, %add3A_134 : i32
      %mul3A_152 = arith.constant 128 : i32
      %mul3A_153 = arith.muli %add3A_151, %mul3A_152 : i32
      %dma_wait3A_154 = arith.constant 1 : i32
      %dma_wait3A_155 = arith.constant 1 : i32
      %dma_wait3A_156 = arith.constant 0 : i32
      %dma_wait3A_157 = tpu.memref_slice %arg8[%dma_wait3A_154, %dma_wait3A_156] : memref<2x128xi32, #tpu.memory_space<vmem>> -> memref<1x128xi32, #tpu.memory_space<vmem>>
      %dma_wait3A_158 = tpu.memref_squeeze %dma_wait3A_157 : memref<1x128xi32, #tpu.memory_space<vmem>> -> memref<128xi32, #tpu.memory_space<vmem>>
      %dma_wait3A_159 = tpu.memref_slice %arg4[%mul3A_153] : memref<163840xi32, #tpu.memory_space<hbm>> -> memref<128xi32, #tpu.memory_space<hbm>>
      %dma_wait3A_160 = tpu.memref_slice %arg11[%dma_wait3A_155] : memref<2x!tpu.dma_semaphore, #tpu.memory_space<semaphore_mem>> -> memref<1x!tpu.dma_semaphore, #tpu.memory_space<semaphore_mem>>
      %dma_wait3A_161 = tpu.memref_squeeze %dma_wait3A_160 : memref<1x!tpu.dma_semaphore, #tpu.memory_space<semaphore_mem>> -> memref<!tpu.dma_semaphore, #tpu.memory_space<semaphore_mem>>
      %dma_wait3A_162 = arith.constant 0 : i32
      %dma_wait3A_163 = tpu.memref_slice %arg8[%dma_wait3A_154, %dma_wait3A_162] : memref<2x128xi32, #tpu.memory_space<vmem>> -> memref<1x128xi32, #tpu.memory_space<vmem>>
      %dma_wait3A_164 = tpu.memref_squeeze %dma_wait3A_163 : memref<1x128xi32, #tpu.memory_space<vmem>> -> memref<128xi32, #tpu.memory_space<vmem>>
      %dma_wait3A_165 = tpu.memref_slice %arg4[%mul3A_153] : memref<163840xi32, #tpu.memory_space<hbm>> -> memref<128xi32, #tpu.memory_space<hbm>>
      tpu.wait_dma2 semaphore(%dma_wait3A_161 : memref<!tpu.dma_semaphore, #tpu.memory_space<semaphore_mem>>) src(%dma_wait3A_165 : memref<128xi32, #tpu.memory_space<hbm>>) dst(%dma_wait3A_164 : memref<128xi32, #tpu.memory_space<vmem>>)
      %run_scoped3A_166 = arith.constant 1 : i32
      %run_scoped3A_167 = arith.constant 1 : i32
      "tpu.region"() ({
        %run_scoped3A_175 = tpu.sem_alloc : memref<!tpu.dma_semaphore, #tpu.memory_space<semaphore_mem>>
        %dma_start3A_176 = arith.constant 0 : i32
        %dma_start3A_177 = arith.constant 0 : i32
        %dma_start3A_178 = tpu.memref_slice %arg9[%run_scoped3A_166, %dma_start3A_176, %dma_start3A_177] : memref<2x128x128xf32, #tpu.memory_space<vmem>> -> memref<1x128x128xf32, #tpu.memory_space<vmem>>
        %dma_start3A_179 = tpu.memref_squeeze %dma_start3A_178 : memref<1x128x128xf32, #tpu.memory_space<vmem>> -> memref<128x128xf32, #tpu.memory_space<vmem>>
        %dma_start3A_180 = arith.constant 0 : i32
        %dma_start3A_181 = tpu.memref_slice %arg8[%run_scoped3A_167, %dma_start3A_180] : memref<2x128xi32, #tpu.memory_space<vmem>> -> memref<1x128xi32, #tpu.memory_space<vmem>>
        %dma_start3A_182 = tpu.memref_squeeze %dma_start3A_181 : memref<1x128xi32, #tpu.memory_space<vmem>> -> memref<128xi32, #tpu.memory_space<vmem>>
        %dma_start3A_183 = arith.constant 0 : i32
        %dma_start3A_184 = arith.constant 0 : i32
        %dma_start3A_185 = tpu.memref_slice %arg6[%dma_start3A_183, %dma_start3A_184] : memref<10240x128xf32, #tpu.memory_space<vmem_shared>> -> memref<10240x128xf32, #tpu.memory_space<vmem_shared>>
        tpu.enqueue_indirect_dma source(%dma_start3A_179 : memref<128x128xf32, #tpu.memory_space<vmem>>) target(%dma_start3A_185 : memref<10240x128xf32, #tpu.memory_space<vmem_shared>>) offsets(%dma_start3A_182 : memref<128xi32, #tpu.memory_space<vmem>>) semaphore(%run_scoped3A_175 : memref<!tpu.dma_semaphore, #tpu.memory_space<semaphore_mem>>) {add = true}
        %dma_wait3A_186 = arith.constant 0 : i32
        %dma_wait3A_187 = arith.constant 0 : i32
        %dma_wait3A_188 = tpu.memref_slice %arg9[%run_scoped3A_166, %dma_wait3A_186, %dma_wait3A_187] : memref<2x128x128xf32, #tpu.memory_space<vmem>> -> memref<1x128x128xf32, #tpu.memory_space<vmem>>
        %dma_wait3A_189 = tpu.memref_squeeze %dma_wait3A_188 : memref<1x128x128xf32, #tpu.memory_space<vmem>> -> memref<128x128xf32, #tpu.memory_space<vmem>>
        %dma_wait3A_190 = arith.constant 0 : i32
        %dma_wait3A_191 = tpu.memref_slice %arg8[%run_scoped3A_167, %dma_wait3A_190] : memref<2x128xi32, #tpu.memory_space<vmem>> -> memref<1x128xi32, #tpu.memory_space<vmem>>
        %dma_wait3A_192 = tpu.memref_squeeze %dma_wait3A_191 : memref<1x128xi32, #tpu.memory_space<vmem>> -> memref<128xi32, #tpu.memory_space<vmem>>
        %dma_wait3A_193 = arith.constant 0 : i32
        %dma_wait3A_194 = arith.constant 0 : i32
        %dma_wait3A_195 = tpu.memref_slice %arg6[%dma_wait3A_193, %dma_wait3A_194] : memref<10240x128xf32, #tpu.memory_space<vmem_shared>> -> memref<10240x128xf32, #tpu.memory_space<vmem_shared>>
        tpu.wait_indirect_dma semaphore(%run_scoped3A_175 : memref<!tpu.dma_semaphore, #tpu.memory_space<semaphore_mem>>) src(%dma_wait3A_189 : memref<128x128xf32, #tpu.memory_space<vmem>>) dst(%dma_wait3A_195 : memref<10240x128xf32, #tpu.memory_space<vmem_shared>>)
        tpu.yield
      }) : () -> ()
      %add3A_168 = arith.constant 2 : i32
      %add3A_169 = arith.addi %add3A_134, %add3A_168 : i32
      %lt3A_170 = arith.constant 80 : i32
      %lt3A_171 = arith.cmpi slt, %add3A_169, %lt3A_170 : i32
      %convert_element_type3A_172 = arith.extui %lt3A_171 : i1 to i32
      %cond3A_173 = arith.constant 0 : i32
      %cond3A_174 = arith.cmpi ne, %convert_element_type3A_172, %cond3A_173 : i32
      scf.if %cond3A_174 {
        %dma_start3A_175 = arith.constant 1 : i32
        %dma_start3A_176 = arith.constant 1 : i32
        %dma_start3A_177 = arith.constant 0 : i32
        %dma_start3A_178 = arith.constant 0 : i32
        %dma_start3A_179 = tpu.memref_slice %arg9[%dma_start3A_175, %dma_start3A_177, %dma_start3A_178] : memref<2x128x128xf32, #tpu.memory_space<vmem>> -> memref<1x128x128xf32, #tpu.memory_space<vmem>>
        %dma_start3A_180 = tpu.memref_squeeze %dma_start3A_179 : memref<1x128x128xf32, #tpu.memory_space<vmem>> -> memref<128x128xf32, #tpu.memory_space<vmem>>
        %dma_start3A_181 = arith.constant 0 : i32
        %dma_start3A_182 = tpu.memref_slice %arg7[%add3A_169, %dma_start3A_181] : memref<80x128xi32, #tpu.memory_space<vmem>> -> memref<1x128xi32, #tpu.memory_space<vmem>>
        %dma_start3A_183 = tpu.memref_squeeze %dma_start3A_182 : memref<1x128xi32, #tpu.memory_space<vmem>> -> memref<128xi32, #tpu.memory_space<vmem>>
        %dma_start3A_184 = arith.constant 0 : i32
        %dma_start3A_185 = arith.constant 0 : i32
        %dma_start3A_186 = tpu.memref_slice %arg2[%dma_start3A_184, %dma_start3A_185] : memref<20480x128xf32, #tpu.memory_space<hbm>> -> memref<20480x128xf32, #tpu.memory_space<hbm>>
        %dma_start3A_187 = tpu.memref_slice %arg10[%dma_start3A_176] : memref<2x!tpu.dma_semaphore, #tpu.memory_space<semaphore_mem>> -> memref<1x!tpu.dma_semaphore, #tpu.memory_space<semaphore_mem>>
        %dma_start3A_188 = tpu.memref_squeeze %dma_start3A_187 : memref<1x!tpu.dma_semaphore, #tpu.memory_space<semaphore_mem>> -> memref<!tpu.dma_semaphore, #tpu.memory_space<semaphore_mem>>
        tpu.enqueue_indirect_dma source(%dma_start3A_186 : memref<20480x128xf32, #tpu.memory_space<hbm>>) target(%dma_start3A_180 : memref<128x128xf32, #tpu.memory_space<vmem>>) offsets(%dma_start3A_183 : memref<128xi32, #tpu.memory_space<vmem>>) semaphore(%dma_start3A_188 : memref<!tpu.dma_semaphore, #tpu.memory_space<semaphore_mem>>)
        %mul3A_189 = arith.constant 80 : i32
        %mul3A_190 = arith.muli %arg1, %mul3A_189 : i32
        %add3A_191 = arith.addi %mul3A_190, %add3A_169 : i32
        %mul3A_192 = arith.constant 128 : i32
        %mul3A_193 = arith.muli %add3A_191, %mul3A_192 : i32
        %dma_start3A_194 = arith.constant 1 : i32
        %dma_start3A_195 = arith.constant 1 : i32
        %dma_start3A_196 = arith.constant 0 : i32
        %dma_start3A_197 = tpu.memref_slice %arg8[%dma_start3A_194, %dma_start3A_196] : memref<2x128xi32, #tpu.memory_space<vmem>> -> memref<1x128xi32, #tpu.memory_space<vmem>>
        %dma_start3A_198 = tpu.memref_squeeze %dma_start3A_197 : memref<1x128xi32, #tpu.memory_space<vmem>> -> memref<128xi32, #tpu.memory_space<vmem>>
        %dma_start3A_199 = tpu.memref_slice %arg4[%mul3A_193] : memref<163840xi32, #tpu.memory_space<hbm>> -> memref<128xi32, #tpu.memory_space<hbm>>
        %dma_start3A_200 = tpu.memref_slice %arg11[%dma_start3A_195] : memref<2x!tpu.dma_semaphore, #tpu.memory_space<semaphore_mem>> -> memref<1x!tpu.dma_semaphore, #tpu.memory_space<semaphore_mem>>
        %dma_start3A_201 = tpu.memref_squeeze %dma_start3A_200 : memref<1x!tpu.dma_semaphore, #tpu.memory_space<semaphore_mem>> -> memref<!tpu.dma_semaphore, #tpu.memory_space<semaphore_mem>>
        %dma_start3A_202 = arith.constant 0 : i32
        %dma_start3A_203 = tpu.memref_slice %arg8[%dma_start3A_194, %dma_start3A_202] : memref<2x128xi32, #tpu.memory_space<vmem>> -> memref<1x128xi32, #tpu.memory_space<vmem>>
        %dma_start3A_204 = tpu.memref_squeeze %dma_start3A_203 : memref<1x128xi32, #tpu.memory_space<vmem>> -> memref<128xi32, #tpu.memory_space<vmem>>
        %dma_start3A_205 = tpu.memref_slice %arg4[%mul3A_193] : memref<163840xi32, #tpu.memory_space<hbm>> -> memref<128xi32, #tpu.memory_space<hbm>>
        tpu.enqueue_dma source(%dma_start3A_205 : memref<128xi32, #tpu.memory_space<hbm>>) target(%dma_start3A_204 : memref<128xi32, #tpu.memory_space<vmem>>) target_semaphore(%dma_start3A_201 : memref<!tpu.dma_semaphore, #tpu.memory_space<semaphore_mem>>)
      } else {
      }
    }
    %scan3A_78 = arith.constant 40 : i32
    %barrier3A_79 = arith.constant 0 : index
    tpu.barrier barrier_id(%barrier3A_79)
    %mul3A_80 = arith.constant 640 : i32
    %mul3A_81 = arith.muli %arg1, %mul3A_80 : i32
    %mul3A_82 = arith.constant 10240 : i32
    %mul3A_83 = arith.muli %arg0, %mul3A_82 : i32
    %mul3A_84 = arith.constant 640 : i32
    %mul3A_85 = arith.muli %arg1, %mul3A_84 : i32
    %add3A_86 = arith.addi %mul3A_83, %mul3A_85 : i32
    "tpu.region"() ({
      %run_scoped3A = tpu.sem_alloc : memref<!tpu.dma_semaphore, #tpu.memory_space<semaphore_mem>>
      %dma_start3A_87 = arith.constant 0 : i32
      %dma_start3A_88 = tpu.memref_slice %arg5[%add3A_86, %dma_start3A_87] : memref<20480x128xf32, #tpu.memory_space<hbm>> -> memref<640x128xf32, #tpu.memory_space<hbm>>
      %dma_start3A_89 = arith.constant 0 : i32
      %dma_start3A_90 = tpu.memref_slice %arg6[%mul3A_81, %dma_start3A_89] : memref<10240x128xf32, #tpu.memory_space<vmem_shared>> -> memref<640x128xf32, #tpu.memory_space<vmem_shared>>
      tpu.enqueue_dma source(%dma_start3A_90 : memref<640x128xf32, #tpu.memory_space<vmem_shared>>) target(%dma_start3A_88 : memref<640x128xf32, #tpu.memory_space<hbm>>) target_semaphore(%run_scoped3A : memref<!tpu.dma_semaphore, #tpu.memory_space<semaphore_mem>>)
      %dma_wait3A = arith.constant 0 : i32
      %dma_wait3A_91 = tpu.memref_slice %arg5[%add3A_86, %dma_wait3A] : memref<20480x128xf32, #tpu.memory_space<hbm>> -> memref<640x128xf32, #tpu.memory_space<hbm>>
      %dma_wait3A_92 = arith.constant 0 : i32
      %dma_wait3A_93 = tpu.memref_slice %arg6[%mul3A_81, %dma_wait3A_92] : memref<10240x128xf32, #tpu.memory_space<vmem_shared>> -> memref<640x128xf32, #tpu.memory_space<vmem_shared>>
      tpu.wait_dma2 semaphore(%run_scoped3A : memref<!tpu.dma_semaphore, #tpu.memory_space<semaphore_mem>>) src(%dma_wait3A_93 : memref<640x128xf32, #tpu.memory_space<vmem_shared>>) dst(%dma_wait3A_91 : memref<640x128xf32, #tpu.memory_space<hbm>>)
      tpu.yield
    }) : () -> ()
    return
  }
}

#map = affine_map<(d0, d1) -> (0, 0)>
#map1 = affine_map<(d0, d1) -> (0)>
module attributes {stable_mosaic.version = 14 : i64} {
  func.func @_sc_prop(%arg0: i32, %arg1: i32, %arg2: memref<20480x128xf32, #tpu.memory_space<hbm>>, %arg3: memref<2560x128xi32, #tpu.memory_space<hbm>>, %arg4: memref<163840xi32, #tpu.memory_space<hbm>>, %arg5: memref<20480x128xf32, #tpu.memory_space<hbm>>, %arg6: memref<10240x128xf32, #tpu.memory_space<vmem_shared>>, %arg7: memref<80x128xi32, #tpu.memory_space<vmem>>, %arg8: memref<2x128xi32, #tpu.memory_space<vmem>>, %arg9: memref<2x128x128xf32, #tpu.memory_space<vmem>>, %arg10: memref<2x!tpu.dma_semaphore, #tpu.memory_space<semaphore_mem>>, %arg11: memref<2x!tpu.dma_semaphore, #tpu.memory_space<semaphore_mem>>) attributes {dimension_semantics = [#tpu.dimension_semantics<core_parallel>, #tpu.dimension_semantics<subcore_parallel>], iteration_bounds = array<i64: 2, 16>, scalar_prefetch = 0 : i64, scratch_operands = 6 : i64, tpu.core_type = #tpu.core_type<sc_vector_subcore>, window_params = [{transform_indices = #map}, {transform_indices = #map}, {transform_indices = #map1}, {transform_indices = #map}]} {
    %mul3A = arith.constant 10240 : i32
    %mul3A_0 = arith.muli %arg0, %mul3A : i32
    %mul3A_1 = arith.constant 640 : i32
    %mul3A_2 = arith.muli %arg1, %mul3A_1 : i32
    %add3A = arith.addi %mul3A_0, %mul3A_2 : i32
    %mul3A_3 = arith.constant 640 : i32
    %mul3A_4 = arith.muli %arg1, %mul3A_3 : i32
    "tpu.region"() ({
      %run_scoped3A = tpu.sem_alloc : memref<!tpu.dma_semaphore, #tpu.memory_space<semaphore_mem>>
      %dma_start3A_87 = arith.constant 0 : i32
      %dma_start3A_88 = tpu.memref_slice %arg6[%mul3A_4, %dma_start3A_87] : memref<10240x128xf32, #tpu.memory_space<vmem_shared>> -> memref<640x128xf32, #tpu.memory_space<vmem_shared>>
      %dma_start3A_89 = arith.constant 0 : i32
      %dma_start3A_90 = tpu.memref_slice %arg2[%add3A, %dma_start3A_89] : memref<20480x128xf32, #tpu.memory_space<hbm>> -> memref<640x128xf32, #tpu.memory_space<hbm>>
      tpu.enqueue_dma source(%dma_start3A_90 : memref<640x128xf32, #tpu.memory_space<hbm>>) target(%dma_start3A_88 : memref<640x128xf32, #tpu.memory_space<vmem_shared>>) target_semaphore(%run_scoped3A : memref<!tpu.dma_semaphore, #tpu.memory_space<semaphore_mem>>)
      %dma_wait3A = arith.constant 0 : i32
      %dma_wait3A_91 = tpu.memref_slice %arg6[%mul3A_4, %dma_wait3A] : memref<10240x128xf32, #tpu.memory_space<vmem_shared>> -> memref<640x128xf32, #tpu.memory_space<vmem_shared>>
      %dma_wait3A_92 = arith.constant 0 : i32
      %dma_wait3A_93 = tpu.memref_slice %arg2[%add3A, %dma_wait3A_92] : memref<20480x128xf32, #tpu.memory_space<hbm>> -> memref<640x128xf32, #tpu.memory_space<hbm>>
      tpu.wait_dma2 semaphore(%run_scoped3A : memref<!tpu.dma_semaphore, #tpu.memory_space<semaphore_mem>>) src(%dma_wait3A_93 : memref<640x128xf32, #tpu.memory_space<hbm>>) dst(%dma_wait3A_91 : memref<640x128xf32, #tpu.memory_space<vmem_shared>>)
      tpu.yield
    }) : () -> ()
    %mul3A_5 = arith.constant 16 : i32
    %mul3A_6 = arith.muli %arg0, %mul3A_5 : i32
    %add3A_7 = arith.addi %mul3A_6, %arg1 : i32
    %mul3A_8 = arith.constant 80 : i32
    %mul3A_9 = arith.muli %add3A_7, %mul3A_8 : i32
    "tpu.region"() ({
      %run_scoped3A = tpu.sem_alloc : memref<!tpu.dma_semaphore, #tpu.memory_space<semaphore_mem>>
      %dma_start3A_87 = arith.constant 0 : i32
      %dma_start3A_88 = tpu.memref_slice %arg3[%mul3A_9, %dma_start3A_87] : memref<2560x128xi32, #tpu.memory_space<hbm>> -> memref<80x128xi32, #tpu.memory_space<hbm>>
      %dma_start3A_89 = arith.constant 0 : i32
      %dma_start3A_90 = tpu.memref_slice %arg3[%mul3A_9, %dma_start3A_89] : memref<2560x128xi32, #tpu.memory_space<hbm>> -> memref<80x128xi32, #tpu.memory_space<hbm>>
      tpu.enqueue_dma source(%dma_start3A_90 : memref<80x128xi32, #tpu.memory_space<hbm>>) target(%arg7 : memref<80x128xi32, #tpu.memory_space<vmem>>) target_semaphore(%run_scoped3A : memref<!tpu.dma_semaphore, #tpu.memory_space<semaphore_mem>>)
      %dma_wait3A = arith.constant 0 : i32
      %dma_wait3A_91 = tpu.memref_slice %arg3[%mul3A_9, %dma_wait3A] : memref<2560x128xi32, #tpu.memory_space<hbm>> -> memref<80x128xi32, #tpu.memory_space<hbm>>
      %dma_wait3A_92 = arith.constant 0 : i32
      %dma_wait3A_93 = tpu.memref_slice %arg3[%mul3A_9, %dma_wait3A_92] : memref<2560x128xi32, #tpu.memory_space<hbm>> -> memref<80x128xi32, #tpu.memory_space<hbm>>
      tpu.wait_dma2 semaphore(%run_scoped3A : memref<!tpu.dma_semaphore, #tpu.memory_space<semaphore_mem>>) src(%dma_wait3A_93 : memref<80x128xi32, #tpu.memory_space<hbm>>) dst(%arg7 : memref<80x128xi32, #tpu.memory_space<vmem>>)
      tpu.yield
    }) : () -> ()
    %barrier3A = arith.constant 0 : index
    tpu.barrier barrier_id(%barrier3A)
    %dma_start3A = arith.constant 0 : i32
    %dma_start3A_10 = arith.constant 0 : i32
    %dma_start3A_11 = arith.constant 0 : i32
    %dma_start3A_12 = arith.constant 0 : i32
    %dma_start3A_13 = arith.constant 0 : i32
    %dma_start3A_14 = tpu.memref_slice %arg9[%dma_start3A_10, %dma_start3A_12, %dma_start3A_13] : memref<2x128x128xf32, #tpu.memory_space<vmem>> -> memref<1x128x128xf32, #tpu.memory_space<vmem>>
    %dma_start3A_15 = tpu.memref_squeeze %dma_start3A_14 : memref<1x128x128xf32, #tpu.memory_space<vmem>> -> memref<128x128xf32, #tpu.memory_space<vmem>>
    %dma_start3A_16 = arith.constant 0 : i32
    %dma_start3A_17 = tpu.memref_slice %arg7[%dma_start3A, %dma_start3A_16] : memref<80x128xi32, #tpu.memory_space<vmem>> -> memref<1x128xi32, #tpu.memory_space<vmem>>
    %dma_start3A_18 = tpu.memref_squeeze %dma_start3A_17 : memref<1x128xi32, #tpu.memory_space<vmem>> -> memref<128xi32, #tpu.memory_space<vmem>>
    %dma_start3A_19 = arith.constant 0 : i32
    %dma_start3A_20 = arith.constant 0 : i32
    %dma_start3A_21 = tpu.memref_slice %arg2[%dma_start3A_19, %dma_start3A_20] : memref<20480x128xf32, #tpu.memory_space<hbm>> -> memref<20480x128xf32, #tpu.memory_space<hbm>>
    %dma_start3A_22 = tpu.memref_slice %arg10[%dma_start3A_11] : memref<2x!tpu.dma_semaphore, #tpu.memory_space<semaphore_mem>> -> memref<1x!tpu.dma_semaphore, #tpu.memory_space<semaphore_mem>>
    %dma_start3A_23 = tpu.memref_squeeze %dma_start3A_22 : memref<1x!tpu.dma_semaphore, #tpu.memory_space<semaphore_mem>> -> memref<!tpu.dma_semaphore, #tpu.memory_space<semaphore_mem>>
    tpu.enqueue_indirect_dma source(%dma_start3A_21 : memref<20480x128xf32, #tpu.memory_space<hbm>>) target(%dma_start3A_15 : memref<128x128xf32, #tpu.memory_space<vmem>>) offsets(%dma_start3A_18 : memref<128xi32, #tpu.memory_space<vmem>>) semaphore(%dma_start3A_23 : memref<!tpu.dma_semaphore, #tpu.memory_space<semaphore_mem>>)
    %mul3A_24 = arith.constant 80 : i32
    %mul3A_25 = arith.muli %arg1, %mul3A_24 : i32
    %add3A_26 = arith.constant 0 : i32
    %add3A_27 = arith.addi %mul3A_25, %add3A_26 : i32
    %mul3A_28 = arith.constant 128 : i32
    %mul3A_29 = arith.muli %add3A_27, %mul3A_28 : i32
    %dma_start3A_30 = arith.constant 0 : i32
    %dma_start3A_31 = arith.constant 0 : i32
    %dma_start3A_32 = arith.constant 0 : i32
    %dma_start3A_33 = tpu.memref_slice %arg8[%dma_start3A_30, %dma_start3A_32] : memref<2x128xi32, #tpu.memory_space<vmem>> -> memref<1x128xi32, #tpu.memory_space<vmem>>
    %dma_start3A_34 = tpu.memref_squeeze %dma_start3A_33 : memref<1x128xi32, #tpu.memory_space<vmem>> -> memref<128xi32, #tpu.memory_space<vmem>>
    %dma_start3A_35 = tpu.memref_slice %arg4[%mul3A_29] : memref<163840xi32, #tpu.memory_space<hbm>> -> memref<128xi32, #tpu.memory_space<hbm>>
    %dma_start3A_36 = tpu.memref_slice %arg11[%dma_start3A_31] : memref<2x!tpu.dma_semaphore, #tpu.memory_space<semaphore_mem>> -> memref<1x!tpu.dma_semaphore, #tpu.memory_space<semaphore_mem>>
    %dma_start3A_37 = tpu.memref_squeeze %dma_start3A_36 : memref<1x!tpu.dma_semaphore, #tpu.memory_space<semaphore_mem>> -> memref<!tpu.dma_semaphore, #tpu.memory_space<semaphore_mem>>
    %dma_start3A_38 = arith.constant 0 : i32
    %dma_start3A_39 = tpu.memref_slice %arg8[%dma_start3A_30, %dma_start3A_38] : memref<2x128xi32, #tpu.memory_space<vmem>> -> memref<1x128xi32, #tpu.memory_space<vmem>>
    %dma_start3A_40 = tpu.memref_squeeze %dma_start3A_39 : memref<1x128xi32, #tpu.memory_space<vmem>> -> memref<128xi32, #tpu.memory_space<vmem>>
    %dma_start3A_41 = tpu.memref_slice %arg4[%mul3A_29] : memref<163840xi32, #tpu.memory_space<hbm>> -> memref<128xi32, #tpu.memory_space<hbm>>
    tpu.enqueue_dma source(%dma_start3A_41 : memref<128xi32, #tpu.memory_space<hbm>>) target(%dma_start3A_40 : memref<128xi32, #tpu.memory_space<vmem>>) target_semaphore(%dma_start3A_37 : memref<!tpu.dma_semaphore, #tpu.memory_space<semaphore_mem>>)
    %dma_start3A_42 = arith.constant 1 : i32
    %dma_start3A_43 = arith.constant 1 : i32
    %dma_start3A_44 = arith.constant 1 : i32
    %dma_start3A_45 = arith.constant 0 : i32
    %dma_start3A_46 = arith.constant 0 : i32
    %dma_start3A_47 = tpu.memref_slice %arg9[%dma_start3A_43, %dma_start3A_45, %dma_start3A_46] : memref<2x128x128xf32, #tpu.memory_space<vmem>> -> memref<1x128x128xf32, #tpu.memory_space<vmem>>
    %dma_start3A_48 = tpu.memref_squeeze %dma_start3A_47 : memref<1x128x128xf32, #tpu.memory_space<vmem>> -> memref<128x128xf32, #tpu.memory_space<vmem>>
    %dma_start3A_49 = arith.constant 0 : i32
    %dma_start3A_50 = tpu.memref_slice %arg7[%dma_start3A_42, %dma_start3A_49] : memref<80x128xi32, #tpu.memory_space<vmem>> -> memref<1x128xi32, #tpu.memory_space<vmem>>
    %dma_start3A_51 = tpu.memref_squeeze %dma_start3A_50 : memref<1x128xi32, #tpu.memory_space<vmem>> -> memref<128xi32, #tpu.memory_space<vmem>>
    %dma_start3A_52 = arith.constant 0 : i32
    %dma_start3A_53 = arith.constant 0 : i32
    %dma_start3A_54 = tpu.memref_slice %arg2[%dma_start3A_52, %dma_start3A_53] : memref<20480x128xf32, #tpu.memory_space<hbm>> -> memref<20480x128xf32, #tpu.memory_space<hbm>>
    %dma_start3A_55 = tpu.memref_slice %arg10[%dma_start3A_44] : memref<2x!tpu.dma_semaphore, #tpu.memory_space<semaphore_mem>> -> memref<1x!tpu.dma_semaphore, #tpu.memory_space<semaphore_mem>>
    %dma_start3A_56 = tpu.memref_squeeze %dma_start3A_55 : memref<1x!tpu.dma_semaphore, #tpu.memory_space<semaphore_mem>> -> memref<!tpu.dma_semaphore, #tpu.memory_space<semaphore_mem>>
    tpu.enqueue_indirect_dma source(%dma_start3A_54 : memref<20480x128xf32, #tpu.memory_space<hbm>>) target(%dma_start3A_48 : memref<128x128xf32, #tpu.memory_space<vmem>>) offsets(%dma_start3A_51 : memref<128xi32, #tpu.memory_space<vmem>>) semaphore(%dma_start3A_56 : memref<!tpu.dma_semaphore, #tpu.memory_space<semaphore_mem>>)
    %mul3A_57 = arith.constant 80 : i32
    %mul3A_58 = arith.muli %arg1, %mul3A_57 : i32
    %add3A_59 = arith.constant 1 : i32
    %add3A_60 = arith.addi %mul3A_58, %add3A_59 : i32
    %mul3A_61 = arith.constant 128 : i32
    %mul3A_62 = arith.muli %add3A_60, %mul3A_61 : i32
    %dma_start3A_63 = arith.constant 1 : i32
    %dma_start3A_64 = arith.constant 1 : i32
    %dma_start3A_65 = arith.constant 0 : i32
    %dma_start3A_66 = tpu.memref_slice %arg8[%dma_start3A_63, %dma_start3A_65] : memref<2x128xi32, #tpu.memory_space<vmem>> -> memref<1x128xi32, #tpu.memory_space<vmem>>
    %dma_start3A_67 = tpu.memref_squeeze %dma_start3A_66 : memref<1x128xi32, #tpu.memory_space<vmem>> -> memref<128xi32, #tpu.memory_space<vmem>>
    %dma_start3A_68 = tpu.memref_slice %arg4[%mul3A_62] : memref<163840xi32, #tpu.memory_space<hbm>> -> memref<128xi32, #tpu.memory_space<hbm>>
    %dma_start3A_69 = tpu.memref_slice %arg11[%dma_start3A_64] : memref<2x!tpu.dma_semaphore, #tpu.memory_space<semaphore_mem>> -> memref<1x!tpu.dma_semaphore, #tpu.memory_space<semaphore_mem>>
    %dma_start3A_70 = tpu.memref_squeeze %dma_start3A_69 : memref<1x!tpu.dma_semaphore, #tpu.memory_space<semaphore_mem>> -> memref<!tpu.dma_semaphore, #tpu.memory_space<semaphore_mem>>
    %dma_start3A_71 = arith.constant 0 : i32
    %dma_start3A_72 = tpu.memref_slice %arg8[%dma_start3A_63, %dma_start3A_71] : memref<2x128xi32, #tpu.memory_space<vmem>> -> memref<1x128xi32, #tpu.memory_space<vmem>>
    %dma_start3A_73 = tpu.memref_squeeze %dma_start3A_72 : memref<1x128xi32, #tpu.memory_space<vmem>> -> memref<128xi32, #tpu.memory_space<vmem>>
    %dma_start3A_74 = tpu.memref_slice %arg4[%mul3A_62] : memref<163840xi32, #tpu.memory_space<hbm>> -> memref<128xi32, #tpu.memory_space<hbm>>
    tpu.enqueue_dma source(%dma_start3A_74 : memref<128xi32, #tpu.memory_space<hbm>>) target(%dma_start3A_73 : memref<128xi32, #tpu.memory_space<vmem>>) target_semaphore(%dma_start3A_70 : memref<!tpu.dma_semaphore, #tpu.memory_space<semaphore_mem>>)
    %scan3A = arith.constant 0 : i32
    %scan3A_75 = arith.constant 40 : i32
    %scan3A_76 = arith.addi %scan3A, %scan3A_75 : i32
    %scan3A_77 = arith.constant 1 : i32
    scf.for %scan3A_87 = %scan3A to %scan3A_76 step %scan3A_77  : i32 {
      %mul3A_88 = arith.constant 1 : i32
      %mul3A_89 = arith.muli %scan3A_87, %mul3A_88 : i32
      %add3A_90 = arith.constant 0 : i32
      %add3A_91 = arith.addi %add3A_90, %mul3A_89 : i32
      %mul3A_92 = arith.constant 2 : i32
      %mul3A_93 = arith.muli %add3A_91, %mul3A_92 : i32
      %add3A_94 = arith.constant 0 : i32
      %add3A_95 = arith.addi %mul3A_93, %add3A_94 : i32
      %dma_wait3A = arith.constant 0 : i32
      %dma_wait3A_96 = arith.constant 0 : i32
      %dma_wait3A_97 = arith.constant 0 : i32
      %dma_wait3A_98 = arith.constant 0 : i32
      %dma_wait3A_99 = tpu.memref_slice %arg9[%dma_wait3A, %dma_wait3A_97, %dma_wait3A_98] : memref<2x128x128xf32, #tpu.memory_space<vmem>> -> memref<1x128x128xf32, #tpu.memory_space<vmem>>
      %dma_wait3A_100 = tpu.memref_squeeze %dma_wait3A_99 : memref<1x128x128xf32, #tpu.memory_space<vmem>> -> memref<128x128xf32, #tpu.memory_space<vmem>>
      %dma_wait3A_101 = arith.constant 0 : i32
      %dma_wait3A_102 = tpu.memref_slice %arg7[%add3A_95, %dma_wait3A_101] : memref<80x128xi32, #tpu.memory_space<vmem>> -> memref<1x128xi32, #tpu.memory_space<vmem>>
      %dma_wait3A_103 = tpu.memref_squeeze %dma_wait3A_102 : memref<1x128xi32, #tpu.memory_space<vmem>> -> memref<128xi32, #tpu.memory_space<vmem>>
      %dma_wait3A_104 = arith.constant 0 : i32
      %dma_wait3A_105 = arith.constant 0 : i32
      %dma_wait3A_106 = tpu.memref_slice %arg2[%dma_wait3A_104, %dma_wait3A_105] : memref<20480x128xf32, #tpu.memory_space<hbm>> -> memref<20480x128xf32, #tpu.memory_space<hbm>>
      %dma_wait3A_107 = tpu.memref_slice %arg10[%dma_wait3A_96] : memref<2x!tpu.dma_semaphore, #tpu.memory_space<semaphore_mem>> -> memref<1x!tpu.dma_semaphore, #tpu.memory_space<semaphore_mem>>
      %dma_wait3A_108 = tpu.memref_squeeze %dma_wait3A_107 : memref<1x!tpu.dma_semaphore, #tpu.memory_space<semaphore_mem>> -> memref<!tpu.dma_semaphore, #tpu.memory_space<semaphore_mem>>
      tpu.wait_indirect_dma semaphore(%dma_wait3A_108 : memref<!tpu.dma_semaphore, #tpu.memory_space<semaphore_mem>>) src(%dma_wait3A_106 : memref<20480x128xf32, #tpu.memory_space<hbm>>) dst(%dma_wait3A_100 : memref<128x128xf32, #tpu.memory_space<vmem>>)
      %mul3A_109 = arith.constant 80 : i32
      %mul3A_110 = arith.muli %arg1, %mul3A_109 : i32
      %add3A_111 = arith.addi %mul3A_110, %add3A_95 : i32
      %mul3A_112 = arith.constant 128 : i32
      %mul3A_113 = arith.muli %add3A_111, %mul3A_112 : i32
      %dma_wait3A_114 = arith.constant 0 : i32
      %dma_wait3A_115 = arith.constant 0 : i32
      %dma_wait3A_116 = arith.constant 0 : i32
      %dma_wait3A_117 = tpu.memref_slice %arg8[%dma_wait3A_114, %dma_wait3A_116] : memref<2x128xi32, #tpu.memory_space<vmem>> -> memref<1x128xi32, #tpu.memory_space<vmem>>
      %dma_wait3A_118 = tpu.memref_squeeze %dma_wait3A_117 : memref<1x128xi32, #tpu.memory_space<vmem>> -> memref<128xi32, #tpu.memory_space<vmem>>
      %dma_wait3A_119 = tpu.memref_slice %arg4[%mul3A_113] : memref<163840xi32, #tpu.memory_space<hbm>> -> memref<128xi32, #tpu.memory_space<hbm>>
      %dma_wait3A_120 = tpu.memref_slice %arg11[%dma_wait3A_115] : memref<2x!tpu.dma_semaphore, #tpu.memory_space<semaphore_mem>> -> memref<1x!tpu.dma_semaphore, #tpu.memory_space<semaphore_mem>>
      %dma_wait3A_121 = tpu.memref_squeeze %dma_wait3A_120 : memref<1x!tpu.dma_semaphore, #tpu.memory_space<semaphore_mem>> -> memref<!tpu.dma_semaphore, #tpu.memory_space<semaphore_mem>>
      %dma_wait3A_122 = arith.constant 0 : i32
      %dma_wait3A_123 = tpu.memref_slice %arg8[%dma_wait3A_114, %dma_wait3A_122] : memref<2x128xi32, #tpu.memory_space<vmem>> -> memref<1x128xi32, #tpu.memory_space<vmem>>
      %dma_wait3A_124 = tpu.memref_squeeze %dma_wait3A_123 : memref<1x128xi32, #tpu.memory_space<vmem>> -> memref<128xi32, #tpu.memory_space<vmem>>
      %dma_wait3A_125 = tpu.memref_slice %arg4[%mul3A_113] : memref<163840xi32, #tpu.memory_space<hbm>> -> memref<128xi32, #tpu.memory_space<hbm>>
      tpu.wait_dma2 semaphore(%dma_wait3A_121 : memref<!tpu.dma_semaphore, #tpu.memory_space<semaphore_mem>>) src(%dma_wait3A_125 : memref<128xi32, #tpu.memory_space<hbm>>) dst(%dma_wait3A_124 : memref<128xi32, #tpu.memory_space<vmem>>)
      %run_scoped3A = arith.constant 0 : i32
      %run_scoped3A_126 = arith.constant 0 : i32
      "tpu.region"() ({
        %run_scoped3A_175 = tpu.sem_alloc : memref<!tpu.dma_semaphore, #tpu.memory_space<semaphore_mem>>
        %dma_start3A_176 = arith.constant 0 : i32
        %dma_start3A_177 = arith.constant 0 : i32
        %dma_start3A_178 = tpu.memref_slice %arg9[%run_scoped3A, %dma_start3A_176, %dma_start3A_177] : memref<2x128x128xf32, #tpu.memory_space<vmem>> -> memref<1x128x128xf32, #tpu.memory_space<vmem>>
        %dma_start3A_179 = tpu.memref_squeeze %dma_start3A_178 : memref<1x128x128xf32, #tpu.memory_space<vmem>> -> memref<128x128xf32, #tpu.memory_space<vmem>>
        %dma_start3A_180 = arith.constant 0 : i32
        %dma_start3A_181 = tpu.memref_slice %arg8[%run_scoped3A_126, %dma_start3A_180] : memref<2x128xi32, #tpu.memory_space<vmem>> -> memref<1x128xi32, #tpu.memory_space<vmem>>
        %dma_start3A_182 = tpu.memref_squeeze %dma_start3A_181 : memref<1x128xi32, #tpu.memory_space<vmem>> -> memref<128xi32, #tpu.memory_space<vmem>>
        %dma_start3A_183 = arith.constant 0 : i32
        %dma_start3A_184 = arith.constant 0 : i32
        %dma_start3A_185 = tpu.memref_slice %arg6[%dma_start3A_183, %dma_start3A_184] : memref<10240x128xf32, #tpu.memory_space<vmem_shared>> -> memref<10240x128xf32, #tpu.memory_space<vmem_shared>>
        tpu.enqueue_indirect_dma source(%dma_start3A_179 : memref<128x128xf32, #tpu.memory_space<vmem>>) target(%dma_start3A_185 : memref<10240x128xf32, #tpu.memory_space<vmem_shared>>) offsets(%dma_start3A_182 : memref<128xi32, #tpu.memory_space<vmem>>) semaphore(%run_scoped3A_175 : memref<!tpu.dma_semaphore, #tpu.memory_space<semaphore_mem>>) {add = true}
        %dma_wait3A_186 = arith.constant 0 : i32
        %dma_wait3A_187 = arith.constant 0 : i32
        %dma_wait3A_188 = tpu.memref_slice %arg9[%run_scoped3A, %dma_wait3A_186, %dma_wait3A_187] : memref<2x128x128xf32, #tpu.memory_space<vmem>> -> memref<1x128x128xf32, #tpu.memory_space<vmem>>
        %dma_wait3A_189 = tpu.memref_squeeze %dma_wait3A_188 : memref<1x128x128xf32, #tpu.memory_space<vmem>> -> memref<128x128xf32, #tpu.memory_space<vmem>>
        %dma_wait3A_190 = arith.constant 0 : i32
        %dma_wait3A_191 = tpu.memref_slice %arg8[%run_scoped3A_126, %dma_wait3A_190] : memref<2x128xi32, #tpu.memory_space<vmem>> -> memref<1x128xi32, #tpu.memory_space<vmem>>
        %dma_wait3A_192 = tpu.memref_squeeze %dma_wait3A_191 : memref<1x128xi32, #tpu.memory_space<vmem>> -> memref<128xi32, #tpu.memory_space<vmem>>
        %dma_wait3A_193 = arith.constant 0 : i32
        %dma_wait3A_194 = arith.constant 0 : i32
        %dma_wait3A_195 = tpu.memref_slice %arg6[%dma_wait3A_193, %dma_wait3A_194] : memref<10240x128xf32, #tpu.memory_space<vmem_shared>> -> memref<10240x128xf32, #tpu.memory_space<vmem_shared>>
        tpu.wait_indirect_dma semaphore(%run_scoped3A_175 : memref<!tpu.dma_semaphore, #tpu.memory_space<semaphore_mem>>) src(%dma_wait3A_189 : memref<128x128xf32, #tpu.memory_space<vmem>>) dst(%dma_wait3A_195 : memref<10240x128xf32, #tpu.memory_space<vmem_shared>>)
        tpu.yield
      }) : () -> ()
      %add3A_127 = arith.constant 2 : i32
      %add3A_128 = arith.addi %add3A_95, %add3A_127 : i32
      %lt3A = arith.constant 80 : i32
      %lt3A_129 = arith.cmpi slt, %add3A_128, %lt3A : i32
      %convert_element_type3A = arith.extui %lt3A_129 : i1 to i32
      %cond3A = arith.constant 0 : i32
      %cond3A_130 = arith.cmpi ne, %convert_element_type3A, %cond3A : i32
      scf.if %cond3A_130 {
        %dma_start3A_175 = arith.constant 0 : i32
        %dma_start3A_176 = arith.constant 0 : i32
        %dma_start3A_177 = arith.constant 0 : i32
        %dma_start3A_178 = arith.constant 0 : i32
        %dma_start3A_179 = tpu.memref_slice %arg9[%dma_start3A_175, %dma_start3A_177, %dma_start3A_178] : memref<2x128x128xf32, #tpu.memory_space<vmem>> -> memref<1x128x128xf32, #tpu.memory_space<vmem>>
        %dma_start3A_180 = tpu.memref_squeeze %dma_start3A_179 : memref<1x128x128xf32, #tpu.memory_space<vmem>> -> memref<128x128xf32, #tpu.memory_space<vmem>>
        %dma_start3A_181 = arith.constant 0 : i32
        %dma_start3A_182 = tpu.memref_slice %arg7[%add3A_128, %dma_start3A_181] : memref<80x128xi32, #tpu.memory_space<vmem>> -> memref<1x128xi32, #tpu.memory_space<vmem>>
        %dma_start3A_183 = tpu.memref_squeeze %dma_start3A_182 : memref<1x128xi32, #tpu.memory_space<vmem>> -> memref<128xi32, #tpu.memory_space<vmem>>
        %dma_start3A_184 = arith.constant 0 : i32
        %dma_start3A_185 = arith.constant 0 : i32
        %dma_start3A_186 = tpu.memref_slice %arg2[%dma_start3A_184, %dma_start3A_185] : memref<20480x128xf32, #tpu.memory_space<hbm>> -> memref<20480x128xf32, #tpu.memory_space<hbm>>
        %dma_start3A_187 = tpu.memref_slice %arg10[%dma_start3A_176] : memref<2x!tpu.dma_semaphore, #tpu.memory_space<semaphore_mem>> -> memref<1x!tpu.dma_semaphore, #tpu.memory_space<semaphore_mem>>
        %dma_start3A_188 = tpu.memref_squeeze %dma_start3A_187 : memref<1x!tpu.dma_semaphore, #tpu.memory_space<semaphore_mem>> -> memref<!tpu.dma_semaphore, #tpu.memory_space<semaphore_mem>>
        tpu.enqueue_indirect_dma source(%dma_start3A_186 : memref<20480x128xf32, #tpu.memory_space<hbm>>) target(%dma_start3A_180 : memref<128x128xf32, #tpu.memory_space<vmem>>) offsets(%dma_start3A_183 : memref<128xi32, #tpu.memory_space<vmem>>) semaphore(%dma_start3A_188 : memref<!tpu.dma_semaphore, #tpu.memory_space<semaphore_mem>>)
        %mul3A_189 = arith.constant 80 : i32
        %mul3A_190 = arith.muli %arg1, %mul3A_189 : i32
        %add3A_191 = arith.addi %mul3A_190, %add3A_128 : i32
        %mul3A_192 = arith.constant 128 : i32
        %mul3A_193 = arith.muli %add3A_191, %mul3A_192 : i32
        %dma_start3A_194 = arith.constant 0 : i32
        %dma_start3A_195 = arith.constant 0 : i32
        %dma_start3A_196 = arith.constant 0 : i32
        %dma_start3A_197 = tpu.memref_slice %arg8[%dma_start3A_194, %dma_start3A_196] : memref<2x128xi32, #tpu.memory_space<vmem>> -> memref<1x128xi32, #tpu.memory_space<vmem>>
        %dma_start3A_198 = tpu.memref_squeeze %dma_start3A_197 : memref<1x128xi32, #tpu.memory_space<vmem>> -> memref<128xi32, #tpu.memory_space<vmem>>
        %dma_start3A_199 = tpu.memref_slice %arg4[%mul3A_193] : memref<163840xi32, #tpu.memory_space<hbm>> -> memref<128xi32, #tpu.memory_space<hbm>>
        %dma_start3A_200 = tpu.memref_slice %arg11[%dma_start3A_195] : memref<2x!tpu.dma_semaphore, #tpu.memory_space<semaphore_mem>> -> memref<1x!tpu.dma_semaphore, #tpu.memory_space<semaphore_mem>>
        %dma_start3A_201 = tpu.memref_squeeze %dma_start3A_200 : memref<1x!tpu.dma_semaphore, #tpu.memory_space<semaphore_mem>> -> memref<!tpu.dma_semaphore, #tpu.memory_space<semaphore_mem>>
        %dma_start3A_202 = arith.constant 0 : i32
        %dma_start3A_203 = tpu.memref_slice %arg8[%dma_start3A_194, %dma_start3A_202] : memref<2x128xi32, #tpu.memory_space<vmem>> -> memref<1x128xi32, #tpu.memory_space<vmem>>
        %dma_start3A_204 = tpu.memref_squeeze %dma_start3A_203 : memref<1x128xi32, #tpu.memory_space<vmem>> -> memref<128xi32, #tpu.memory_space<vmem>>
        %dma_start3A_205 = tpu.memref_slice %arg4[%mul3A_193] : memref<163840xi32, #tpu.memory_space<hbm>> -> memref<128xi32, #tpu.memory_space<hbm>>
        tpu.enqueue_dma source(%dma_start3A_205 : memref<128xi32, #tpu.memory_space<hbm>>) target(%dma_start3A_204 : memref<128xi32, #tpu.memory_space<vmem>>) target_semaphore(%dma_start3A_201 : memref<!tpu.dma_semaphore, #tpu.memory_space<semaphore_mem>>)
      } else {
      }
      %mul3A_131 = arith.constant 2 : i32
      %mul3A_132 = arith.muli %add3A_91, %mul3A_131 : i32
      %add3A_133 = arith.constant 1 : i32
      %add3A_134 = arith.addi %mul3A_132, %add3A_133 : i32
      %dma_wait3A_135 = arith.constant 1 : i32
      %dma_wait3A_136 = arith.constant 1 : i32
      %dma_wait3A_137 = arith.constant 0 : i32
      %dma_wait3A_138 = arith.constant 0 : i32
      %dma_wait3A_139 = tpu.memref_slice %arg9[%dma_wait3A_135, %dma_wait3A_137, %dma_wait3A_138] : memref<2x128x128xf32, #tpu.memory_space<vmem>> -> memref<1x128x128xf32, #tpu.memory_space<vmem>>
      %dma_wait3A_140 = tpu.memref_squeeze %dma_wait3A_139 : memref<1x128x128xf32, #tpu.memory_space<vmem>> -> memref<128x128xf32, #tpu.memory_space<vmem>>
      %dma_wait3A_141 = arith.constant 0 : i32
      %dma_wait3A_142 = tpu.memref_slice %arg7[%add3A_134, %dma_wait3A_141] : memref<80x128xi32, #tpu.memory_space<vmem>> -> memref<1x128xi32, #tpu.memory_space<vmem>>
      %dma_wait3A_143 = tpu.memref_squeeze %dma_wait3A_142 : memref<1x128xi32, #tpu.memory_space<vmem>> -> memref<128xi32, #tpu.memory_space<vmem>>
      %dma_wait3A_144 = arith.constant 0 : i32
      %dma_wait3A_145 = arith.constant 0 : i32
      %dma_wait3A_146 = tpu.memref_slice %arg2[%dma_wait3A_144, %dma_wait3A_145] : memref<20480x128xf32, #tpu.memory_space<hbm>> -> memref<20480x128xf32, #tpu.memory_space<hbm>>
      %dma_wait3A_147 = tpu.memref_slice %arg10[%dma_wait3A_136] : memref<2x!tpu.dma_semaphore, #tpu.memory_space<semaphore_mem>> -> memref<1x!tpu.dma_semaphore, #tpu.memory_space<semaphore_mem>>
      %dma_wait3A_148 = tpu.memref_squeeze %dma_wait3A_147 : memref<1x!tpu.dma_semaphore, #tpu.memory_space<semaphore_mem>> -> memref<!tpu.dma_semaphore, #tpu.memory_space<semaphore_mem>>
      tpu.wait_indirect_dma semaphore(%dma_wait3A_148 : memref<!tpu.dma_semaphore, #tpu.memory_space<semaphore_mem>>) src(%dma_wait3A_146 : memref<20480x128xf32, #tpu.memory_space<hbm>>) dst(%dma_wait3A_140 : memref<128x128xf32, #tpu.memory_space<vmem>>)
      %mul3A_149 = arith.constant 80 : i32
      %mul3A_150 = arith.muli %arg1, %mul3A_149 : i32
      %add3A_151 = arith.addi %mul3A_150, %add3A_134 : i32
      %mul3A_152 = arith.constant 128 : i32
      %mul3A_153 = arith.muli %add3A_151, %mul3A_152 : i32
      %dma_wait3A_154 = arith.constant 1 : i32
      %dma_wait3A_155 = arith.constant 1 : i32
      %dma_wait3A_156 = arith.constant 0 : i32
      %dma_wait3A_157 = tpu.memref_slice %arg8[%dma_wait3A_154, %dma_wait3A_156] : memref<2x128xi32, #tpu.memory_space<vmem>> -> memref<1x128xi32, #tpu.memory_space<vmem>>
      %dma_wait3A_158 = tpu.memref_squeeze %dma_wait3A_157 : memref<1x128xi32, #tpu.memory_space<vmem>> -> memref<128xi32, #tpu.memory_space<vmem>>
      %dma_wait3A_159 = tpu.memref_slice %arg4[%mul3A_153] : memref<163840xi32, #tpu.memory_space<hbm>> -> memref<128xi32, #tpu.memory_space<hbm>>
      %dma_wait3A_160 = tpu.memref_slice %arg11[%dma_wait3A_155] : memref<2x!tpu.dma_semaphore, #tpu.memory_space<semaphore_mem>> -> memref<1x!tpu.dma_semaphore, #tpu.memory_space<semaphore_mem>>
      %dma_wait3A_161 = tpu.memref_squeeze %dma_wait3A_160 : memref<1x!tpu.dma_semaphore, #tpu.memory_space<semaphore_mem>> -> memref<!tpu.dma_semaphore, #tpu.memory_space<semaphore_mem>>
      %dma_wait3A_162 = arith.constant 0 : i32
      %dma_wait3A_163 = tpu.memref_slice %arg8[%dma_wait3A_154, %dma_wait3A_162] : memref<2x128xi32, #tpu.memory_space<vmem>> -> memref<1x128xi32, #tpu.memory_space<vmem>>
      %dma_wait3A_164 = tpu.memref_squeeze %dma_wait3A_163 : memref<1x128xi32, #tpu.memory_space<vmem>> -> memref<128xi32, #tpu.memory_space<vmem>>
      %dma_wait3A_165 = tpu.memref_slice %arg4[%mul3A_153] : memref<163840xi32, #tpu.memory_space<hbm>> -> memref<128xi32, #tpu.memory_space<hbm>>
      tpu.wait_dma2 semaphore(%dma_wait3A_161 : memref<!tpu.dma_semaphore, #tpu.memory_space<semaphore_mem>>) src(%dma_wait3A_165 : memref<128xi32, #tpu.memory_space<hbm>>) dst(%dma_wait3A_164 : memref<128xi32, #tpu.memory_space<vmem>>)
      %run_scoped3A_166 = arith.constant 1 : i32
      %run_scoped3A_167 = arith.constant 1 : i32
      "tpu.region"() ({
        %run_scoped3A_175 = tpu.sem_alloc : memref<!tpu.dma_semaphore, #tpu.memory_space<semaphore_mem>>
        %dma_start3A_176 = arith.constant 0 : i32
        %dma_start3A_177 = arith.constant 0 : i32
        %dma_start3A_178 = tpu.memref_slice %arg9[%run_scoped3A_166, %dma_start3A_176, %dma_start3A_177] : memref<2x128x128xf32, #tpu.memory_space<vmem>> -> memref<1x128x128xf32, #tpu.memory_space<vmem>>
        %dma_start3A_179 = tpu.memref_squeeze %dma_start3A_178 : memref<1x128x128xf32, #tpu.memory_space<vmem>> -> memref<128x128xf32, #tpu.memory_space<vmem>>
        %dma_start3A_180 = arith.constant 0 : i32
        %dma_start3A_181 = tpu.memref_slice %arg8[%run_scoped3A_167, %dma_start3A_180] : memref<2x128xi32, #tpu.memory_space<vmem>> -> memref<1x128xi32, #tpu.memory_space<vmem>>
        %dma_start3A_182 = tpu.memref_squeeze %dma_start3A_181 : memref<1x128xi32, #tpu.memory_space<vmem>> -> memref<128xi32, #tpu.memory_space<vmem>>
        %dma_start3A_183 = arith.constant 0 : i32
        %dma_start3A_184 = arith.constant 0 : i32
        %dma_start3A_185 = tpu.memref_slice %arg6[%dma_start3A_183, %dma_start3A_184] : memref<10240x128xf32, #tpu.memory_space<vmem_shared>> -> memref<10240x128xf32, #tpu.memory_space<vmem_shared>>
        tpu.enqueue_indirect_dma source(%dma_start3A_179 : memref<128x128xf32, #tpu.memory_space<vmem>>) target(%dma_start3A_185 : memref<10240x128xf32, #tpu.memory_space<vmem_shared>>) offsets(%dma_start3A_182 : memref<128xi32, #tpu.memory_space<vmem>>) semaphore(%run_scoped3A_175 : memref<!tpu.dma_semaphore, #tpu.memory_space<semaphore_mem>>) {add = true}
        %dma_wait3A_186 = arith.constant 0 : i32
        %dma_wait3A_187 = arith.constant 0 : i32
        %dma_wait3A_188 = tpu.memref_slice %arg9[%run_scoped3A_166, %dma_wait3A_186, %dma_wait3A_187] : memref<2x128x128xf32, #tpu.memory_space<vmem>> -> memref<1x128x128xf32, #tpu.memory_space<vmem>>
        %dma_wait3A_189 = tpu.memref_squeeze %dma_wait3A_188 : memref<1x128x128xf32, #tpu.memory_space<vmem>> -> memref<128x128xf32, #tpu.memory_space<vmem>>
        %dma_wait3A_190 = arith.constant 0 : i32
        %dma_wait3A_191 = tpu.memref_slice %arg8[%run_scoped3A_167, %dma_wait3A_190] : memref<2x128xi32, #tpu.memory_space<vmem>> -> memref<1x128xi32, #tpu.memory_space<vmem>>
        %dma_wait3A_192 = tpu.memref_squeeze %dma_wait3A_191 : memref<1x128xi32, #tpu.memory_space<vmem>> -> memref<128xi32, #tpu.memory_space<vmem>>
        %dma_wait3A_193 = arith.constant 0 : i32
        %dma_wait3A_194 = arith.constant 0 : i32
        %dma_wait3A_195 = tpu.memref_slice %arg6[%dma_wait3A_193, %dma_wait3A_194] : memref<10240x128xf32, #tpu.memory_space<vmem_shared>> -> memref<10240x128xf32, #tpu.memory_space<vmem_shared>>
        tpu.wait_indirect_dma semaphore(%run_scoped3A_175 : memref<!tpu.dma_semaphore, #tpu.memory_space<semaphore_mem>>) src(%dma_wait3A_189 : memref<128x128xf32, #tpu.memory_space<vmem>>) dst(%dma_wait3A_195 : memref<10240x128xf32, #tpu.memory_space<vmem_shared>>)
        tpu.yield
      }) : () -> ()
      %add3A_168 = arith.constant 2 : i32
      %add3A_169 = arith.addi %add3A_134, %add3A_168 : i32
      %lt3A_170 = arith.constant 80 : i32
      %lt3A_171 = arith.cmpi slt, %add3A_169, %lt3A_170 : i32
      %convert_element_type3A_172 = arith.extui %lt3A_171 : i1 to i32
      %cond3A_173 = arith.constant 0 : i32
      %cond3A_174 = arith.cmpi ne, %convert_element_type3A_172, %cond3A_173 : i32
      scf.if %cond3A_174 {
        %dma_start3A_175 = arith.constant 1 : i32
        %dma_start3A_176 = arith.constant 1 : i32
        %dma_start3A_177 = arith.constant 0 : i32
        %dma_start3A_178 = arith.constant 0 : i32
        %dma_start3A_179 = tpu.memref_slice %arg9[%dma_start3A_175, %dma_start3A_177, %dma_start3A_178] : memref<2x128x128xf32, #tpu.memory_space<vmem>> -> memref<1x128x128xf32, #tpu.memory_space<vmem>>
        %dma_start3A_180 = tpu.memref_squeeze %dma_start3A_179 : memref<1x128x128xf32, #tpu.memory_space<vmem>> -> memref<128x128xf32, #tpu.memory_space<vmem>>
        %dma_start3A_181 = arith.constant 0 : i32
        %dma_start3A_182 = tpu.memref_slice %arg7[%add3A_169, %dma_start3A_181] : memref<80x128xi32, #tpu.memory_space<vmem>> -> memref<1x128xi32, #tpu.memory_space<vmem>>
        %dma_start3A_183 = tpu.memref_squeeze %dma_start3A_182 : memref<1x128xi32, #tpu.memory_space<vmem>> -> memref<128xi32, #tpu.memory_space<vmem>>
        %dma_start3A_184 = arith.constant 0 : i32
        %dma_start3A_185 = arith.constant 0 : i32
        %dma_start3A_186 = tpu.memref_slice %arg2[%dma_start3A_184, %dma_start3A_185] : memref<20480x128xf32, #tpu.memory_space<hbm>> -> memref<20480x128xf32, #tpu.memory_space<hbm>>
        %dma_start3A_187 = tpu.memref_slice %arg10[%dma_start3A_176] : memref<2x!tpu.dma_semaphore, #tpu.memory_space<semaphore_mem>> -> memref<1x!tpu.dma_semaphore, #tpu.memory_space<semaphore_mem>>
        %dma_start3A_188 = tpu.memref_squeeze %dma_start3A_187 : memref<1x!tpu.dma_semaphore, #tpu.memory_space<semaphore_mem>> -> memref<!tpu.dma_semaphore, #tpu.memory_space<semaphore_mem>>
        tpu.enqueue_indirect_dma source(%dma_start3A_186 : memref<20480x128xf32, #tpu.memory_space<hbm>>) target(%dma_start3A_180 : memref<128x128xf32, #tpu.memory_space<vmem>>) offsets(%dma_start3A_183 : memref<128xi32, #tpu.memory_space<vmem>>) semaphore(%dma_start3A_188 : memref<!tpu.dma_semaphore, #tpu.memory_space<semaphore_mem>>)
        %mul3A_189 = arith.constant 80 : i32
        %mul3A_190 = arith.muli %arg1, %mul3A_189 : i32
        %add3A_191 = arith.addi %mul3A_190, %add3A_169 : i32
        %mul3A_192 = arith.constant 128 : i32
        %mul3A_193 = arith.muli %add3A_191, %mul3A_192 : i32
        %dma_start3A_194 = arith.constant 1 : i32
        %dma_start3A_195 = arith.constant 1 : i32
        %dma_start3A_196 = arith.constant 0 : i32
        %dma_start3A_197 = tpu.memref_slice %arg8[%dma_start3A_194, %dma_start3A_196] : memref<2x128xi32, #tpu.memory_space<vmem>> -> memref<1x128xi32, #tpu.memory_space<vmem>>
        %dma_start3A_198 = tpu.memref_squeeze %dma_start3A_197 : memref<1x128xi32, #tpu.memory_space<vmem>> -> memref<128xi32, #tpu.memory_space<vmem>>
        %dma_start3A_199 = tpu.memref_slice %arg4[%mul3A_193] : memref<163840xi32, #tpu.memory_space<hbm>> -> memref<128xi32, #tpu.memory_space<hbm>>
        %dma_start3A_200 = tpu.memref_slice %arg11[%dma_start3A_195] : memref<2x!tpu.dma_semaphore, #tpu.memory_space<semaphore_mem>> -> memref<1x!tpu.dma_semaphore, #tpu.memory_space<semaphore_mem>>
        %dma_start3A_201 = tpu.memref_squeeze %dma_start3A_200 : memref<1x!tpu.dma_semaphore, #tpu.memory_space<semaphore_mem>> -> memref<!tpu.dma_semaphore, #tpu.memory_space<semaphore_mem>>
        %dma_start3A_202 = arith.constant 0 : i32
        %dma_start3A_203 = tpu.memref_slice %arg8[%dma_start3A_194, %dma_start3A_202] : memref<2x128xi32, #tpu.memory_space<vmem>> -> memref<1x128xi32, #tpu.memory_space<vmem>>
        %dma_start3A_204 = tpu.memref_squeeze %dma_start3A_203 : memref<1x128xi32, #tpu.memory_space<vmem>> -> memref<128xi32, #tpu.memory_space<vmem>>
        %dma_start3A_205 = tpu.memref_slice %arg4[%mul3A_193] : memref<163840xi32, #tpu.memory_space<hbm>> -> memref<128xi32, #tpu.memory_space<hbm>>
        tpu.enqueue_dma source(%dma_start3A_205 : memref<128xi32, #tpu.memory_space<hbm>>) target(%dma_start3A_204 : memref<128xi32, #tpu.memory_space<vmem>>) target_semaphore(%dma_start3A_201 : memref<!tpu.dma_semaphore, #tpu.memory_space<semaphore_mem>>)
      } else {
      }
    }
    %scan3A_78 = arith.constant 40 : i32
    %barrier3A_79 = arith.constant 0 : index
    tpu.barrier barrier_id(%barrier3A_79)
    %mul3A_80 = arith.constant 640 : i32
    %mul3A_81 = arith.muli %arg1, %mul3A_80 : i32
    %mul3A_82 = arith.constant 10240 : i32
    %mul3A_83 = arith.muli %arg0, %mul3A_82 : i32
    %mul3A_84 = arith.constant 640 : i32
    %mul3A_85 = arith.muli %arg1, %mul3A_84 : i32
    %add3A_86 = arith.addi %mul3A_83, %mul3A_85 : i32
    "tpu.region"() ({
      %run_scoped3A = tpu.sem_alloc : memref<!tpu.dma_semaphore, #tpu.memory_space<semaphore_mem>>
      %dma_start3A_87 = arith.constant 0 : i32
      %dma_start3A_88 = tpu.memref_slice %arg5[%add3A_86, %dma_start3A_87] : memref<20480x128xf32, #tpu.memory_space<hbm>> -> memref<640x128xf32, #tpu.memory_space<hbm>>
      %dma_start3A_89 = arith.constant 0 : i32
      %dma_start3A_90 = tpu.memref_slice %arg6[%mul3A_81, %dma_start3A_89] : memref<10240x128xf32, #tpu.memory_space<vmem_shared>> -> memref<640x128xf32, #tpu.memory_space<vmem_shared>>
      tpu.enqueue_dma source(%dma_start3A_90 : memref<640x128xf32, #tpu.memory_space<vmem_shared>>) target(%dma_start3A_88 : memref<640x128xf32, #tpu.memory_space<hbm>>) target_semaphore(%run_scoped3A : memref<!tpu.dma_semaphore, #tpu.memory_space<semaphore_mem>>)
      %dma_wait3A = arith.constant 0 : i32
      %dma_wait3A_91 = tpu.memref_slice %arg5[%add3A_86, %dma_wait3A] : memref<20480x128xf32, #tpu.memory_space<hbm>> -> memref<640x128xf32, #tpu.memory_space<hbm>>
      %dma_wait3A_92 = arith.constant 0 : i32
      %dma_wait3A_93 = tpu.memref_slice %arg6[%mul3A_81, %dma_wait3A_92] : memref<10240x128xf32, #tpu.memory_space<vmem_shared>> -> memref<640x128xf32, #tpu.memory_space<vmem_shared>>
      tpu.wait_dma2 semaphore(%run_scoped3A : memref<!tpu.dma_semaphore, #tpu.memory_space<semaphore_mem>>) src(%dma_wait3A_93 : memref<640x128xf32, #tpu.memory_space<vmem_shared>>) dst(%dma_wait3A_91 : memref<640x128xf32, #tpu.memory_space<hbm>>)
      tpu.yield
    }) : () -> ()
    return
  }
}

module attributes {stable_mosaic.version = 14 : i64} {
  func.func @_mm_first_body(%arg0: i32, %arg1: memref<2048x256xf32, #tpu.memory_space<vmem>>, %arg2: memref<256x256xf32, #tpu.memory_space<vmem>>, %arg3: memref<2x2048x16xf32, #tpu.memory_space<vmem>>, %arg4: memref<2x2048x128xf32, #tpu.memory_space<vmem>>) attributes {dimension_semantics = [#tpu.dimension_semantics<arbitrary>], iteration_bounds = array<i64: 5>, scalar_prefetch = 0 : i64, scratch_operands = 0 : i64, tpu.core_type = #tpu.core_type<tc>, window_params = [{transform_indices = @transform_0, window_bounds = array<i64: 2048, 256>}, {pipeline_mode = #tpu.pipeline_mode<synchronous>, transform_indices = @transform_1, window_bounds = array<i64: 256, 256>}, {transform_indices = @transform_2, window_bounds = array<i64: 2, 2048, 16>}, {transform_indices = @transform_3, window_bounds = array<i64: 2, 2048, 128>}]} {
    %get3A = arith.constant 0 : index
    %get3A_0 = arith.constant 0 : index
    %get3A_1 = arith.constant 0 : index
    %get3A_2 = vector.load %arg3[%get3A, %get3A_0, %get3A_1] : memref<2x2048x16xf32, #tpu.memory_space<vmem>>, vector<2x2048x16xf32>
    %slice3A = vector.extract_strided_slice %get3A_2 {offsets = [0, 0, 0], sizes = [1, 2048, 1], strides = [1, 1, 1]} : vector<2x2048x16xf32> to vector<1x2048x1xf32>
    %squeeze3A = vector.shape_cast %slice3A : vector<1x2048x1xf32> to vector<2048x1xf32>
    %slice3A_3 = vector.extract_strided_slice %get3A_2 {offsets = [1, 0, 0], sizes = [1, 2048, 1], strides = [1, 1, 1]} : vector<2x2048x16xf32> to vector<1x2048x1xf32>
    %squeeze3A_4 = vector.shape_cast %slice3A_3 : vector<1x2048x1xf32> to vector<2048x1xf32>
    %add3A = arith.addf %squeeze3A, %squeeze3A_4 : vector<2048x1xf32>
    %add3A_5 = arith.constant 1.000000e+00 : f32
    %add3A_6 = vector.broadcast %add3A_5 : f32 to vector<2048x1xf32>
    %add3A_7 = arith.addf %add3A, %add3A_6 : vector<2048x1xf32>
    %rsqrt3A = math.rsqrt %add3A_7 : vector<2048x1xf32>
    %get3A_8 = arith.constant 0 : index
    %get3A_9 = arith.constant 0 : index
    %get3A_10 = vector.load %arg1[%get3A_8, %get3A_9] : memref<2048x256xf32, #tpu.memory_space<vmem>>, vector<2048x256xf32>
    %get3A_11 = arith.constant 0 : index
    %get3A_12 = arith.constant 0 : index
    %get3A_13 = vector.load %arg2[%get3A_11, %get3A_12] : memref<256x256xf32, #tpu.memory_space<vmem>>, vector<256x256xf32>
    %dot_general3A = arith.constant dense<0.000000e+00> : vector<2048x256xf32>
    %dot_general3A_14 = tpu.matmul %get3A_10, %get3A_13, %dot_general3A {dimension_numbers = #tpu.dot_dimension_numbers<[1], [0], [0], [1], [0, 0, 1, 1], [], []>, transpose_lhs_hint = false} : vector<2048x256xf32>, vector<256x256xf32>, vector<2048x256xf32> -> vector<2048x256xf32>
    %mul3A = vector.broadcast %rsqrt3A : vector<2048x1xf32> to vector<2048x256xf32>
    %mul3A_15 = arith.mulf %dot_general3A_14, %mul3A : vector<2048x256xf32>
    %slice3A_16 = vector.extract_strided_slice %mul3A_15 {offsets = [0, 0], sizes = [2048, 128], strides = [1, 1]} : vector<2048x256xf32> to vector<2048x128xf32>
    %swap3A = arith.constant 0 : index
    %swap3A_17 = arith.constant 0 : index
    %swap3A_18 = arith.constant 0 : index
    %swap3A_19 = vector.load %arg4[%swap3A, %swap3A_17, %swap3A_18] : memref<2x2048x128xf32, #tpu.memory_space<vmem>>, vector<1x2048x128xf32>
    %swap3A_20 = vector.shape_cast %swap3A_19 : vector<1x2048x128xf32> to vector<2048x128xf32>
    %swap3A_21 = vector.shape_cast %slice3A_16 : vector<2048x128xf32> to vector<1x2048x128xf32>
    tpu.vector_store %arg4[%swap3A, %swap3A_17, %swap3A_18], %swap3A_21 {strides = array<i32>} : memref<2x2048x128xf32, #tpu.memory_space<vmem>>, vector<1x2048x128xf32>,
    %slice3A_22 = vector.extract_strided_slice %mul3A_15 {offsets = [0, 128], sizes = [2048, 128], strides = [1, 1]} : vector<2048x256xf32> to vector<2048x128xf32>
    %swap3A_23 = arith.constant 1 : index
    %swap3A_24 = arith.constant 0 : index
    %swap3A_25 = arith.constant 0 : index
    %swap3A_26 = vector.load %arg4[%swap3A_23, %swap3A_24, %swap3A_25] : memref<2x2048x128xf32, #tpu.memory_space<vmem>>, vector<1x2048x128xf32>
    %swap3A_27 = vector.shape_cast %swap3A_26 : vector<1x2048x128xf32> to vector<2048x128xf32>
    %swap3A_28 = vector.shape_cast %slice3A_22 : vector<2048x128xf32> to vector<1x2048x128xf32>
    tpu.vector_store %arg4[%swap3A_23, %swap3A_24, %swap3A_25], %swap3A_28 {strides = array<i32>} : memref<2x2048x128xf32, #tpu.memory_space<vmem>>, vector<1x2048x128xf32>,
    return
  }
  func.func @transform_0(%arg0: i32) -> (i32, i32) {
    %c0_i32 = arith.constant 0 : i32
    %c0_i32_0 = arith.constant 0 : i32
    return %arg0, %c0_i32 : i32, i32
  }
  func.func @transform_1(%arg0: i32) -> (i32, i32) {
    %c0_i32 = arith.constant 0 : i32
    %c0_i32_0 = arith.constant 0 : i32
    %c0_i32_1 = arith.constant 0 : i32
    return %c0_i32, %c0_i32_0 : i32, i32
  }
  func.func @transform_2(%arg0: i32) -> (i32, i32, i32) {
    %c0_i32 = arith.constant 0 : i32
    %c0_i32_0 = arith.constant 0 : i32
    %c0_i32_1 = arith.constant 0 : i32
    return %c0_i32, %arg0, %c0_i32_0 : i32, i32, i32
  }
  func.func @transform_3(%arg0: i32) -> (i32, i32, i32) {
    %c0_i32 = arith.constant 0 : i32
    %c0_i32_0 = arith.constant 0 : i32
    %c0_i32_1 = arith.constant 0 : i32
    return %c0_i32, %arg0, %c0_i32_0 : i32, i32, i32
  }
}

module attributes {stable_mosaic.version = 14 : i64} {
  func.func @_mm_mid_body(%arg0: i32, %arg1: memref<2x2048x128xf32, #tpu.memory_space<vmem>>, %arg2: memref<256x256xf32, #tpu.memory_space<vmem>>, %arg3: memref<2x2048x16xf32, #tpu.memory_space<vmem>>, %arg4: memref<2x2048x128xf32, #tpu.memory_space<vmem>>) attributes {dimension_semantics = [#tpu.dimension_semantics<arbitrary>], iteration_bounds = array<i64: 5>, scalar_prefetch = 0 : i64, scratch_operands = 0 : i64, tpu.core_type = #tpu.core_type<tc>, window_params = [{transform_indices = @transform_0, window_bounds = array<i64: 2, 2048, 128>}, {pipeline_mode = #tpu.pipeline_mode<synchronous>, transform_indices = @transform_1, window_bounds = array<i64: 256, 256>}, {transform_indices = @transform_2, window_bounds = array<i64: 2, 2048, 16>}, {transform_indices = @transform_3, window_bounds = array<i64: 2, 2048, 128>}]} {
    %get3A = arith.constant 0 : index
    %get3A_0 = arith.constant 0 : index
    %get3A_1 = arith.constant 0 : index
    %get3A_2 = vector.load %arg1[%get3A, %get3A_0, %get3A_1] : memref<2x2048x128xf32, #tpu.memory_space<vmem>>, vector<2x2048x128xf32>
    %get3A_3 = arith.constant 0 : index
    %get3A_4 = arith.constant 0 : index
    %get3A_5 = arith.constant 0 : index
    %get3A_6 = vector.load %arg3[%get3A_3, %get3A_4, %get3A_5] : memref<2x2048x16xf32, #tpu.memory_space<vmem>>, vector<2x2048x16xf32>
    %slice3A = vector.extract_strided_slice %get3A_6 {offsets = [0, 0, 0], sizes = [1, 2048, 1], strides = [1, 1, 1]} : vector<2x2048x16xf32> to vector<1x2048x1xf32>
    %squeeze3A = vector.shape_cast %slice3A : vector<1x2048x1xf32> to vector<2048x1xf32>
    %slice3A_7 = vector.extract_strided_slice %get3A_6 {offsets = [1, 0, 0], sizes = [1, 2048, 1], strides = [1, 1, 1]} : vector<2x2048x16xf32> to vector<1x2048x1xf32>
    %squeeze3A_8 = vector.shape_cast %slice3A_7 : vector<1x2048x1xf32> to vector<2048x1xf32>
    %add3A = arith.addf %squeeze3A, %squeeze3A_8 : vector<2048x1xf32>
    %add3A_9 = arith.constant 1.000000e+00 : f32
    %add3A_10 = vector.broadcast %add3A_9 : f32 to vector<2048x1xf32>
    %add3A_11 = arith.addf %add3A, %add3A_10 : vector<2048x1xf32>
    %rsqrt3A = math.rsqrt %add3A_11 : vector<2048x1xf32>
    %slice3A_12 = vector.extract_strided_slice %get3A_2 {offsets = [0, 0, 0], sizes = [1, 2048, 128], strides = [1, 1, 1]} : vector<2x2048x128xf32> to vector<1x2048x128xf32>
    %squeeze3A_13 = vector.shape_cast %slice3A_12 : vector<1x2048x128xf32> to vector<2048x128xf32>
    %slice3A_14 = vector.extract_strided_slice %get3A_2 {offsets = [1, 0, 0], sizes = [1, 2048, 128], strides = [1, 1, 1]} : vector<2x2048x128xf32> to vector<1x2048x128xf32>
    %squeeze3A_15 = vector.shape_cast %slice3A_14 : vector<1x2048x128xf32> to vector<2048x128xf32>
    %concatenate3A = tpu.concatenate %squeeze3A_13, %squeeze3A_15 in 1 : vector<2048x128xf32>, vector<2048x128xf32> -> vector<2048x256xf32>
    %mul3A = vector.broadcast %rsqrt3A : vector<2048x1xf32> to vector<2048x256xf32>
    %mul3A_16 = arith.mulf %concatenate3A, %mul3A : vector<2048x256xf32>
    %max3A = arith.constant 0.000000e+00 : f32
    %max3A_17 = vector.broadcast %max3A : f32 to vector<2048x256xf32>
    %max3A_18 = arith.maximumf %mul3A_16, %max3A_17 : vector<2048x256xf32>
    %get3A_19 = arith.constant 0 : index
    %get3A_20 = arith.constant 0 : index
    %get3A_21 = vector.load %arg2[%get3A_19, %get3A_20] : memref<256x256xf32, #tpu.memory_space<vmem>>, vector<256x256xf32>
    %dot_general3A = arith.constant dense<0.000000e+00> : vector<2048x256xf32>
    %dot_general3A_22 = tpu.matmul %max3A_18, %get3A_21, %dot_general3A {dimension_numbers = #tpu.dot_dimension_numbers<[1], [0], [0], [1], [0, 0, 1, 1], [], []>, transpose_lhs_hint = false} : vector<2048x256xf32>, vector<256x256xf32>, vector<2048x256xf32> -> vector<2048x256xf32>
    %mul3A_23 = vector.broadcast %rsqrt3A : vector<2048x1xf32> to vector<2048x256xf32>
    %mul3A_24 = arith.mulf %dot_general3A_22, %mul3A_23 : vector<2048x256xf32>
    %slice3A_25 = vector.extract_strided_slice %mul3A_24 {offsets = [0, 0], sizes = [2048, 128], strides = [1, 1]} : vector<2048x256xf32> to vector<2048x128xf32>
    %swap3A = arith.constant 0 : index
    %swap3A_26 = arith.constant 0 : index
    %swap3A_27 = arith.constant 0 : index
    %swap3A_28 = vector.load %arg4[%swap3A, %swap3A_26, %swap3A_27] : memref<2x2048x128xf32, #tpu.memory_space<vmem>>, vector<1x2048x128xf32>
    %swap3A_29 = vector.shape_cast %swap3A_28 : vector<1x2048x128xf32> to vector<2048x128xf32>
    %swap3A_30 = vector.shape_cast %slice3A_25 : vector<2048x128xf32> to vector<1x2048x128xf32>
    tpu.vector_store %arg4[%swap3A, %swap3A_26, %swap3A_27], %swap3A_30 {strides = array<i32>} : memref<2x2048x128xf32, #tpu.memory_space<vmem>>, vector<1x2048x128xf32>,
    %slice3A_31 = vector.extract_strided_slice %mul3A_24 {offsets = [0, 128], sizes = [2048, 128], strides = [1, 1]} : vector<2048x256xf32> to vector<2048x128xf32>
    %swap3A_32 = arith.constant 1 : index
    %swap3A_33 = arith.constant 0 : index
    %swap3A_34 = arith.constant 0 : index
    %swap3A_35 = vector.load %arg4[%swap3A_32, %swap3A_33, %swap3A_34] : memref<2x2048x128xf32, #tpu.memory_space<vmem>>, vector<1x2048x128xf32>
    %swap3A_36 = vector.shape_cast %swap3A_35 : vector<1x2048x128xf32> to vector<2048x128xf32>
    %swap3A_37 = vector.shape_cast %slice3A_31 : vector<2048x128xf32> to vector<1x2048x128xf32>
    tpu.vector_store %arg4[%swap3A_32, %swap3A_33, %swap3A_34], %swap3A_37 {strides = array<i32>} : memref<2x2048x128xf32, #tpu.memory_space<vmem>>, vector<1x2048x128xf32>,
    return
  }
  func.func @transform_0(%arg0: i32) -> (i32, i32, i32) {
    %c0_i32 = arith.constant 0 : i32
    %c0_i32_0 = arith.constant 0 : i32
    %c0_i32_1 = arith.constant 0 : i32
    return %c0_i32, %arg0, %c0_i32_0 : i32, i32, i32
  }
  func.func @transform_1(%arg0: i32) -> (i32, i32) {
    %c0_i32 = arith.constant 0 : i32
    %c0_i32_0 = arith.constant 0 : i32
    %c0_i32_1 = arith.constant 0 : i32
    return %c0_i32, %c0_i32_0 : i32, i32
  }
  func.func @transform_2(%arg0: i32) -> (i32, i32, i32) {
    %c0_i32 = arith.constant 0 : i32
    %c0_i32_0 = arith.constant 0 : i32
    %c0_i32_1 = arith.constant 0 : i32
    return %c0_i32, %arg0, %c0_i32_0 : i32, i32, i32
  }
  func.func @transform_3(%arg0: i32) -> (i32, i32, i32) {
    %c0_i32 = arith.constant 0 : i32
    %c0_i32_0 = arith.constant 0 : i32
    %c0_i32_1 = arith.constant 0 : i32
    return %c0_i32, %arg0, %c0_i32_0 : i32, i32, i32
  }
}

module attributes {stable_mosaic.version = 14 : i64} {
  func.func @_pool_body(%arg0: i32, %arg1: memref<2x2000x128xf32, #tpu.memory_space<vmem>>, %arg2: memref<2x2000x16xf32, #tpu.memory_space<vmem>>, %arg3: memref<2000x1xi32, #tpu.memory_space<vmem>>, %arg4: memref<2000x256xf32, #tpu.memory_space<vmem>>, %arg5: memref<64x256xf32, #tpu.memory_space<vmem>>, %arg6: memref<64x256xf32, #tpu.memory_space<vmem>>, %arg7: memref<64x128xf32, #tpu.memory_space<vmem>>) attributes {dimension_semantics = [#tpu.dimension_semantics<arbitrary>], iteration_bounds = array<i64: 5>, scalar_prefetch = 0 : i64, scratch_operands = 2 : i64, tpu.core_type = #tpu.core_type<tc>, window_params = [{transform_indices = @transform_0, window_bounds = array<i64: 2, 2000, 128>}, {transform_indices = @transform_1, window_bounds = array<i64: 2, 2000, 16>}, {transform_indices = @transform_2, window_bounds = array<i64: 2000, 1>}, {transform_indices = @transform_3, window_bounds = array<i64: 2000, 256>}, {pipeline_mode = #tpu.pipeline_mode<synchronous>, transform_indices = @transform_4, window_bounds = array<i64: 64, 256>}]} {
    %get3A = arith.constant 0 : index
    %get3A_0 = arith.constant 0 : index
    %get3A_1 = arith.constant 0 : index
    %get3A_2 = vector.load %arg1[%get3A, %get3A_0, %get3A_1] : memref<2x2000x128xf32, #tpu.memory_space<vmem>>, vector<2x2000x128xf32>
    %get3A_3 = arith.constant 0 : index
    %get3A_4 = arith.constant 0 : index
    %get3A_5 = arith.constant 0 : index
    %get3A_6 = vector.load %arg2[%get3A_3, %get3A_4, %get3A_5] : memref<2x2000x16xf32, #tpu.memory_space<vmem>>, vector<2x2000x16xf32>
    %slice3A = vector.extract_strided_slice %get3A_6 {offsets = [0, 0, 0], sizes = [1, 2000, 1], strides = [1, 1, 1]} : vector<2x2000x16xf32> to vector<1x2000x1xf32>
    %squeeze3A = vector.shape_cast %slice3A : vector<1x2000x1xf32> to vector<2000x1xf32>
    %slice3A_7 = vector.extract_strided_slice %get3A_6 {offsets = [1, 0, 0], sizes = [1, 2000, 1], strides = [1, 1, 1]} : vector<2x2000x16xf32> to vector<1x2000x1xf32>
    %squeeze3A_8 = vector.shape_cast %slice3A_7 : vector<1x2000x1xf32> to vector<2000x1xf32>
    %add3A = arith.addf %squeeze3A, %squeeze3A_8 : vector<2000x1xf32>
    %add3A_9 = arith.constant 1.000000e+00 : f32
    %add3A_10 = vector.broadcast %add3A_9 : f32 to vector<2000x1xf32>
    %add3A_11 = arith.addf %add3A, %add3A_10 : vector<2000x1xf32>
    %rsqrt3A = math.rsqrt %add3A_11 : vector<2000x1xf32>
    %slice3A_12 = vector.extract_strided_slice %get3A_2 {offsets = [0, 0, 0], sizes = [1, 2000, 128], strides = [1, 1, 1]} : vector<2x2000x128xf32> to vector<1x2000x128xf32>
    %squeeze3A_13 = vector.shape_cast %slice3A_12 : vector<1x2000x128xf32> to vector<2000x128xf32>
    %slice3A_14 = vector.extract_strided_slice %get3A_2 {offsets = [1, 0, 0], sizes = [1, 2000, 128], strides = [1, 1, 1]} : vector<2x2000x128xf32> to vector<1x2000x128xf32>
    %squeeze3A_15 = vector.shape_cast %slice3A_14 : vector<1x2000x128xf32> to vector<2000x128xf32>
    %concatenate3A = tpu.concatenate %squeeze3A_13, %squeeze3A_15 in 1 : vector<2000x128xf32>, vector<2000x128xf32> -> vector<2000x256xf32>
    %mul3A = vector.broadcast %rsqrt3A : vector<2000x1xf32> to vector<2000x256xf32>
    %mul3A_16 = arith.mulf %concatenate3A, %mul3A : vector<2000x256xf32>
    %max3A = arith.constant 0.000000e+00 : f32
    %max3A_17 = vector.broadcast %max3A : f32 to vector<2000x256xf32>
    %max3A_18 = arith.maximumf %mul3A_16, %max3A_17 : vector<2000x256xf32>
    %swap3A = arith.constant 0 : index
    %swap3A_19 = arith.constant 0 : index
    %swap3A_20 = vector.load %arg4[%swap3A, %swap3A_19] : memref<2000x256xf32, #tpu.memory_space<vmem>>, vector<2000x256xf32>
    tpu.vector_store %arg4[%swap3A, %swap3A_19], %max3A_18 {strides = array<i32>} : memref<2000x256xf32, #tpu.memory_space<vmem>>, vector<2000x256xf32>,
    %get3A_21 = arith.constant 0 : index
    %get3A_22 = arith.constant 0 : index
    %get3A_23 = vector.load %arg3[%get3A_21, %get3A_22] : memref<2000x1xi32, #tpu.memory_space<vmem>>, vector<2000x1xi32>
    %iota3A = tpu.iota {dimensions = array<i32: 1>} : vector<2000x64xi32>
    %eq3A = vector.broadcast %get3A_23 : vector<2000x1xi32> to vector<2000x64xi32>
    %eq3A_24 = arith.cmpi eq, %eq3A, %iota3A : vector<2000x64xi32>
    %convert_element_type3A = arith.extui %eq3A_24 : vector<2000x64xi1> to vector<2000x64xi32>
    %convert_element_type3A_25 = arith.sitofp %convert_element_type3A : vector<2000x64xi32> to vector<2000x64xf32>
    %dot_general3A = arith.constant dense<0.000000e+00> : vector<64x256xf32>
    %dot_general3A_26 = tpu.matmul %convert_element_type3A_25, %max3A_18, %dot_general3A {dimension_numbers = #tpu.dot_dimension_numbers<[0], [0], [1], [1], [0, 1, 1, 1], [], []>, transpose_lhs_hint = false} : vector<2000x64xf32>, vector<2000x256xf32>, vector<64x256xf32> -> vector<64x256xf32>
    %broadcast_in_dim3A = arith.constant 1.000000e+00 : f32
    %broadcast_in_dim3A_27 = vector.broadcast %broadcast_in_dim3A : f32 to vector<2000x128xf32>
    %dot_general3A_28 = arith.constant dense<0.000000e+00> : vector<64x128xf32>
    %dot_general3A_29 = tpu.matmul %convert_element_type3A_25, %broadcast_in_dim3A_27, %dot_general3A_28 {dimension_numbers = #tpu.dot_dimension_numbers<[0], [0], [1], [1], [0, 1, 1, 1], [], []>, transpose_lhs_hint = false} : vector<2000x64xf32>, vector<2000x128xf32>, vector<64x128xf32> -> vector<64x128xf32>
    %eq3A_30 = arith.constant 0 : i32
    %eq3A_31 = arith.cmpi eq, %arg0, %eq3A_30 : i32
    %convert_element_type3A_32 = arith.extui %eq3A_31 : i1 to i32
    %cond3A = arith.constant 0 : i32
    %cond3A_33 = arith.cmpi ne, %convert_element_type3A_32, %cond3A : i32
    scf.if %cond3A_33 {
      %swap3A_43 = arith.constant 0 : index
      %swap3A_44 = arith.constant 0 : index
      %swap3A_45 = vector.load %arg6[%swap3A_43, %swap3A_44] : memref<64x256xf32, #tpu.memory_space<vmem>>, vector<64x256xf32>
      tpu.vector_store %arg6[%swap3A_43, %swap3A_44], %dot_general3A_26 {strides = array<i32>} : memref<64x256xf32, #tpu.memory_space<vmem>>, vector<64x256xf32>,
      %swap3A_46 = arith.constant 0 : index
      %swap3A_47 = arith.constant 0 : index
      %swap3A_48 = vector.load %arg7[%swap3A_46, %swap3A_47] : memref<64x128xf32, #tpu.memory_space<vmem>>, vector<64x128xf32>
      tpu.vector_store %arg7[%swap3A_46, %swap3A_47], %dot_general3A_29 {strides = array<i32>} : memref<64x128xf32, #tpu.memory_space<vmem>>, vector<64x128xf32>,
    } else {
    }
    %gt3A = arith.constant 0 : i32
    %gt3A_34 = arith.cmpi sgt, %arg0, %gt3A : i32
    %convert_element_type3A_35 = arith.extui %gt3A_34 : i1 to i32
    %cond3A_36 = arith.constant 0 : i32
    %cond3A_37 = arith.cmpi ne, %convert_element_type3A_35, %cond3A_36 : i32
    scf.if %cond3A_37 {
      %get3A_43 = arith.constant 0 : index
      %get3A_44 = arith.constant 0 : index
      %get3A_45 = vector.load %arg6[%get3A_43, %get3A_44] : memref<64x256xf32, #tpu.memory_space<vmem>>, vector<64x256xf32>
      %add3A_46 = arith.addf %get3A_45, %dot_general3A_26 : vector<64x256xf32>
      %swap3A_47 = arith.constant 0 : index
      %swap3A_48 = arith.constant 0 : index
      %swap3A_49 = vector.load %arg6[%swap3A_47, %swap3A_48] : memref<64x256xf32, #tpu.memory_space<vmem>>, vector<64x256xf32>
      tpu.vector_store %arg6[%swap3A_47, %swap3A_48], %add3A_46 {strides = array<i32>} : memref<64x256xf32, #tpu.memory_space<vmem>>, vector<64x256xf32>,
      %get3A_50 = arith.constant 0 : index
      %get3A_51 = arith.constant 0 : index
      %get3A_52 = vector.load %arg7[%get3A_50, %get3A_51] : memref<64x128xf32, #tpu.memory_space<vmem>>, vector<64x128xf32>
      %add3A_53 = arith.addf %get3A_52, %dot_general3A_29 : vector<64x128xf32>
      %swap3A_54 = arith.constant 0 : index
      %swap3A_55 = arith.constant 0 : index
      %swap3A_56 = vector.load %arg7[%swap3A_54, %swap3A_55] : memref<64x128xf32, #tpu.memory_space<vmem>>, vector<64x128xf32>
      tpu.vector_store %arg7[%swap3A_54, %swap3A_55], %add3A_53 {strides = array<i32>} : memref<64x128xf32, #tpu.memory_space<vmem>>, vector<64x128xf32>,
    } else {
    }
    %eq3A_38 = arith.constant 4 : i32
    %eq3A_39 = arith.cmpi eq, %arg0, %eq3A_38 : i32
    %convert_element_type3A_40 = arith.extui %eq3A_39 : i1 to i32
    %cond3A_41 = arith.constant 0 : i32
    %cond3A_42 = arith.cmpi ne, %convert_element_type3A_40, %cond3A_41 : i32
    scf.if %cond3A_42 {
      %get3A_43 = arith.constant 0 : index
      %get3A_44 = arith.constant 0 : index
      %get3A_45 = vector.load %arg7[%get3A_43, %get3A_44] : memref<64x128xf32, #tpu.memory_space<vmem>>, vector<64x128xf32>
      %slice3A_46 = vector.extract_strided_slice %get3A_45 {offsets = [0, 0], sizes = [64, 1], strides = [1, 1]} : vector<64x128xf32> to vector<64x1xf32>
      %max3A_47 = arith.constant 1.000000e+00 : f32
      %max3A_48 = vector.broadcast %max3A_47 : f32 to vector<64x1xf32>
      %max3A_49 = arith.maximumf %slice3A_46, %max3A_48 : vector<64x1xf32>
      %get3A_50 = arith.constant 0 : index
      %get3A_51 = arith.constant 0 : index
      %get3A_52 = vector.load %arg6[%get3A_50, %get3A_51] : memref<64x256xf32, #tpu.memory_space<vmem>>, vector<64x256xf32>
      %div3A = vector.broadcast %max3A_49 : vector<64x1xf32> to vector<64x256xf32>
      %div3A_53 = arith.divf %get3A_52, %div3A : vector<64x256xf32>
      %swap3A_54 = arith.constant 0 : index
      %swap3A_55 = arith.constant 0 : index
      %swap3A_56 = vector.load %arg5[%swap3A_54, %swap3A_55] : memref<64x256xf32, #tpu.memory_space<vmem>>, vector<64x256xf32>
      tpu.vector_store %arg5[%swap3A_54, %swap3A_55], %div3A_53 {strides = array<i32>} : memref<64x256xf32, #tpu.memory_space<vmem>>, vector<64x256xf32>,
    } else {
    }
    return
  }
  func.func @transform_0(%arg0: i32) -> (i32, i32, i32) {
    %c0_i32 = arith.constant 0 : i32
    %c0_i32_0 = arith.constant 0 : i32
    %c0_i32_1 = arith.constant 0 : i32
    return %c0_i32, %arg0, %c0_i32_0 : i32, i32, i32
  }
  func.func @transform_1(%arg0: i32) -> (i32, i32, i32) {
    %c0_i32 = arith.constant 0 : i32
    %c0_i32_0 = arith.constant 0 : i32
    %c0_i32_1 = arith.constant 0 : i32
    return %c0_i32, %arg0, %c0_i32_0 : i32, i32, i32
  }
  func.func @transform_2(%arg0: i32) -> (i32, i32) {
    %c0_i32 = arith.constant 0 : i32
    %c0_i32_0 = arith.constant 0 : i32
    return %arg0, %c0_i32 : i32, i32
  }
  func.func @transform_3(%arg0: i32) -> (i32, i32) {
    %c0_i32 = arith.constant 0 : i32
    %c0_i32_0 = arith.constant 0 : i32
    return %arg0, %c0_i32 : i32, i32
  }
  func.func @transform_4(%arg0: i32) -> (i32, i32) {
    %c0_i32 = arith.constant 0 : i32
    %c0_i32_0 = arith.constant 0 : i32
    %c0_i32_1 = arith.constant 0 : i32
    return %c0_i32, %c0_i32_0 : i32, i32
  }
}

</mosaic_0001>

<sc_bundles>
// kernel: kernel.10.cloned.1.call-start
scs
__scs_entry_jumppad:
0x0: {  	(pc) =	sbr.rel $0x88, $3  }
0x1: {  	(tag) =	ssettag $0x0;
	lr =	simm.s32 $0x1  }
0x2: {  	[smem:$0x3F9B] =	sst lr;
	_ =	strace $0xD0000000  }
0x3: {  	_ = 	snop  }
0x4: {  	_ = 	snop  }
0x5: {  	_ = 	snop  }
0x6: {  	_ = 	snop  }
0x7: {  	_ = 	snop  }
__scs_overlays_trampoline_lowered:
0x8: {  	[smem:$0x3FAA] =	sst s0  }
0x9: {  	[smem:$0x3FAB] =	sst s1  }
0xa: {  	[smem:$0x3FAC] =	sst s2  }
0xb: {  	[smem:$0x3FAD] =	sst s3  }
0xc: {  	[smem:$0x3FAE] =	sst s4  }
0xd: {  	[smem:$0x3FAF] =	sst s5  }
0xe: {  	[smem:$0x3FB0] =	sst s6  }
0xf: {  	[smem:$0x3FB1] =	sst s7  }
0x10: {  	[smem:$0x3FB2] =	sst s8  }
0x11: {  	[smem:$0x3FB3] =	sst s9;
	s0 =	simm.s32 @!p0 $0x0  }
0x12: {  	s1 =	sld [smem:$0x3F99];
	s0 =	simm.s32 @p0 $0x1  }
0x13: {  	[smem:$0x3FB4] =	sst s0;
	s0 =	simm.s32 @!p1 $0x0  }
0x14: {  	s2 =	sld [smem:$0x3F98];
	s0 =	simm.s32 @p1 $0x1  }
0x15: {  	[smem:$0x3FB5] =	sst s0;
	s0 =	simm.s32 @!p2 $0x0  }
0x16: {  	s3 =	sld [smem:$0x3FDB];
	s0 =	simm.s32 @p2 $0x1  }
0x17: {  	s4 =	simm.s32 $0x1BF5;
	[smem:$0x3FB7] =	sst s0  }
0x18: {  	s0 =	sld [smem:$0x3F9A];
	_ =	swait.ge [sflag:s4], $0x0  }
0x19: {  	s7 =	sld [smem:$0x3F9B]  }
0x1a: {  	s8 =	sadd.s32 $0xFFFFE003, lr  }
0x1b: {  	s9 =	sadd.s32 $0xFFFFFEF7, lr;
	s5 =	simm.s32 $0xFFFFFFFF;
	p2 =	slt.u32 s8, $0xFFFFF086  }
0x1c: {  	p1 =	slt.u32 s9, $0xF7A;
	s5 =	simm.s32 @!p2 $0x0  }
0x1d: {  	s5 =	simm.s32 @p1 $0x1;
	p0 =	seq.s32 s7, s2  }
0x1e: {  	s7 =	smul.u32 @!p0 $0xF7A, s2;
	p2 =	seq.s32 @!p0 s5, $0x0  }
0x1f: {  	s9 =	smul.u32 $0xF7A, s1;
	s8 =	simm.s32 @!p0 $0x1BF5;
	p2 =	por !p2, p0  }
0x20: {  	[sflag:s8] =	ssyncset.s32 @!p0 $0xFFFFF086;
	s6 =	sadd.s32 @!p0 s3, s7;
	s7 =	simm.s32 @!p0 $0x108  }
0x21: {  	s3 =	sadd.s32 s3, s9;
	s6 =	sadd.s32 @!p0 $0x88, s6;
	s7 =	simm.s32 @p2 $0x1082  }
0x22: {  	[simem:s7], [sflag:s8] =	dma.local @!p0 [hbm:s6], $0xF7A  }
0x23: {  	s9 =	sor.u32 $0xD0000000, s2;
	s6 =	simm.s32 $0x108;
	_ =	swait.ge @!p0 [sflag:s8], $0x0  }
0x24: {  	s3 =	sadd.s32 $0x88, s3;
	s6 =	simm.s32 @!p1 $0x1082;
	[sflag:s4] =	ssyncset.s32 $0xFFFFF086  }
0x25: {  	[simem:s6], [sflag:s4] =	dma.local [hbm:s3], $0xF7A  }
0x26: {  	[smem:$0x3F9B] =	sst s1;
	(tag) =	ssettag s2;
	_ =	strace s9  }
0x27: {  	s1 =	sld [smem:$0x3FAB]  }
0x28: {  	s2 =	sld [smem:$0x3FAC]  }
0x29: {  	s4 =	sld [smem:$0x3FAE]  }
0x2a: {  	p0 =	seq.s32 s5, $0x0;
	s5 =	sld [smem:$0x3FAF]  }
0x2b: {  	s6 =	sld [smem:$0x3FB0]  }
0x2c: {  	s7 =	sld [smem:$0x3FB1]  }
0x2d: {  	s3 =	simm.s32 $0x108;
	s8 =	sld [smem:$0x3FB2]  }
0x2e: {  	s3 =	simm.s32 @!p0 $0x1082;
	s9 =	sld [smem:$0x3FB3]  }
0x2f: {  	lr =	sadd.s32 s0, s3;
	s0 =	sld [smem:$0x3FAA]  }
0x30: {  	s3 =	sld [smem:$0x3FAD]  }
0x31: {  	[smem:$0x3FB6] =	sst s10  }
0x32: {  	s10 =	sld [smem:$0x3FB4];
	_ =	sdelay $0x3  }
0x33: {  	p0 =	seq.s32 s10, $0x1;
	s10 =	sld [smem:$0x3FB6];
	_ =	sdelay $0x3  }
0x34: {  	[smem:$0x3FB6] =	sst s10  }
0x35: {  	s10 =	sld [smem:$0x3FB5];
	_ =	sdelay $0x3  }
0x36: {  	p1 =	seq.s32 s10, $0x1;
	s10 =	sld [smem:$0x3FB6];
	_ =	sdelay $0x3  }
0x37: {  	[smem:$0x3FB6] =	sst s10  }
0x38: {  	s10 =	sld [smem:$0x3FB7]  }
0x39: {  	_ = 	snop;
	(pc) =	sbr.ind lr, $3  }
0x3a: {  	_ = 	snop  }
0x3b: {  	_ = 	snop  }
0x3c: {  	p2 =	seq.s32 s10, $0x1;
	s10 =	sld [smem:$0x3FB6]  }
0x3d: {  	_ =	shalt  }
0x3e: {  	_ =	shalt  }
0x3f: {  	_ =	shalt  }
0x40: {  	_ =	shalt  }
0x41: {  	_ =	shalt  }
0x42: {  	_ =	shalt  }
0x43: {  	_ =	shalt  }
0x44: {  	_ =	shalt  }
0x45: {  	_ =	shalt  }
0x46: {  	_ =	shalt  }
0x47: {  	_ =	shalt  }
0x48: {  	_ =	shalt  }
0x49: {  	_ =	shalt  }
0x4a: {  	_ =	shalt  }
0x4b: {  	_ =	shalt  }
0x4c: {  	_ =	shalt  }
0x4d: {  	_ =	shalt  }
0x4e: {  	_ =	shalt  }
0x4f: {  	_ =	shalt  }
0x50: {  	_ =	shalt  }
0x51: {  	_ =	shalt  }
0x52: {  	_ =	shalt  }
0x53: {  	_ =	shalt  }
0x54: {  	_ =	shalt  }
0x55: {  	_ =	shalt  }
0x56: {  	_ =	shalt  }
0x57: {  	_ =	shalt  }
0x58: {  	_ =	shalt  }
0x59: {  	_ =	shalt  }
0x5a: {  	_ =	shalt  }
0x5b: {  	_ =	shalt  }
0x5c: {  	_ =	shalt  }
0x5d: {  	_ =	shalt  }
0x5e: {  	_ =	shalt  }
0x5f: {  	_ =	shalt  }
0x60: {  	_ =	shalt  }
0x61: {  	_ =	shalt  }
0x62: {  	_ =	shalt  }
0x63: {  	_ =	shalt  }
0x64: {  	_ =	shalt  }
0x65: {  	_ =	shalt  }
0x66: {  	_ =	shalt  }
0x67: {  	_ =	shalt  }
0x68: {  	_ =	shalt  }
0x69: {  	_ =	shalt  }
0x6a: {  	_ =	shalt  }
0x6b: {  	_ =	shalt  }
0x6c: {  	_ =	shalt  }
0x6d: {  	_ =	shalt  }
0x6e: {  	_ =	shalt  }
0x6f: {  	_ =	shalt  }
0x70: {  	_ =	shalt  }
0x71: {  	_ =	shalt  }
0x72: {  	_ =	shalt  }
0x73: {  	_ =	shalt  }
0x74: {  	_ =	shalt  }
0x75: {  	_ =	shalt  }
0x76: {  	_ =	shalt  }
0x77: {  	_ =	shalt  }
0x78: {  	_ =	shalt  }
0x79: {  	_ =	shalt  }
0x7a: {  	_ =	shalt  }
0x7b: {  	_ =	shalt  }
0x7c: {  	_ =	shalt  }
0x7d: {  	_ =	shalt  }
0x7e: {  	_ =	shalt  }
0x7f: {  	_ =	shalt  }
0x80: {  	_ =	shalt  }
0x81: {  	_ =	shalt  }
0x82: {  	_ =	shalt  }
0x83: {  	_ =	shalt  }
0x84: {  	_ =	shalt  }
0x85: {  	_ =	shalt  }
0x86: {  	_ =	shalt  }
0x87: {  	_ =	shalt  }
.Lfunc_end0:
.L_simem_size_0:
called_computation_lowered:
.L_overlay_start_0:
0x88: {  	s2 =	sld [smem:$0x3FD9]  }
0x89: {  	s3 =	sld [smem:$0x3FFE];
	_ =	sdelay $0x1  }
0x8a: {  	s1 =	srdreg.scid  }
0x8b: {  	s0 =	sand.u32 $0x1, s1  }
0x8c: {  	s16 =	sshll.u32 s0, $0xA;
	s2 =	sadd.s32 s3, s2  }
0x8d: {  	s2 =	sadd.s32 s2, s16  }
0x8e: {  	[smem:$0x3FC2] =	sst s2  }
0x8f: {  	_ = 	snop  }
0x90: {  	(tm) =	ssettm $0x1  }
0x91: {  	s17 =	sld [smem:$0x3FFB];
	_ =	sdelay $0x3  }
0x92: {  	_ =	strace s17  }
0x93: {  	s2 =	sld [smem:$0x3FFC];
	_ =	sdelay $0x3  }
0x94: {  	_ =	strace s2  }
0x95: {  	s2 =	sld [smem:$0x3FFD];
	_ =	sdelay $0x3  }
0x96: {  	_ =	strace s2  }
0x97: {  	_ =	strace $0x8FFFFFFF  }
0x98: {  	s18 =	sld [smem:$0x3FDB];
	_ =	sdelay $0x1  }
0x99: {  	s19 =	simm.s32 $_scs_section_size  }
0x9a: {  	s4 =	simm.s32 $_size__tile_overlayer_lowered;
	s5 =	simm.s32 $_tile_overlayer_lowered  }
0x9b: {  	s22 =	simm.s32 $0x1BFF;
	s21 =	sshll.u32 s5, $0x1;
	s2 =	sadd.s32 s19, s18  }
0x9c: {  	s6 =	simm.s32 $0x0;
	s20 =	sshll.u32 s4, $0x1;
	s4 =	sadd.s32 s21, s2  }
0x9d: {  	[timem:s6], [sflag:s22] =	dma.local [hbm:s4], s20  }
0x9e: {  	_ =	swait.ge [sflag:s22], s20  }
0x9f: {  	s3 =	ssub.s32 $0x0, s20;
	[sflag:s22] =	ssyncset.done $0x0  }
0xa0: {  	[sflag:s22] =	ssyncadd.s32 s3;
	_ =	sdelay $0x1  }
0xa1: {  	s23 =	simm.s32 $0x1B8B  }
0xa2: {  	_ =	swait.ge [sflag:s23], $0x1  }
0xa3: {  	[sflag:s23] =	ssyncset.done $0x0  }
0xa4: {  	s25 =	simm.s32 $0x1B8E;
	s24 =	sld [smem:$0x3FFE];
	[sflag:s23] =	ssyncadd.s32 $0xFFFFFFFF  }
0xa5: {  	s26 =	simm.s32 $execute0_lowered;
	[smem:$0x3FD2] =	sst s25  }
0xa6: {  	s4 =	sshll.u32 s26, $0x1;
	_ =	strace $0x80000046;
	[dreg:$0x1] =	wrdreg $0xFFFFFFFF  }
0xa7: {  	s28 =	simm.s32 $_size_execute0_lowered;
	s2 =	sadd.s32 s2, s4;
	[dreg:$0x0] =	wrdreg $0x0  }
0xa8: {  	s4 =	sshll.u32 s28, $0x1;
	[dreg:$0x2] =	wrdreg s2  }
0xa9: {  	[dreg:$0x3] =	wrdreg s4  }
0xaa: {  	[dreg:$0x4] =	wrdreg $0xC0  }
0xab: {  	_ =	task [dreg:s6], $0x5FFFF  }
0xac: {  	[dreg:$0x1] =	wrdreg $0xFFFFFFFF  }
0xad: {  	[dreg:$0x0] =	wrdreg $0x60  }
0xae: {  	[dreg:$0x2] =	wrdreg s24  }
0xaf: {  	[dreg:$0x3] =	wrdreg $0x0  }
0xb0: {  	[dreg:$0x4] =	wrdreg $0x9  }
0xb1: {  	_ =	task.clear_ibuf [dreg:s6], $0x5FFFF;
	_ =	strace $0x90000046  }
0xb2: {  	s29 =	simm.s32 $0x9;
	_ =	strace $0x80000048  }
0xb3: {  	_ =	swait.ge [sflag:s29], $0x1  }
0xb4: {  	[sflag:s29] =	ssyncadd.s32 $0xFFFFFFFF  }
0xb5: {  	_ =	strace $0x90000048  }
0xb6: {  	_ =	sfence  }
0xb7: {  	s30 =	sld [smem:$0x0];
	_ =	sdelay $0x2  }
0xb8: {  	s31 =	sshll.u32 s1, $0xD;
	s1 =	sshrl.u32 s1, $0x2  }
0xb9: {  	s3 =	sand.u32 $0x4000, s31;
	s1 =	sadd.s32 s1, s30  }
0xba: {  	s0 =	sor.u32 s3, s0;
	s1 =	sshll.u32 s1, $0x11  }
0xbb: {  	s0 =	sor.u32 s1, s0  }
0xbc: {  	s0 =	sadd.s32 $0x8F2B, s0  }
0xbd: {  	[sflag:s0] =	ssyncadd.remote.s32 $0x1  }
0xbe: {  	_ =	sfence.sel $0xFFFF  }
0xbf: {  	[dreg:$0x0] =	wrdreg $0xFFFFFFFF;
	(pc) =	sbr.abs _section_cstart, $3  }
0xc0: {  	[dreg:$0x1] =	wrdreg $0xFFFFFFFF  }
0xc1: {  	_ =	task.clear_ibuf [dreg:s6], $0x2FFFF;
	_ =	strace $0x9FFFFFFF  }
0xc2: {  	(tm) =	ssettm $0x7FFFFFFF  }
0xc3: {  	_ =	shalt  }
tec
execute0_lowered:
.L_overlay_start_1:
0x0: {  	(tag) =	ssettag $0x1  }
0x1: {  	s0 =	srdreg.scid;
	s3 =	rddreg [dreg:$0x0]  }
0x2: {  	s6 =	stileid.u32;
	s2 =	rddreg [dreg:$0x1]  }
0x3: {  	s5 =	simm.s32 $0x0;
	s8 =	simm.s32 $0x1A800;
	s9 =	simm.s32 $0x2  }
0x4: {  	s11 =	simm.s32 $0x80;
	s12 =	simm.s32 $0x16800;
	s10 =	simm.s32 $0x1B300  }
0x5: {  	s13 =	simm.s32 $0x1B380;
	s14 =	simm.s32 $0x1B400;
	s15 =	simm.s32 $0x1B480  }
0x6: {  	s16 =	simm.s32 $0x1B500;
	s17 =	simm.s32 $0x1B580;
	s18 =	simm.s32 $0x1B600  }
0x7: {  	s19 =	simm.s32 $0x1B680;
	s20 =	simm.s32 $0x1B700;
	s21 =	simm.s32 $0x1B780  }
0x8: {  	s22 =	simm.s32 $0x1B800;
	s23 =	simm.s32 $0x1B880;
	s28 =	simm.s32 $0x1BA80  }
0x9: {  	s29 =	simm.s32 $0x1BB00;
	s30 =	simm.s32 $0x1BB80;
	s31 =	simm.s32 $0x1  }
0xa: {  	s0 =	sand.u32 $0x1, s0;
	s4 =	smul.u32 $0x2800, s6;
	[smem:$0x7FF] =	sst s5  }
0xb: {  	s1 =	sshll.u32 s0, $0x4;
	s24 =	smul.u32 $0x28000, s0;
	_ =	strace $0x80000047  }
0xc: {  	s0 =	ssub.s32 $0x2, s0;
	s1 =	sor.u32 s6, s1;
	s6 =	smul.u32 $0x50000, s6  }
0xd: {  	s25 =	sshrl.u32 s0, $0x1;
	s1 =	smul.u32 $0x280, s1;
	s4 =	sadd.s32 s4, s24  }
0xe: {  	s0 =	ssub.s32 s0, s25;
	s24 =	simm.s32 $0x1B900;
	s25 =	simm.s32 $0x1B980  }
0xf: {  	s26 =	sshrl.u32 s6, $0x2;
	s7 =	smax.u32 s0, $0x1;
	s1 =	sadd.s32 s1, s3  }
0x10: {  	v0 =	vimm.f32 $0.0e+00;
	vm0 =	vcmask $0x300;
	s3 =	sadd.s32 s4, s3;
	s5 =	sadd.s32 s26, s2;
	s26 =	simm.s32 $0x1BA00  }
0x11: {  	v1 =	vsel vm0, $0x3F800000, v0;
	s4 =	sadd.s32 $0x2A00, s1;
	s6 =	sadd.s32 $0x7A00, s3;
	s1 =	simm.s32 $0x0  }
.LBB2_1:
0x12: {  	s0 =	simm.s32 $0x0  }
.LBB2_2:
0x13: {  	p0 =	sne.s32 s0, $0x4FE00  }
.Ltmp0:
0x14: {  	_ = 	snop;
	(pc) =	sbr.rel @p0 .LBB2_2-.Ltmp0, $3  }
0x15: {  	_ =	sdelay $0x1  }
0x16: {  	s3 =	sshra.s32 s0, $0x2  }
0x17: {  	s0 =	sadd.s32 $0x200, s0;
	[tilespmem:s3+$0x2800] =	vst v0  }
0x18: {  	s3 =	simm.s32 $0x200;
	s0 =	simm.s32 $0x0  }
.LBB2_4:
0x19: {  	p0 =	sne.s32 s3, $0xFE00;
	[tilespmem:s0+$0x16800] =	vst v1;
	s0 =	smov.u32 s3;
	s3 =	sadd.s32 $0x200, s3  }
.Ltmp1:
0x1a: {  	(pc) =	sbr.rel @p0 .LBB2_4-.Ltmp1, $2  }
0x1b: {  	_ =	sdelay $0x2  }
0x1c: {  	s0 =	sshra.s32 s0, $0x2  }
0x1d: {  	[tilespmem:s0+$0x16800] =	vst v1;
	s3 =	simm.s32 $0x0  }
0x1e: {  	[tilespmem:s8], [sflag:$0x2] =	stream.linear.gather [hbm4b:s4+s3], $0x1400, $0x38;
	[tilespmem:$0x1BC00] =	vst v63  }
0x1f: {  	_ =	swait.ge [sflag:s9], $0x1400  }
0x20: {  	[sflag:s9] =	ssyncset.done $0x0  }
0x21: {  	s3 =	simm.s32 $0x2800;
	[sflag:s9] =	ssyncadd.s32 $0xFFFFEC00  }
0x22: {  	[spmem:s5] =	stream.linear.scatter [tilespmem:s3], [sflag:$0x2], $0x14000, $0x38;
	[tilespmem:$0x1BC00] =	vst v63  }
0x23: {  	_ =	swait.ge [sflag:s9], $0x14000  }
0x24: {  	[sflag:s9] =	ssyncset.done $0x0  }
0x25: {  	[sflag:s9] =	ssyncadd.s32 $0xFFFEC000  }
0x26: {  	[bflag:$0x0] =	sbarrier.arrive $0xFFFF  }
0x27: {  	[spmem:s2] =	stream.indirect.scatter.add.f32 [tilespmem:s12], [sflag:$0x1], $0x10, s8, s11, $0xb8;
	[tilespmem:$0x1BC00] =	vst v63  }
0x28: {  	s3 =	simm.s32 $0x1A880  }
0x29: {  	[spmem:s2] =	stream.indirect.scatter.add.f32 [tilespmem:s12], [sflag:$0x1], $0x10, s3, s11, $0xb8;
	[tilespmem:$0x1BC00] =	vst v63  }
0x2a: {  	s3 =	simm.s32 $0x1A900  }
0x2b: {  	[spmem:s2] =	stream.indirect.scatter.add.f32 [tilespmem:s12], [sflag:$0x1], $0x10, s3, s11, $0xb8;
	[tilespmem:$0x1BC00] =	vst v63  }
0x2c: {  	s3 =	simm.s32 $0x1A980  }
0x2d: {  	[spmem:s2] =	stream.indirect.scatter.add.f32 [tilespmem:s12], [sflag:$0x1], $0x10, s3, s11, $0xb8;
	[tilespmem:$0x1BC00] =	vst v63  }
0x2e: {  	s3 =	simm.s32 $0x1AA00  }
0x2f: {  	[spmem:s2] =	stream.indirect.scatter.add.f32 [tilespmem:s12], [sflag:$0x1], $0x10, s3, s11, $0xb8;
	[tilespmem:$0x1BC00] =	vst v63  }
0x30: {  	s3 =	simm.s32 $0x1AA80  }
0x31: {  	[spmem:s2] =	stream.indirect.scatter.add.f32 [tilespmem:s12], [sflag:$0x1], $0x10, s3, s11, $0xb8;
	[tilespmem:$0x1BC00] =	vst v63  }
0x32: {  	s3 =	simm.s32 $0x1AB00  }
0x33: {  	[spmem:s2] =	stream.indirect.scatter.add.f32 [tilespmem:s12], [sflag:$0x1], $0x10, s3, s11, $0xb8;
	[tilespmem:$0x1BC00] =	vst v63  }
0x34: {  	s3 =	simm.s32 $0x1AB80  }
0x35: {  	[spmem:s2] =	stream.indirect.scatter.add.f32 [tilespmem:s12], [sflag:$0x1], $0x10, s3, s11, $0xb8;
	[tilespmem:$0x1BC00] =	vst v63  }
0x36: {  	s3 =	simm.s32 $0x1AC00  }
0x37: {  	[spmem:s2] =	stream.indirect.scatter.add.f32 [tilespmem:s12], [sflag:$0x1], $0x10, s3, s11, $0xb8;
	[tilespmem:$0x1BC00] =	vst v63  }
0x38: {  	s3 =	simm.s32 $0x1AC80  }
0x39: {  	[spmem:s2] =	stream.indirect.scatter.add.f32 [tilespmem:s12], [sflag:$0x1], $0x10, s3, s11, $0xb8;
	[tilespmem:$0x1BC00] =	vst v63  }
0x3a: {  	s3 =	simm.s32 $0x1AD00  }
0x3b: {  	[spmem:s2] =	stream.indirect.scatter.add.f32 [tilespmem:s12], [sflag:$0x1], $0x10, s3, s11, $0xb8;
	[tilespmem:$0x1BC00] =	vst v63  }
0x3c: {  	s3 =	simm.s32 $0x1AD80  }
0x3d: {  	[spmem:s2] =	stream.indirect.scatter.add.f32 [tilespmem:s12], [sflag:$0x1], $0x10, s3, s11, $0xb8;
	[tilespmem:$0x1BC00] =	vst v63  }
0x3e: {  	s3 =	simm.s32 $0x1AE00  }
0x3f: {  	[spmem:s2] =	stream.indirect.scatter.add.f32 [tilespmem:s12], [sflag:$0x1], $0x10, s3, s11, $0xb8;
	[tilespmem:$0x1BC00] =	vst v63  }
0x40: {  	s3 =	simm.s32 $0x1AE80  }
0x41: {  	[spmem:s2] =	stream.indirect.scatter.add.f32 [tilespmem:s12], [sflag:$0x1], $0x10, s3, s11, $0xb8;
	[tilespmem:$0x1BC00] =	vst v63  }
0x42: {  	s3 =	simm.s32 $0x1AF00  }
0x43: {  	[spmem:s2] =	stream.indirect.scatter.add.f32 [tilespmem:s12], [sflag:$0x1], $0x10, s3, s11, $0xb8;
	[tilespmem:$0x1BC00] =	vst v63  }
0x44: {  	s3 =	simm.s32 $0x1AF80  }
0x45: {  	[spmem:s2] =	stream.indirect.scatter.add.f32 [tilespmem:s12], [sflag:$0x1], $0x10, s3, s11, $0xb8;
	[tilespmem:$0x1BC00] =	vst v63  }
0x46: {  	s3 =	simm.s32 $0x1B000  }
0x47: {  	[spmem:s2] =	stream.indirect.scatter.add.f32 [tilespmem:s12], [sflag:$0x1], $0x10, s3, s11, $0xb8;
	[tilespmem:$0x1BC00] =	vst v63  }
0x48: {  	s3 =	simm.s32 $0x1B080  }
0x49: {  	[spmem:s2] =	stream.indirect.scatter.add.f32 [tilespmem:s12], [sflag:$0x1], $0x10, s3, s11, $0xb8;
	[tilespmem:$0x1BC00] =	vst v63  }
0x4a: {  	s3 =	simm.s32 $0x1B100  }
0x4b: {  	[spmem:s2] =	stream.indirect.scatter.add.f32 [tilespmem:s12], [sflag:$0x1], $0x10, s3, s11, $0xb8;
	[tilespmem:$0x1BC00] =	vst v63  }
0x4c: {  	s3 =	simm.s32 $0x1B180  }
0x4d: {  	[spmem:s2] =	stream.indirect.scatter.add.f32 [tilespmem:s12], [sflag:$0x1], $0x10, s3, s11, $0xb8;
	[tilespmem:$0x1BC00] =	vst v63  }
0x4e: {  	s3 =	simm.s32 $0x1B200  }
0x4f: {  	[spmem:s2] =	stream.indirect.scatter.add.f32 [tilespmem:s12], [sflag:$0x1], $0x10, s3, s11, $0xb8;
	[tilespmem:$0x1BC00] =	vst v63  }
0x50: {  	s3 =	simm.s32 $0x1B280  }
0x51: {  	[spmem:s2] =	stream.indirect.scatter.add.f32 [tilespmem:s12], [sflag:$0x1], $0x10, s3, s11, $0xb8;
	[tilespmem:$0x1BC00] =	vst v63  }
0x52: {  	_ = 	snop  }
0x53: {  	[spmem:s2] =	stream.indirect.scatter.add.f32 [tilespmem:s12], [sflag:$0x1], $0x10, s10, s11, $0xb8;
	[tilespmem:$0x1BC00] =	vst v63  }
0x54: {  	_ = 	snop  }
0x55: {  	[spmem:s2] =	stream.indirect.scatter.add.f32 [tilespmem:s12], [sflag:$0x1], $0x10, s13, s11, $0xb8;
	[tilespmem:$0x1BC00] =	vst v63  }
0x56: {  	_ = 	snop  }
0x57: {  	[spmem:s2] =	stream.indirect.scatter.add.f32 [tilespmem:s12], [sflag:$0x1], $0x10, s14, s11, $0xb8;
	[tilespmem:$0x1BC00] =	vst v63  }
0x58: {  	_ = 	snop  }
0x59: {  	[spmem:s2] =	stream.indirect.scatter.add.f32 [tilespmem:s12], [sflag:$0x1], $0x10, s15, s11, $0xb8;
	[tilespmem:$0x1BC00] =	vst v63  }
0x5a: {  	_ = 	snop  }
0x5b: {  	[spmem:s2] =	stream.indirect.scatter.add.f32 [tilespmem:s12], [sflag:$0x1], $0x10, s16, s11, $0xb8;
	[tilespmem:$0x1BC00] =	vst v63  }
0x5c: {  	_ = 	snop  }
0x5d: {  	[spmem:s2] =	stream.indirect.scatter.add.f32 [tilespmem:s12], [sflag:$0x1], $0x10, s17, s11, $0xb8;
	[tilespmem:$0x1BC00] =	vst v63  }
0x5e: {  	_ = 	snop  }
0x5f: {  	[spmem:s2] =	stream.indirect.scatter.add.f32 [tilespmem:s12], [sflag:$0x1], $0x10, s18, s11, $0xb8;
	[tilespmem:$0x1BC00] =	vst v63  }
0x60: {  	_ = 	snop  }
0x61: {  	[spmem:s2] =	stream.indirect.scatter.add.f32 [tilespmem:s12], [sflag:$0x1], $0x10, s19, s11, $0xb8;
	[tilespmem:$0x1BC00] =	vst v63  }
0x62: {  	_ = 	snop  }
0x63: {  	[spmem:s2] =	stream.indirect.scatter.add.f32 [tilespmem:s12], [sflag:$0x1], $0x10, s20, s11, $0xb8;
	[tilespmem:$0x1BC00] =	vst v63  }
0x64: {  	_ = 	snop  }
0x65: {  	[spmem:s2] =	stream.indirect.scatter.add.f32 [tilespmem:s12], [sflag:$0x1], $0x10, s21, s11, $0xb8;
	[tilespmem:$0x1BC00] =	vst v63  }
0x66: {  	_ = 	snop  }
0x67: {  	[spmem:s2] =	stream.indirect.scatter.add.f32 [tilespmem:s12], [sflag:$0x1], $0x10, s22, s11, $0xb8;
	[tilespmem:$0x1BC00] =	vst v63  }
0x68: {  	_ = 	snop  }
0x69: {  	[spmem:s2] =	stream.indirect.scatter.add.f32 [tilespmem:s12], [sflag:$0x1], $0x10, s23, s11, $0xb8;
	[tilespmem:$0x1BC00] =	vst v63  }
0x6a: {  	_ = 	snop  }
0x6b: {  	[spmem:s2] =	stream.indirect.scatter.add.f32 [tilespmem:s12], [sflag:$0x1], $0x10, s24, s11, $0xb8;
	[tilespmem:$0x1BC00] =	vst v63  }
0x6c: {  	_ = 	snop  }
0x6d: {  	[spmem:s2] =	stream.indirect.scatter.add.f32 [tilespmem:s12], [sflag:$0x1], $0x10, s25, s11, $0xb8;
	[tilespmem:$0x1BC00] =	vst v63  }
0x6e: {  	_ = 	snop  }
0x6f: {  	[spmem:s2] =	stream.indirect.scatter.add.f32 [tilespmem:s12], [sflag:$0x1], $0x10, s26, s11, $0xb8;
	[tilespmem:$0x1BC00] =	vst v63  }
0x70: {  	_ = 	snop  }
0x71: {  	[spmem:s2] =	stream.indirect.scatter.add.f32 [tilespmem:s12], [sflag:$0x1], $0x10, s28, s11, $0xb8;
	[tilespmem:$0x1BC00] =	vst v63  }
0x72: {  	_ = 	snop  }
0x73: {  	[spmem:s2] =	stream.indirect.scatter.add.f32 [tilespmem:s12], [sflag:$0x1], $0x10, s29, s11, $0xb8;
	[tilespmem:$0x1BC00] =	vst v63  }
0x74: {  	_ = 	snop  }
0x75: {  	[spmem:s2] =	stream.indirect.scatter.add.f32 [tilespmem:s12], [sflag:$0x1], $0x10, s30, s11, $0xb8;
	[tilespmem:$0x1BC00] =	vst v63  }
0x76: {  	_ =	swait.ge [sflag:s31], $0x800  }
0x77: {  	s3 =	simm.s32 $0x27;
	[sflag:s31] =	ssyncset.done $0x0  }
.LBB2_6:
0x78: {  	p0 =	sne.s32 s3, $0x1;
	s3 =	sadd.s32 $0xFFFFFFFF, s3;
	[sflag:s31] =	ssyncadd.s32 $0xFFFFF800  }
.Ltmp2:
0x79: {  	(pc) =	sbr.rel @p0 .LBB2_6-.Ltmp2, $3  }
0x7a: {  	_ =	sdelay $0x1  }
0x7b: {  	_ =	swait.ge [sflag:s31], $0x800  }
0x7c: {  	[sflag:s31] =	ssyncset.done $0x0  }
0x7d: {  	[sflag:s31] =	ssyncadd.s32 $0xFFFFF800;
	s0 =	stileid.u32;
	s1 =	sadd.s32 $0x1, s1  }
0x7e: {  	s3 =	sshrl.u32 s5, $0x3;
	s0 =	sshll.u32 s0, $0x6;
	p0 =	sne.s32 s1, s7  }
.Ltmp3:
0x7f: {  	[bflag:$0x0] =	sbarrier.arrive $0xFFFF;
	s0 =	sor.u32 $0x1C02, s0;
	(pc) =	sbr.rel @p0 .LBB2_1-.Ltmp3, $4  }
0x80: {  	[hbm:s6], [sflag:s0] =	dma.local [spmem:s3], $0x2800  }
0x81: {  	_ =	swait.ge [sflag:s9], $0x2800  }
0x82: {  	[sflag:s9] =	ssyncset.done $0x0  }
0x83: {  	[sflag:s9] =	ssyncadd.s32 $0xFFFFD800  }
0x84: {  	_ =	sfence.sel $0x180000  }
0x85: {  	[bflag:$0x0] =	sbarrier.arrive $0xFFFF  }
0x86: {  	_ =	strace $0x90000047  }
0x87: {  	s0 =	stileid.u32;
	[bflag:$0x2] =	sbarrier.arrive $0xFFFF  }
0x88: {  	p0 =	sne.s32 s0, $0x0;
	s0 =	rddreg [dreg:$0x2]  }
0x89: {  	s0 =	sadd.s32 @!p0 $0x100000, s0  }
0x8a: {  	[sflag:s0] =	ssyncadd.tile.s32 @!p0 $0x1;
	_ =	shalt  }
.Lfunc_end2:
_tile_overlayer_lowered:
.L_overlay_start_2:
0x8b: {  	(tag) =	ssettag $0x2  }
0x8c: {  	s0 =	rddreg [dreg:$0x0];
	s2 =	stileid.u32  }
0x8d: {  	s1 =	rddreg [dreg:$0x1];
	p0 =	sne.s32 s2, $0x0  }
0x8e: {  	s3 =	rddreg [dreg:$0x2];
	[bflag:$0x3] =	sbarrier.arrive $0xFFFF;
	s2 =	simm.s32 @!p0 $0x1C02  }
0x8f: {  	[timem:s3], [sflag:s2] =	dma.local @!p0 [hbm:s0], s1  }
0x90: {  	s0 =	simm.s32 @!p0 $0x2  }
0x91: {  	_ =	swait.ge @!p0 [sflag:s0], s1  }
0x92: {  	s1 =	ssub.s32 @!p0 $0x0, s1;
	[sflag:s0] =	ssyncset.done @!p0 $0x0  }
0x93: {  	[sflag:s0] =	ssyncadd.s32 @!p0 s1  }
0x94: {  	[bflag:$0x3] =	sbarrier.arrive $0xFFFF  }
0x95: {  	_ =	shalt  }

// kernel: kernel.13.cloned.1.call-start
scs
__scs_entry_jumppad:
0x0: {  	(pc) =	sbr.rel $0x88, $3  }
0x1: {  	(tag) =	ssettag $0x0;
	lr =	simm.s32 $0x1  }
0x2: {  	[smem:$0x3F9B] =	sst lr;
	_ =	strace $0xD0000000  }
0x3: {  	_ = 	snop  }
0x4: {  	_ = 	snop  }
0x5: {  	_ = 	snop  }
0x6: {  	_ = 	snop  }
0x7: {  	_ = 	snop  }
__scs_overlays_trampoline_lowered:
0x8: {  	[smem:$0x3FAA] =	sst s0  }
0x9: {  	[smem:$0x3FAB] =	sst s1  }
0xa: {  	[smem:$0x3FAC] =	sst s2  }
0xb: {  	[smem:$0x3FAD] =	sst s3  }
0xc: {  	[smem:$0x3FAE] =	sst s4  }
0xd: {  	[smem:$0x3FAF] =	sst s5  }
0xe: {  	[smem:$0x3FB0] =	sst s6  }
0xf: {  	[smem:$0x3FB1] =	sst s7  }
0x10: {  	[smem:$0x3FB2] =	sst s8  }
0x11: {  	[smem:$0x3FB3] =	sst s9;
	s0 =	simm.s32 @!p0 $0x0  }
0x12: {  	s1 =	sld [smem:$0x3F99];
	s0 =	simm.s32 @p0 $0x1  }
0x13: {  	[smem:$0x3FB4] =	sst s0;
	s0 =	simm.s32 @!p1 $0x0  }
0x14: {  	s2 =	sld [smem:$0x3F98];
	s0 =	simm.s32 @p1 $0x1  }
0x15: {  	[smem:$0x3FB5] =	sst s0;
	s0 =	simm.s32 @!p2 $0x0  }
0x16: {  	s3 =	sld [smem:$0x3FDB];
	s0 =	simm.s32 @p2 $0x1  }
0x17: {  	s4 =	simm.s32 $0x1BF5;
	[smem:$0x3FB7] =	sst s0  }
0x18: {  	s0 =	sld [smem:$0x3F9A];
	_ =	swait.ge [sflag:s4], $0x0  }
0x19: {  	s7 =	sld [smem:$0x3F9B]  }
0x1a: {  	s8 =	sadd.s32 $0xFFFFE003, lr  }
0x1b: {  	s9 =	sadd.s32 $0xFFFFFEF7, lr;
	s5 =	simm.s32 $0xFFFFFFFF;
	p2 =	slt.u32 s8, $0xFFFFF086  }
0x1c: {  	p1 =	slt.u32 s9, $0xF7A;
	s5 =	simm.s32 @!p2 $0x0  }
0x1d: {  	s5 =	simm.s32 @p1 $0x1;
	p0 =	seq.s32 s7, s2  }
0x1e: {  	s7 =	smul.u32 @!p0 $0xF7A, s2;
	p2 =	seq.s32 @!p0 s5, $0x0  }
0x1f: {  	s9 =	smul.u32 $0xF7A, s1;
	s8 =	simm.s32 @!p0 $0x1BF5;
	p2 =	por !p2, p0  }
0x20: {  	[sflag:s8] =	ssyncset.s32 @!p0 $0xFFFFF086;
	s6 =	sadd.s32 @!p0 s3, s7;
	s7 =	simm.s32 @!p0 $0x108  }
0x21: {  	s3 =	sadd.s32 s3, s9;
	s6 =	sadd.s32 @!p0 $0x88, s6;
	s7 =	simm.s32 @p2 $0x1082  }
0x22: {  	[simem:s7], [sflag:s8] =	dma.local @!p0 [hbm:s6], $0xF7A  }
0x23: {  	s9 =	sor.u32 $0xD0000000, s2;
	s6 =	simm.s32 $0x108;
	_ =	swait.ge @!p0 [sflag:s8], $0x0  }
0x24: {  	s3 =	sadd.s32 $0x88, s3;
	s6 =	simm.s32 @!p1 $0x1082;
	[sflag:s4] =	ssyncset.s32 $0xFFFFF086  }
0x25: {  	[simem:s6], [sflag:s4] =	dma.local [hbm:s3], $0xF7A  }
0x26: {  	[smem:$0x3F9B] =	sst s1;
	(tag) =	ssettag s2;
	_ =	strace s9  }
0x27: {  	s1 =	sld [smem:$0x3FAB]  }
0x28: {  	s2 =	sld [smem:$0x3FAC]  }
0x29: {  	s4 =	sld [smem:$0x3FAE]  }
0x2a: {  	p0 =	seq.s32 s5, $0x0;
	s5 =	sld [smem:$0x3FAF]  }
0x2b: {  	s6 =	sld [smem:$0x3FB0]  }
0x2c: {  	s7 =	sld [smem:$0x3FB1]  }
0x2d: {  	s3 =	simm.s32 $0x108;
	s8 =	sld [smem:$0x3FB2]  }
0x2e: {  	s3 =	simm.s32 @!p0 $0x1082;
	s9 =	sld [smem:$0x3FB3]  }
0x2f: {  	lr =	sadd.s32 s0, s3;
	s0 =	sld [smem:$0x3FAA]  }
0x30: {  	s3 =	sld [smem:$0x3FAD]  }
0x31: {  	[smem:$0x3FB6] =	sst s10  }
0x32: {  	s10 =	sld [smem:$0x3FB4];
	_ =	sdelay $0x3  }
0x33: {  	p0 =	seq.s32 s10, $0x1;
	s10 =	sld [smem:$0x3FB6];
	_ =	sdelay $0x3  }
0x34: {  	[smem:$0x3FB6] =	sst s10  }
0x35: {  	s10 =	sld [smem:$0x3FB5];
	_ =	sdelay $0x3  }
0x36: {  	p1 =	seq.s32 s10, $0x1;
	s10 =	sld [smem:$0x3FB6];
	_ =	sdelay $0x3  }
0x37: {  	[smem:$0x3FB6] =	sst s10  }
0x38: {  	s10 =	sld [smem:$0x3FB7]  }
0x39: {  	_ = 	snop;
	(pc) =	sbr.ind lr, $3  }
0x3a: {  	_ = 	snop  }
0x3b: {  	_ = 	snop  }
0x3c: {  	p2 =	seq.s32 s10, $0x1;
	s10 =	sld [smem:$0x3FB6]  }
0x3d: {  	_ =	shalt  }
0x3e: {  	_ =	shalt  }
0x3f: {  	_ =	shalt  }
0x40: {  	_ =	shalt  }
0x41: {  	_ =	shalt  }
0x42: {  	_ =	shalt  }
0x43: {  	_ =	shalt  }
0x44: {  	_ =	shalt  }
0x45: {  	_ =	shalt  }
0x46: {  	_ =	shalt  }
0x47: {  	_ =	shalt  }
0x48: {  	_ =	shalt  }
0x49: {  	_ =	shalt  }
0x4a: {  	_ =	shalt  }
0x4b: {  	_ =	shalt  }
0x4c: {  	_ =	shalt  }
0x4d: {  	_ =	shalt  }
0x4e: {  	_ =	shalt  }
0x4f: {  	_ =	shalt  }
0x50: {  	_ =	shalt  }
0x51: {  	_ =	shalt  }
0x52: {  	_ =	shalt  }
0x53: {  	_ =	shalt  }
0x54: {  	_ =	shalt  }
0x55: {  	_ =	shalt  }
0x56: {  	_ =	shalt  }
0x57: {  	_ =	shalt  }
0x58: {  	_ =	shalt  }
0x59: {  	_ =	shalt  }
0x5a: {  	_ =	shalt  }
0x5b: {  	_ =	shalt  }
0x5c: {  	_ =	shalt  }
0x5d: {  	_ =	shalt  }
0x5e: {  	_ =	shalt  }
0x5f: {  	_ =	shalt  }
0x60: {  	_ =	shalt  }
0x61: {  	_ =	shalt  }
0x62: {  	_ =	shalt  }
0x63: {  	_ =	shalt  }
0x64: {  	_ =	shalt  }
0x65: {  	_ =	shalt  }
0x66: {  	_ =	shalt  }
0x67: {  	_ =	shalt  }
0x68: {  	_ =	shalt  }
0x69: {  	_ =	shalt  }
0x6a: {  	_ =	shalt  }
0x6b: {  	_ =	shalt  }
0x6c: {  	_ =	shalt  }
0x6d: {  	_ =	shalt  }
0x6e: {  	_ =	shalt  }
0x6f: {  	_ =	shalt  }
0x70: {  	_ =	shalt  }
0x71: {  	_ =	shalt  }
0x72: {  	_ =	shalt  }
0x73: {  	_ =	shalt  }
0x74: {  	_ =	shalt  }
0x75: {  	_ =	shalt  }
0x76: {  	_ =	shalt  }
0x77: {  	_ =	shalt  }
0x78: {  	_ =	shalt  }
0x79: {  	_ =	shalt  }
0x7a: {  	_ =	shalt  }
0x7b: {  	_ =	shalt  }
0x7c: {  	_ =	shalt  }
0x7d: {  	_ =	shalt  }
0x7e: {  	_ =	shalt  }
0x7f: {  	_ =	shalt  }
0x80: {  	_ =	shalt  }
0x81: {  	_ =	shalt  }
0x82: {  	_ =	shalt  }
0x83: {  	_ =	shalt  }
0x84: {  	_ =	shalt  }
0x85: {  	_ =	shalt  }
0x86: {  	_ =	shalt  }
0x87: {  	_ =	shalt  }
.Lfunc_end0:
.L_simem_size_0:
called_computation.1_lowered:
.L_overlay_start_0:
0x88: {  	s2 =	sld [smem:$0x3FD9]  }
0x89: {  	s3 =	sld [smem:$0x3FFE];
	_ =	sdelay $0x1  }
0x8a: {  	s1 =	srdreg.scid  }
0x8b: {  	s0 =	sand.u32 $0x1, s1  }
0x8c: {  	s14 =	sshll.u32 s0, $0xA;
	s2 =	sadd.s32 s3, s2  }
0x8d: {  	s2 =	sadd.s32 s2, s14  }
0x8e: {  	[smem:$0x3FC2] =	sst s2  }
0x8f: {  	_ = 	snop  }
0x90: {  	s2 =	sld [smem:$0x3FD0];
	_ =	sdelay $0x2  }
0x91: {  	s15 =	simm.s32 $0xA;
	s4 =	simm.s32 $0x10  }
0x92: {  	[smem:s4], [sflag:s15] =	dma.local [hbm:s2], $0x1  }
0x93: {  	_ =	swait.eq [sflag:s15], $0x1  }
0x94: {  	[sflag:s15] =	ssyncset.done $0x0  }
0x95: {  	[sflag:s15] =	ssyncadd.s32 $0xFFFFFFFF  }
0x96: {  	s16 =	sld [smem:$0x10];
	(tm) =	ssettm $0x1  }
0x97: {  	s17 =	sld [smem:$0x3FFB];
	_ =	sdelay $0x3  }
0x98: {  	_ =	strace s17  }
0x99: {  	s3 =	sld [smem:$0x3FFC];
	_ =	sdelay $0x3  }
0x9a: {  	_ =	strace s3  }
0x9b: {  	s3 =	sld [smem:$0x3FFD];
	_ =	sdelay $0x3  }
0x9c: {  	_ =	strace s3  }
0x9d: {  	_ =	strace $0x8FFFFFFF  }
0x9e: {  	s18 =	sld [smem:$0x3FDB];
	_ =	sdelay $0x1  }
0x9f: {  	s19 =	simm.s32 $_scs_section_size  }
0xa0: {  	s5 =	simm.s32 $_size__tile_overlayer_lowered;
	s6 =	simm.s32 $_tile_overlayer_lowered  }
0xa1: {  	s22 =	simm.s32 $0x1BFF;
	s21 =	sshll.u32 s6, $0x1;
	s3 =	sadd.s32 s19, s18  }
0xa2: {  	s7 =	simm.s32 $0x0;
	s20 =	sshll.u32 s5, $0x1;
	s5 =	sadd.s32 s21, s3  }
0xa3: {  	[timem:s7], [sflag:s22] =	dma.local [hbm:s5], s20  }
0xa4: {  	_ =	swait.ge [sflag:s22], s20  }
0xa5: {  	s4 =	ssub.s32 $0x0, s20;
	[sflag:s22] =	ssyncset.done $0x0  }
0xa6: {  	[sflag:s22] =	ssyncadd.s32 s4;
	_ =	sdelay $0x1  }
0xa7: {  	s23 =	simm.s32 $0x1B8B  }
0xa8: {  	_ =	swait.ge [sflag:s23], $0x1  }
0xa9: {  	[sflag:s23] =	ssyncset.done $0x0  }
0xaa: {  	s25 =	simm.s32 $0x1B8E;
	s24 =	sld [smem:$0x3FFE];
	[sflag:s23] =	ssyncadd.s32 $0xFFFFFFFF  }
0xab: {  	s26 =	simm.s32 $execute0_lowered;
	[smem:$0x3FD2] =	sst s25  }
0xac: {  	s5 =	sshll.u32 s26, $0x1;
	_ =	strace $0x80000049;
	[dreg:$0x1] =	wrdreg $0xFFFFFFFF  }
0xad: {  	s28 =	simm.s32 $_size_execute0_lowered;
	s3 =	sadd.s32 s3, s5;
	[dreg:$0x0] =	wrdreg $0x0  }
0xae: {  	s5 =	sshll.u32 s28, $0x1;
	[dreg:$0x2] =	wrdreg s3  }
0xaf: {  	[dreg:$0x3] =	wrdreg s5  }
0xb0: {  	[dreg:$0x4] =	wrdreg $0xC0  }
0xb1: {  	_ =	task [dreg:s7], $0x5FFFF  }
0xb2: {  	[dreg:$0x1] =	wrdreg $0xFFFFFFFF  }
0xb3: {  	[dreg:$0x0] =	wrdreg $0x60  }
0xb4: {  	[dreg:$0x2] =	wrdreg s24  }
0xb5: {  	[dreg:$0x3] =	wrdreg s16  }
0xb6: {  	[dreg:$0x4] =	wrdreg $0x0  }
0xb7: {  	[dreg:$0x5] =	wrdreg $0x9  }
0xb8: {  	_ =	task.clear_ibuf [dreg:s7], $0x6FFFF;
	_ =	strace $0x90000049  }
0xb9: {  	s29 =	simm.s32 $0x9;
	_ =	strace $0x8000004B  }
0xba: {  	_ =	swait.ge [sflag:s29], $0x1  }
0xbb: {  	[sflag:s29] =	ssyncadd.s32 $0xFFFFFFFF  }
0xbc: {  	_ =	strace $0x9000004B  }
0xbd: {  	_ =	sfence  }
0xbe: {  	s30 =	sld [smem:$0x0];
	_ =	sdelay $0x2  }
0xbf: {  	s31 =	sshll.u32 s1, $0xD;
	s1 =	sshrl.u32 s1, $0x2  }
0xc0: {  	s3 =	sand.u32 $0x4000, s31;
	s1 =	sadd.s32 s1, s30  }
0xc1: {  	s0 =	sor.u32 s3, s0;
	s1 =	sshll.u32 s1, $0x11  }
0xc2: {  	s0 =	sor.u32 s1, s0  }
0xc3: {  	s0 =	sadd.s32 $0x8F2B, s0  }
0xc4: {  	[sflag:s0] =	ssyncadd.remote.s32 $0x1  }
0xc5: {  	_ =	sfence.sel $0xFFFF  }
0xc6: {  	[dreg:$0x0] =	wrdreg $0xFFFFFFFF;
	(pc) =	sbr.abs _section_cstart, $3  }
0xc7: {  	[dreg:$0x1] =	wrdreg $0xFFFFFFFF  }
0xc8: {  	_ =	task.clear_ibuf [dreg:s7], $0x2FFFF;
	_ =	strace $0x9FFFFFFF  }
0xc9: {  	(tm) =	ssettm $0x7FFFFFFF  }
tec
execute0_lowered:
.L_overlay_start_1:
0x0: {  	(tag) =	ssettag $0x1  }
0x1: {  	s5 =	rddreg [dreg:$0x0]  }
0x2: {  	s7 =	rddreg [dreg:$0x1];
	s0 =	srdreg.scid  }
0x3: {  	s2 =	rddreg [dreg:$0x2];
	s1 =	stileid.u32  }
0x4: {  	s3 =	simm.s32 $0x0;
	s15 =	simm.s32 $0x14000;
	s16 =	simm.s32 $0x80  }
0x5: {  	s17 =	simm.s32 $0x16900;
	s18 =	simm.s32 $0x16800;
	s19 =	simm.s32 $0x14080  }
0x6: {  	s20 =	simm.s32 $0x1A900;
	s21 =	simm.s32 $0x16880;
	s22 =	simm.s32 $0x1  }
0x7: {  	s23 =	simm.s32 $0x3;
	s24 =	simm.s32 $0x2;
	s8 =	smul.u32 $0x280, s1  }
0x8: {  	s6 =	sand.u32 $0x1, s0;
	s0 =	rddreg [dreg:$0x3];
	s9 =	smul.u32 $0x500, s1  }
0x9: {  	s25 =	simm.s32 $0x4;
	[smem:$0x7FF] =	sst s3;
	s10 =	smul.u32 $0x50000, s1  }
0xa: {  	s31 =	sshll.u32 s1, $0x6;
	s4 =	smul.u32 $0x2800, s6;
	_ =	strace $0x8000004A  }
0xb: {  	s26 =	ssub.s32 $0x2, s6;
	s6 =	sshll.u32 s6, $0x4;
	s12 =	sadd.s32 s9, s5  }
0xc: {  	s28 =	sshrl.u32 s26, $0x1;
	s6 =	sor.u32 s1, s6;
	s29 =	sshrl.u32 s10, $0x2  }
0xd: {  	s8 =	sadd.s32 s8, s4;
	s4 =	sadd.s32 $0x57A00, s5;
	s13 =	ssub.s32 s26, s28  }
0xe: {  	s30 =	smul.u32 $0x500, s6;
	s14 =	sadd.s32 s29, s2;
	s6 =	sor.u32 $0x1C05, s31  }
0xf: {  	s9 =	sadd.s32 $0x2A10, s12;
	s26 =	simm.s32 $0x0;
	s8 =	sshll.u32 s8, $0x4  }
0x10: {  	s11 =	sadd.s32 s8, s5;
	s5 =	sadd.s32 s4, s8;
	s7 =	sadd.s32 s7, s30  }
0x11: {  	s8 =	sadd.s32 $0x2A00, s12;
	s12 =	sadd.s32 $0x2A20, s12;
	s10 =	sadd.s32 $0xA7A00, s11  }
0x12: {  	s11 =	smax.u32 s13, $0x1;
	s13 =	sshrl.u32 s14, $0x3;
	s14 =	simm.s32 $0x5  }
.LBB2_1:
0x13: {  	[spmem:s13], [sflag:s6] =	dma.local [hbm:s5], $0x2800  }
0x14: {  	_ =	swait.ge [sflag:s14], $0x2800  }
0x15: {  	[sflag:s14] =	ssyncset.done $0x0  }
0x16: {  	[sflag:s14] =	ssyncadd.s32 $0xFFFFD800  }
0x17: {  	[tilespmem:s15], [sflag:$0x5] =	stream.linear.gather [hbm4b:s7+s3], $0x2800, $0x38;
	[tilespmem:$0x1E900] =	vst v63  }
0x18: {  	_ =	swait.ge [sflag:s14], $0x2800  }
0x19: {  	[sflag:s14] =	ssyncset.done $0x0  }
0x1a: {  	[sflag:s14] =	ssyncadd.s32 $0xFFFFD800  }
0x1b: {  	[bflag:$0x0] =	sbarrier.arrive $0xFFFF  }
0x1c: {  	[tilespmem:s17], [sflag:$0x1] =	stream.indirect.gather [hbm4b:s4+s16], $0x80, s15, s16, $0xb8;
	[tilespmem:$0x1E900] =	vst v63  }
0x1d: {  	_ = 	snop  }
0x1e: {  	[tilespmem:s18], [sflag:$0x3] =	stream.linear.gather [hbm4b:s8+s3], $0x80, $0x38;
	[tilespmem:$0x1E900] =	vst v63  }
0x1f: {  	_ = 	snop  }
0x20: {  	[tilespmem:s20], [sflag:$0x2] =	stream.indirect.gather [hbm4b:s4+s16], $0x80, s19, s16, $0xb8;
	[tilespmem:$0x1E900] =	vst v63  }
0x21: {  	_ = 	snop  }
0x22: {  	[tilespmem:s21], [sflag:$0x4] =	stream.linear.gather [hbm4b:s9+s3], $0x80, $0x38;
	[tilespmem:$0x1E900] =	vst v63  }
0x23: {  	_ =	swait.ge [sflag:s22], $0x4000  }
0x24: {  	[sflag:s22] =	ssyncset.done $0x0  }
0x25: {  	[sflag:s22] =	ssyncadd.s32 $0xFFFFC000  }
0x26: {  	_ =	swait.ge [sflag:s23], $0x80  }
0x27: {  	[sflag:s23] =	ssyncset.done $0x0  }
0x28: {  	[sflag:s23] =	ssyncadd.s32 $0xFFFFFF80  }
0x29: {  	[spmem:s2] =	stream.indirect.scatter.add.f32 [tilespmem:s17], [sflag:$0x5], $0x80, s18, s16, $0xb8;
	[tilespmem:$0x1E900] =	vst v63  }
0x2a: {  	_ =	swait.ge [sflag:s14], $0x4000  }
0x2b: {  	[sflag:s14] =	ssyncset.done $0x0  }
0x2c: {  	s28 =	simm.s32 $0x14100;
	[sflag:s14] =	ssyncadd.s32 $0xFFFFC000  }
0x2d: {  	[tilespmem:s17], [sflag:$0x1] =	stream.indirect.gather [hbm4b:s4+s16], $0x80, s28, s16, $0xb8;
	[tilespmem:$0x1E900] =	vst v63  }
0x2e: {  	_ = 	snop  }
0x2f: {  	[tilespmem:s18], [sflag:$0x3] =	stream.linear.gather [hbm4b:s12+s3], $0x80, $0x38;
	[tilespmem:$0x1E900] =	vst v63  }
0x30: {  	_ =	swait.ge [sflag:s24], $0x4000  }
0x31: {  	[sflag:s24] =	ssyncset.done $0x0  }
0x32: {  	[sflag:s24] =	ssyncadd.s32 $0xFFFFC000  }
0x33: {  	_ =	swait.ge [sflag:s25], $0x80  }
0x34: {  	[sflag:s25] =	ssyncset.done $0x0  }
0x35: {  	[sflag:s25] =	ssyncadd.s32 $0xFFFFFF80  }
0x36: {  	[spmem:s2] =	stream.indirect.scatter.add.f32 [tilespmem:s20], [sflag:$0x5], $0x80, s21, s16, $0xb8;
	[tilespmem:$0x1E900] =	vst v63  }
0x37: {  	_ =	swait.ge [sflag:s14], $0x4000  }
0x38: {  	[sflag:s14] =	ssyncset.done $0x0  }
0x39: {  	s28 =	simm.s32 $0x14180;
	[sflag:s14] =	ssyncadd.s32 $0xFFFFC000  }
0x3a: {  	[tilespmem:s20], [sflag:$0x2] =	stream.indirect.gather [hbm4b:s4+s16], $0x80, s28, s16, $0xb8;
	[tilespmem:$0x1E900] =	vst v63  }
0x3b: {  	s30 =	sadd.s32 $0x10, s12;
	s29 =	sadd.s32 $0x20, s12;
	s28 =	simm.s32 $0xFFFF6800  }
.LBB2_2:
0x3c: {  	[tilespmem:s21], [sflag:$0x4] =	stream.linear.gather [hbm4b:s30+s3], $0x80, $0x38;
	[tilespmem:$0x1E900] =	vst v63  }
0x3d: {  	s30 =	smov.u32 s28  }
0x3e: {  	p0 =	sne.s32 s28, $0xFFFFFC00;
	s28 =	sadd.s32 $0x400, s28;
	_ =	swait.ge [sflag:s22], $0x4000  }
0x3f: {  	[sflag:s22] =	ssyncset.done $0x0  }
0x40: {  	[sflag:s22] =	ssyncadd.s32 $0xFFFFC000  }
0x41: {  	_ =	swait.ge [sflag:s23], $0x80  }
0x42: {  	[sflag:s23] =	ssyncset.done $0x0  }
0x43: {  	[sflag:s23] =	ssyncadd.s32 $0xFFFFFF80  }
0x44: {  	[spmem:s2] =	stream.indirect.scatter.add.f32 [tilespmem:s17], [sflag:$0x5], $0x80, s18, s16, $0xb8;
	[tilespmem:$0x1E900] =	vst v63  }
0x45: {  	_ =	swait.ge [sflag:s14], $0x4000  }
0x46: {  	s30 =	sshra.s32 s30, $0x2;
	[sflag:s14] =	ssyncset.done $0x0  }
0x47: {  	s31 =	sadd.s32 $0x16800, s30;
	[sflag:s14] =	ssyncadd.s32 $0xFFFFC000  }
0x48: {  	[tilespmem:s17], [sflag:$0x1] =	stream.indirect.gather [hbm4b:s4+s16], $0x80, s31, s16, $0xb8;
	[tilespmem:$0x1E900] =	vst v63  }
0x49: {  	_ = 	snop  }
0x4a: {  	[tilespmem:s18], [sflag:$0x3] =	stream.linear.gather [hbm4b:s29+s3], $0x80, $0x38;
	[tilespmem:$0x1E900] =	vst v63  }
0x4b: {  	_ =	swait.ge [sflag:s24], $0x4000  }
0x4c: {  	[sflag:s24] =	ssyncset.done $0x0  }
0x4d: {  	[sflag:s24] =	ssyncadd.s32 $0xFFFFC000  }
0x4e: {  	_ =	swait.ge [sflag:s25], $0x80  }
0x4f: {  	[sflag:s25] =	ssyncset.done $0x0  }
0x50: {  	[sflag:s25] =	ssyncadd.s32 $0xFFFFFF80  }
0x51: {  	[spmem:s2] =	stream.indirect.scatter.add.f32 [tilespmem:s20], [sflag:$0x5], $0x80, s21, s16, $0xb8;
	[tilespmem:$0x1E900] =	vst v63  }
.Ltmp0:
0x52: {  	_ =	swait.ge [sflag:s14], $0x4000;
	(pc) =	sbr.rel @p0 .LBB2_2-.Ltmp0, $4  }
0x53: {  	[sflag:s14] =	ssyncset.done $0x0  }
0x54: {  	s30 =	sadd.s32 $0x16880, s30;
	[sflag:s14] =	ssyncadd.s32 $0xFFFFC000  }
0x55: {  	[tilespmem:s20], [sflag:$0x2] =	stream.indirect.gather [hbm4b:s4+s16], $0x80, s30, s16, $0xb8;
	[tilespmem:$0x1E900] =	vst v63  }
0x56: {  	s30 =	sadd.s32 $0x10, s29;
	s29 =	sadd.s32 $0x20, s29  }
0x57: {  	[tilespmem:s21], [sflag:$0x4] =	stream.linear.gather [hbm4b:s30+s3], $0x80, $0x38;
	[tilespmem:$0x1E900] =	vst v63  }
0x58: {  	_ =	swait.ge [sflag:s22], $0x4000  }
0x59: {  	[sflag:s22] =	ssyncset.done $0x0  }
0x5a: {  	[sflag:s22] =	ssyncadd.s32 $0xFFFFC000  }
0x5b: {  	_ =	swait.ge [sflag:s23], $0x80  }
0x5c: {  	[sflag:s23] =	ssyncset.done $0x0  }
0x5d: {  	[sflag:s23] =	ssyncadd.s32 $0xFFFFFF80  }
0x5e: {  	[spmem:s2] =	stream.indirect.scatter.add.f32 [tilespmem:s17], [sflag:$0x5], $0x80, s18, s16, $0xb8;
	[tilespmem:$0x1E900] =	vst v63  }
0x5f: {  	_ =	swait.ge [sflag:s14], $0x4000  }
0x60: {  	[sflag:s14] =	ssyncset.done $0x0  }
0x61: {  	[sflag:s14] =	ssyncadd.s32 $0xFFFFC000  }
0x62: {  	_ =	swait.ge [sflag:s24], $0x4000  }
0x63: {  	[sflag:s24] =	ssyncset.done $0x0  }
0x64: {  	[sflag:s24] =	ssyncadd.s32 $0xFFFFC000  }
0x65: {  	_ =	swait.ge [sflag:s25], $0x80  }
0x66: {  	[sflag:s25] =	ssyncset.done $0x0  }
0x67: {  	[sflag:s25] =	ssyncadd.s32 $0xFFFFFF80  }
0x68: {  	[spmem:s2] =	stream.indirect.scatter.add.f32 [tilespmem:s20], [sflag:$0x5], $0x80, s21, s16, $0xb8;
	[tilespmem:$0x1E900] =	vst v63  }
0x69: {  	_ =	swait.ge [sflag:s14], $0x4000  }
0x6a: {  	s26 =	sadd.s32 $0x1, s26;
	[sflag:s14] =	ssyncset.done $0x0  }
0x6b: {  	p0 =	sne.s32 s26, s11;
	[sflag:s14] =	ssyncadd.s32 $0xFFFFC000  }
.Ltmp1:
0x6c: {  	[bflag:$0x0] =	sbarrier.arrive $0xFFFF;
	(pc) =	sbr.rel @p0 .LBB2_1-.Ltmp1, $4  }
0x6d: {  	[hbm:s10], [sflag:s6] =	dma.local [spmem:s13], $0x2800  }
0x6e: {  	_ =	swait.ge [sflag:s14], $0x2800  }
0x6f: {  	[sflag:s14] =	ssyncset.done $0x0  }
0x70: {  	[sflag:s14] =	ssyncadd.s32 $0xFFFFD800  }
0x71: {  	_ =	sfence.sel $0x180000  }
0x72: {  	[bflag:$0x0] =	sbarrier.arrive $0xFFFF  }
0x73: {  	p0 =	sne.s32 s1, $0x0;
	_ =	strace $0x9000004A  }
0x74: {  	s0 =	sadd.s32 @!p0 $0x100000, s0;
	[bflag:$0x2] =	sbarrier.arrive $0xFFFF  }
0x75: {  	[sflag:s0] =	ssyncadd.tile.s32 @!p0 $0x1;
	_ =	shalt  }
.Lfunc_end2:
_tile_overlayer_lowered:
.L_overlay_start_2:
0x76: {  	(tag) =	ssettag $0x2  }
0x77: {  	s0 =	rddreg [dreg:$0x0];
	s2 =	stileid.u32  }
0x78: {  	s1 =	rddreg [dreg:$0x1];
	p0 =	sne.s32 s2, $0x0  }
0x79: {  	s3 =	rddreg [dreg:$0x2];
	[bflag:$0x3] =	sbarrier.arrive $0xFFFF;
	s2 =	simm.s32 @!p0 $0x1C05  }
0x7a: {  	[timem:s3], [sflag:s2] =	dma.local @!p0 [hbm:s0], s1  }
0x7b: {  	s0 =	simm.s32 @!p0 $0x5  }
0x7c: {  	_ =	swait.ge @!p0 [sflag:s0], s1  }
0x7d: {  	s1 =	ssub.s32 @!p0 $0x0, s1;
	[sflag:s0] =	ssyncset.done @!p0 $0x0  }
0x7e: {  	[sflag:s0] =	ssyncadd.s32 @!p0 s1  }
0x7f: {  	[bflag:$0x3] =	sbarrier.arrive $0xFFFF  }
0x80: {  	_ =	shalt  }

// kernel: kernel.16.cloned.1.call-start
scs
__scs_entry_jumppad:
0x0: {  	(pc) =	sbr.rel $0x88, $3  }
0x1: {  	(tag) =	ssettag $0x0;
	lr =	simm.s32 $0x1  }
0x2: {  	[smem:$0x3F9B] =	sst lr;
	_ =	strace $0xD0000000  }
0x3: {  	_ = 	snop  }
0x4: {  	_ = 	snop  }
0x5: {  	_ = 	snop  }
0x6: {  	_ = 	snop  }
0x7: {  	_ = 	snop  }
__scs_overlays_trampoline_lowered:
0x8: {  	[smem:$0x3FAA] =	sst s0  }
0x9: {  	[smem:$0x3FAB] =	sst s1  }
0xa: {  	[smem:$0x3FAC] =	sst s2  }
0xb: {  	[smem:$0x3FAD] =	sst s3  }
0xc: {  	[smem:$0x3FAE] =	sst s4  }
0xd: {  	[smem:$0x3FAF] =	sst s5  }
0xe: {  	[smem:$0x3FB0] =	sst s6  }
0xf: {  	[smem:$0x3FB1] =	sst s7  }
0x10: {  	[smem:$0x3FB2] =	sst s8  }
0x11: {  	[smem:$0x3FB3] =	sst s9;
	s0 =	simm.s32 @!p0 $0x0  }
0x12: {  	s1 =	sld [smem:$0x3F99];
	s0 =	simm.s32 @p0 $0x1  }
0x13: {  	[smem:$0x3FB4] =	sst s0;
	s0 =	simm.s32 @!p1 $0x0  }
0x14: {  	s2 =	sld [smem:$0x3F98];
	s0 =	simm.s32 @p1 $0x1  }
0x15: {  	[smem:$0x3FB5] =	sst s0;
	s0 =	simm.s32 @!p2 $0x0  }
0x16: {  	s3 =	sld [smem:$0x3FDB];
	s0 =	simm.s32 @p2 $0x1  }
0x17: {  	s4 =	simm.s32 $0x1BF5;
	[smem:$0x3FB7] =	sst s0  }
0x18: {  	s0 =	sld [smem:$0x3F9A];
	_ =	swait.ge [sflag:s4], $0x0  }
0x19: {  	s7 =	sld [smem:$0x3F9B]  }
0x1a: {  	s8 =	sadd.s32 $0xFFFFE003, lr  }
0x1b: {  	s9 =	sadd.s32 $0xFFFFFEF7, lr;
	s5 =	simm.s32 $0xFFFFFFFF;
	p2 =	slt.u32 s8, $0xFFFFF086  }
0x1c: {  	p1 =	slt.u32 s9, $0xF7A;
	s5 =	simm.s32 @!p2 $0x0  }
0x1d: {  	s5 =	simm.s32 @p1 $0x1;
	p0 =	seq.s32 s7, s2  }
0x1e: {  	s7 =	smul.u32 @!p0 $0xF7A, s2;
	p2 =	seq.s32 @!p0 s5, $0x0  }
0x1f: {  	s9 =	smul.u32 $0xF7A, s1;
	s8 =	simm.s32 @!p0 $0x1BF5;
	p2 =	por !p2, p0  }
0x20: {  	[sflag:s8] =	ssyncset.s32 @!p0 $0xFFFFF086;
	s6 =	sadd.s32 @!p0 s3, s7;
	s7 =	simm.s32 @!p0 $0x108  }
0x21: {  	s3 =	sadd.s32 s3, s9;
	s6 =	sadd.s32 @!p0 $0x88, s6;
	s7 =	simm.s32 @p2 $0x1082  }
0x22: {  	[simem:s7], [sflag:s8] =	dma.local @!p0 [hbm:s6], $0xF7A  }
0x23: {  	s9 =	sor.u32 $0xD0000000, s2;
	s6 =	simm.s32 $0x108;
	_ =	swait.ge @!p0 [sflag:s8], $0x0  }
0x24: {  	s3 =	sadd.s32 $0x88, s3;
	s6 =	simm.s32 @!p1 $0x1082;
	[sflag:s4] =	ssyncset.s32 $0xFFFFF086  }
0x25: {  	[simem:s6], [sflag:s4] =	dma.local [hbm:s3], $0xF7A  }
0x26: {  	[smem:$0x3F9B] =	sst s1;
	(tag) =	ssettag s2;
	_ =	strace s9  }
0x27: {  	s1 =	sld [smem:$0x3FAB]  }
0x28: {  	s2 =	sld [smem:$0x3FAC]  }
0x29: {  	s4 =	sld [smem:$0x3FAE]  }
0x2a: {  	p0 =	seq.s32 s5, $0x0;
	s5 =	sld [smem:$0x3FAF]  }
0x2b: {  	s6 =	sld [smem:$0x3FB0]  }
0x2c: {  	s7 =	sld [smem:$0x3FB1]  }
0x2d: {  	s3 =	simm.s32 $0x108;
	s8 =	sld [smem:$0x3FB2]  }
0x2e: {  	s3 =	simm.s32 @!p0 $0x1082;
	s9 =	sld [smem:$0x3FB3]  }
0x2f: {  	lr =	sadd.s32 s0, s3;
	s0 =	sld [smem:$0x3FAA]  }
0x30: {  	s3 =	sld [smem:$0x3FAD]  }
0x31: {  	[smem:$0x3FB6] =	sst s10  }
0x32: {  	s10 =	sld [smem:$0x3FB4];
	_ =	sdelay $0x3  }
0x33: {  	p0 =	seq.s32 s10, $0x1;
	s10 =	sld [smem:$0x3FB6];
	_ =	sdelay $0x3  }
0x34: {  	[smem:$0x3FB6] =	sst s10  }
0x35: {  	s10 =	sld [smem:$0x3FB5];
	_ =	sdelay $0x3  }
0x36: {  	p1 =	seq.s32 s10, $0x1;
	s10 =	sld [smem:$0x3FB6];
	_ =	sdelay $0x3  }
0x37: {  	[smem:$0x3FB6] =	sst s10  }
0x38: {  	s10 =	sld [smem:$0x3FB7]  }
0x39: {  	_ = 	snop;
	(pc) =	sbr.ind lr, $3  }
0x3a: {  	_ = 	snop  }
0x3b: {  	_ = 	snop  }
0x3c: {  	p2 =	seq.s32 s10, $0x1;
	s10 =	sld [smem:$0x3FB6]  }
0x3d: {  	_ =	shalt  }
0x3e: {  	_ =	shalt  }
0x3f: {  	_ =	shalt  }
0x40: {  	_ =	shalt  }
0x41: {  	_ =	shalt  }
0x42: {  	_ =	shalt  }
0x43: {  	_ =	shalt  }
0x44: {  	_ =	shalt  }
0x45: {  	_ =	shalt  }
0x46: {  	_ =	shalt  }
0x47: {  	_ =	shalt  }
0x48: {  	_ =	shalt  }
0x49: {  	_ =	shalt  }
0x4a: {  	_ =	shalt  }
0x4b: {  	_ =	shalt  }
0x4c: {  	_ =	shalt  }
0x4d: {  	_ =	shalt  }
0x4e: {  	_ =	shalt  }
0x4f: {  	_ =	shalt  }
0x50: {  	_ =	shalt  }
0x51: {  	_ =	shalt  }
0x52: {  	_ =	shalt  }
0x53: {  	_ =	shalt  }
0x54: {  	_ =	shalt  }
0x55: {  	_ =	shalt  }
0x56: {  	_ =	shalt  }
0x57: {  	_ =	shalt  }
0x58: {  	_ =	shalt  }
0x59: {  	_ =	shalt  }
0x5a: {  	_ =	shalt  }
0x5b: {  	_ =	shalt  }
0x5c: {  	_ =	shalt  }
0x5d: {  	_ =	shalt  }
0x5e: {  	_ =	shalt  }
0x5f: {  	_ =	shalt  }
0x60: {  	_ =	shalt  }
0x61: {  	_ =	shalt  }
0x62: {  	_ =	shalt  }
0x63: {  	_ =	shalt  }
0x64: {  	_ =	shalt  }
0x65: {  	_ =	shalt  }
0x66: {  	_ =	shalt  }
0x67: {  	_ =	shalt  }
0x68: {  	_ =	shalt  }
0x69: {  	_ =	shalt  }
0x6a: {  	_ =	shalt  }
0x6b: {  	_ =	shalt  }
0x6c: {  	_ =	shalt  }
0x6d: {  	_ =	shalt  }
0x6e: {  	_ =	shalt  }
0x6f: {  	_ =	shalt  }
0x70: {  	_ =	shalt  }
0x71: {  	_ =	shalt  }
0x72: {  	_ =	shalt  }
0x73: {  	_ =	shalt  }
0x74: {  	_ =	shalt  }
0x75: {  	_ =	shalt  }
0x76: {  	_ =	shalt  }
0x77: {  	_ =	shalt  }
0x78: {  	_ =	shalt  }
0x79: {  	_ =	shalt  }
0x7a: {  	_ =	shalt  }
0x7b: {  	_ =	shalt  }
0x7c: {  	_ =	shalt  }
0x7d: {  	_ =	shalt  }
0x7e: {  	_ =	shalt  }
0x7f: {  	_ =	shalt  }
0x80: {  	_ =	shalt  }
0x81: {  	_ =	shalt  }
0x82: {  	_ =	shalt  }
0x83: {  	_ =	shalt  }
0x84: {  	_ =	shalt  }
0x85: {  	_ =	shalt  }
0x86: {  	_ =	shalt  }
0x87: {  	_ =	shalt  }
.Lfunc_end0:
.L_simem_size_0:
called_computation.2_lowered:
.L_overlay_start_0:
0x88: {  	s2 =	sld [smem:$0x3FD9]  }
0x89: {  	s3 =	sld [smem:$0x3FFE];
	_ =	sdelay $0x1  }
0x8a: {  	s1 =	srdreg.scid  }
0x8b: {  	s0 =	sand.u32 $0x1, s1  }
0x8c: {  	s14 =	sshll.u32 s0, $0xA;
	s2 =	sadd.s32 s3, s2  }
0x8d: {  	s2 =	sadd.s32 s2, s14  }
0x8e: {  	[smem:$0x3FC2] =	sst s2  }
0x8f: {  	_ = 	snop  }
0x90: {  	s2 =	sld [smem:$0x3FD0];
	_ =	sdelay $0x2  }
0x91: {  	s15 =	simm.s32 $0xA;
	s4 =	simm.s32 $0x10  }
0x92: {  	[smem:s4], [sflag:s15] =	dma.local [hbm:s2], $0x1  }
0x93: {  	_ =	swait.eq [sflag:s15], $0x1  }
0x94: {  	[sflag:s15] =	ssyncset.done $0x0  }
0x95: {  	[sflag:s15] =	ssyncadd.s32 $0xFFFFFFFF  }
0x96: {  	s16 =	sld [smem:$0x10];
	(tm) =	ssettm $0x1  }
0x97: {  	s17 =	sld [smem:$0x3FFB];
	_ =	sdelay $0x3  }
0x98: {  	_ =	strace s17  }
0x99: {  	s3 =	sld [smem:$0x3FFC];
	_ =	sdelay $0x3  }
0x9a: {  	_ =	strace s3  }
0x9b: {  	s3 =	sld [smem:$0x3FFD];
	_ =	sdelay $0x3  }
0x9c: {  	_ =	strace s3  }
0x9d: {  	_ =	strace $0x8FFFFFFF  }
0x9e: {  	s18 =	sld [smem:$0x3FDB];
	_ =	sdelay $0x1  }
0x9f: {  	s19 =	simm.s32 $_scs_section_size  }
0xa0: {  	s5 =	simm.s32 $_size__tile_overlayer_lowered;
	s6 =	simm.s32 $_tile_overlayer_lowered  }
0xa1: {  	s22 =	simm.s32 $0x1BFF;
	s21 =	sshll.u32 s6, $0x1;
	s3 =	sadd.s32 s19, s18  }
0xa2: {  	s7 =	simm.s32 $0x0;
	s20 =	sshll.u32 s5, $0x1;
	s5 =	sadd.s32 s21, s3  }
0xa3: {  	[timem:s7], [sflag:s22] =	dma.local [hbm:s5], s20  }
0xa4: {  	_ =	swait.ge [sflag:s22], s20  }
0xa5: {  	s4 =	ssub.s32 $0x0, s20;
	[sflag:s22] =	ssyncset.done $0x0  }
0xa6: {  	[sflag:s22] =	ssyncadd.s32 s4;
	_ =	sdelay $0x1  }
0xa7: {  	s23 =	simm.s32 $0x1B8B  }
0xa8: {  	_ =	swait.ge [sflag:s23], $0x1  }
0xa9: {  	[sflag:s23] =	ssyncset.done $0x0  }
0xaa: {  	s25 =	simm.s32 $0x1B8E;
	s24 =	sld [smem:$0x3FFE];
	[sflag:s23] =	ssyncadd.s32 $0xFFFFFFFF  }
0xab: {  	s26 =	simm.s32 $execute0_lowered;
	[smem:$0x3FD2] =	sst s25  }
0xac: {  	s5 =	sshll.u32 s26, $0x1;
	_ =	strace $0x8000004C;
	[dreg:$0x1] =	wrdreg $0xFFFFFFFF  }
0xad: {  	s28 =	simm.s32 $_size_execute0_lowered;
	s3 =	sadd.s32 s3, s5;
	[dreg:$0x0] =	wrdreg $0x0  }
0xae: {  	s5 =	sshll.u32 s28, $0x1;
	[dreg:$0x2] =	wrdreg s3  }
0xaf: {  	[dreg:$0x3] =	wrdreg s5  }
0xb0: {  	[dreg:$0x4] =	wrdreg $0xC0  }
0xb1: {  	_ =	task [dreg:s7], $0x5FFFF  }
0xb2: {  	[dreg:$0x1] =	wrdreg $0xFFFFFFFF  }
0xb3: {  	[dreg:$0x0] =	wrdreg $0x60  }
0xb4: {  	[dreg:$0x2] =	wrdreg s24  }
0xb5: {  	[dreg:$0x3] =	wrdreg s16  }
0xb6: {  	[dreg:$0x4] =	wrdreg $0x0  }
0xb7: {  	[dreg:$0x5] =	wrdreg $0x9  }
0xb8: {  	_ =	task.clear_ibuf [dreg:s7], $0x6FFFF;
	_ =	strace $0x9000004C  }
0xb9: {  	s29 =	simm.s32 $0x9;
	_ =	strace $0x8000004E  }
0xba: {  	_ =	swait.ge [sflag:s29], $0x1  }
0xbb: {  	[sflag:s29] =	ssyncadd.s32 $0xFFFFFFFF  }
0xbc: {  	_ =	strace $0x9000004E  }
0xbd: {  	_ =	sfence  }
0xbe: {  	s30 =	sld [smem:$0x0];
	_ =	sdelay $0x2  }
0xbf: {  	s31 =	sshll.u32 s1, $0xD;
	s1 =	sshrl.u32 s1, $0x2  }
0xc0: {  	s3 =	sand.u32 $0x4000, s31;
	s1 =	sadd.s32 s1, s30  }
0xc1: {  	s0 =	sor.u32 s3, s0;
	s1 =	sshll.u32 s1, $0x11  }
0xc2: {  	s0 =	sor.u32 s1, s0  }
0xc3: {  	s0 =	sadd.s32 $0x8F2B, s0  }
0xc4: {  	[sflag:s0] =	ssyncadd.remote.s32 $0x1  }
0xc5: {  	_ =	sfence.sel $0xFFFF  }
0xc6: {  	[dreg:$0x0] =	wrdreg $0xFFFFFFFF;
	(pc) =	sbr.abs _section_cstart, $3  }
0xc7: {  	[dreg:$0x1] =	wrdreg $0xFFFFFFFF  }
0xc8: {  	_ =	task.clear_ibuf [dreg:s7], $0x2FFFF;
	_ =	strace $0x9FFFFFFF  }
0xc9: {  	(tm) =	ssettm $0x7FFFFFFF  }
tec
execute0_lowered:
.L_overlay_start_1:
0x0: {  	(tag) =	ssettag $0x1  }
0x1: {  	s5 =	rddreg [dreg:$0x0]  }
0x2: {  	s7 =	rddreg [dreg:$0x1];
	s0 =	srdreg.scid  }
0x3: {  	s2 =	rddreg [dreg:$0x2];
	s1 =	stileid.u32  }
0x4: {  	s3 =	simm.s32 $0x0;
	s15 =	simm.s32 $0x14000;
	s16 =	simm.s32 $0x80  }
0x5: {  	s17 =	simm.s32 $0x16900;
	s18 =	simm.s32 $0x16800;
	s19 =	simm.s32 $0x14080  }
0x6: {  	s20 =	simm.s32 $0x1A900;
	s21 =	simm.s32 $0x16880;
	s22 =	simm.s32 $0x1  }
0x7: {  	s23 =	simm.s32 $0x3;
	s24 =	simm.s32 $0x2;
	s8 =	smul.u32 $0x280, s1  }
0x8: {  	s6 =	sand.u32 $0x1, s0;
	s0 =	rddreg [dreg:$0x3];
	s9 =	smul.u32 $0x500, s1  }
0x9: {  	s25 =	simm.s32 $0x4;
	[smem:$0x7FF] =	sst s3;
	s10 =	smul.u32 $0x50000, s1  }
0xa: {  	s31 =	sshll.u32 s1, $0x6;
	s4 =	smul.u32 $0x2800, s6;
	_ =	strace $0x8000004D  }
0xb: {  	s26 =	ssub.s32 $0x2, s6;
	s6 =	sshll.u32 s6, $0x4;
	s12 =	sadd.s32 s9, s5  }
0xc: {  	s28 =	sshrl.u32 s26, $0x1;
	s6 =	sor.u32 s1, s6;
	s29 =	sshrl.u32 s10, $0x2  }
0xd: {  	s8 =	sadd.s32 s8, s4;
	s4 =	sadd.s32 $0x57A00, s5;
	s13 =	ssub.s32 s26, s28  }
0xe: {  	s30 =	smul.u32 $0x500, s6;
	s14 =	sadd.s32 s29, s2;
	s6 =	sor.u32 $0x1C05, s31  }
0xf: {  	s9 =	sadd.s32 $0x2A10, s12;
	s26 =	simm.s32 $0x0;
	s8 =	sshll.u32 s8, $0x4  }
0x10: {  	s11 =	sadd.s32 s8, s5;
	s5 =	sadd.s32 s4, s8;
	s7 =	sadd.s32 s7, s30  }
0x11: {  	s8 =	sadd.s32 $0x2A00, s12;
	s12 =	sadd.s32 $0x2A20, s12;
	s10 =	sadd.s32 $0xA7A00, s11  }
0x12: {  	s11 =	smax.u32 s13, $0x1;
	s13 =	sshrl.u32 s14, $0x3;
	s14 =	simm.s32 $0x5  }
.LBB2_1:
0x13: {  	[spmem:s13], [sflag:s6] =	dma.local [hbm:s5], $0x2800  }
0x14: {  	_ =	swait.ge [sflag:s14], $0x2800  }
0x15: {  	[sflag:s14] =	ssyncset.done $0x0  }
0x16: {  	[sflag:s14] =	ssyncadd.s32 $0xFFFFD800  }
0x17: {  	[tilespmem:s15], [sflag:$0x5] =	stream.linear.gather [hbm4b:s7+s3], $0x2800, $0x38;
	[tilespmem:$0x1E900] =	vst v63  }
0x18: {  	_ =	swait.ge [sflag:s14], $0x2800  }
0x19: {  	[sflag:s14] =	ssyncset.done $0x0  }
0x1a: {  	[sflag:s14] =	ssyncadd.s32 $0xFFFFD800  }
0x1b: {  	[bflag:$0x0] =	sbarrier.arrive $0xFFFF  }
0x1c: {  	[tilespmem:s17], [sflag:$0x1] =	stream.indirect.gather [hbm4b:s4+s16], $0x80, s15, s16, $0xb8;
	[tilespmem:$0x1E900] =	vst v63  }
0x1d: {  	_ = 	snop  }
0x1e: {  	[tilespmem:s18], [sflag:$0x3] =	stream.linear.gather [hbm4b:s8+s3], $0x80, $0x38;
	[tilespmem:$0x1E900] =	vst v63  }
0x1f: {  	_ = 	snop  }
0x20: {  	[tilespmem:s20], [sflag:$0x2] =	stream.indirect.gather [hbm4b:s4+s16], $0x80, s19, s16, $0xb8;
	[tilespmem:$0x1E900] =	vst v63  }
0x21: {  	_ = 	snop  }
0x22: {  	[tilespmem:s21], [sflag:$0x4] =	stream.linear.gather [hbm4b:s9+s3], $0x80, $0x38;
	[tilespmem:$0x1E900] =	vst v63  }
0x23: {  	_ =	swait.ge [sflag:s22], $0x4000  }
0x24: {  	[sflag:s22] =	ssyncset.done $0x0  }
0x25: {  	[sflag:s22] =	ssyncadd.s32 $0xFFFFC000  }
0x26: {  	_ =	swait.ge [sflag:s23], $0x80  }
0x27: {  	[sflag:s23] =	ssyncset.done $0x0  }
0x28: {  	[sflag:s23] =	ssyncadd.s32 $0xFFFFFF80  }
0x29: {  	[spmem:s2] =	stream.indirect.scatter.add.f32 [tilespmem:s17], [sflag:$0x5], $0x80, s18, s16, $0xb8;
	[tilespmem:$0x1E900] =	vst v63  }
0x2a: {  	_ =	swait.ge [sflag:s14], $0x4000  }
0x2b: {  	[sflag:s14] =	ssyncset.done $0x0  }
0x2c: {  	s28 =	simm.s32 $0x14100;
	[sflag:s14] =	ssyncadd.s32 $0xFFFFC000  }
0x2d: {  	[tilespmem:s17], [sflag:$0x1] =	stream.indirect.gather [hbm4b:s4+s16], $0x80, s28, s16, $0xb8;
	[tilespmem:$0x1E900] =	vst v63  }
0x2e: {  	_ = 	snop  }
0x2f: {  	[tilespmem:s18], [sflag:$0x3] =	stream.linear.gather [hbm4b:s12+s3], $0x80, $0x38;
	[tilespmem:$0x1E900] =	vst v63  }
0x30: {  	_ =	swait.ge [sflag:s24], $0x4000  }
0x31: {  	[sflag:s24] =	ssyncset.done $0x0  }
0x32: {  	[sflag:s24] =	ssyncadd.s32 $0xFFFFC000  }
0x33: {  	_ =	swait.ge [sflag:s25], $0x80  }
0x34: {  	[sflag:s25] =	ssyncset.done $0x0  }
0x35: {  	[sflag:s25] =	ssyncadd.s32 $0xFFFFFF80  }
0x36: {  	[spmem:s2] =	stream.indirect.scatter.add.f32 [tilespmem:s20], [sflag:$0x5], $0x80, s21, s16, $0xb8;
	[tilespmem:$0x1E900] =	vst v63  }
0x37: {  	_ =	swait.ge [sflag:s14], $0x4000  }
0x38: {  	[sflag:s14] =	ssyncset.done $0x0  }
0x39: {  	s28 =	simm.s32 $0x14180;
	[sflag:s14] =	ssyncadd.s32 $0xFFFFC000  }
0x3a: {  	[tilespmem:s20], [sflag:$0x2] =	stream.indirect.gather [hbm4b:s4+s16], $0x80, s28, s16, $0xb8;
	[tilespmem:$0x1E900] =	vst v63  }
0x3b: {  	s30 =	sadd.s32 $0x10, s12;
	s29 =	sadd.s32 $0x20, s12;
	s28 =	simm.s32 $0xFFFF6800  }
.LBB2_2:
0x3c: {  	[tilespmem:s21], [sflag:$0x4] =	stream.linear.gather [hbm4b:s30+s3], $0x80, $0x38;
	[tilespmem:$0x1E900] =	vst v63  }
0x3d: {  	s30 =	smov.u32 s28  }
0x3e: {  	p0 =	sne.s32 s28, $0xFFFFFC00;
	s28 =	sadd.s32 $0x400, s28;
	_ =	swait.ge [sflag:s22], $0x4000  }
0x3f: {  	[sflag:s22] =	ssyncset.done $0x0  }
0x40: {  	[sflag:s22] =	ssyncadd.s32 $0xFFFFC000  }
0x41: {  	_ =	swait.ge [sflag:s23], $0x80  }
0x42: {  	[sflag:s23] =	ssyncset.done $0x0  }
0x43: {  	[sflag:s23] =	ssyncadd.s32 $0xFFFFFF80  }
0x44: {  	[spmem:s2] =	stream.indirect.scatter.add.f32 [tilespmem:s17], [sflag:$0x5], $0x80, s18, s16, $0xb8;
	[tilespmem:$0x1E900] =	vst v63  }
0x45: {  	_ =	swait.ge [sflag:s14], $0x4000  }
0x46: {  	s30 =	sshra.s32 s30, $0x2;
	[sflag:s14] =	ssyncset.done $0x0  }
0x47: {  	s31 =	sadd.s32 $0x16800, s30;
	[sflag:s14] =	ssyncadd.s32 $0xFFFFC000  }
0x48: {  	[tilespmem:s17], [sflag:$0x1] =	stream.indirect.gather [hbm4b:s4+s16], $0x80, s31, s16, $0xb8;
	[tilespmem:$0x1E900] =	vst v63  }
0x49: {  	_ = 	snop  }
0x4a: {  	[tilespmem:s18], [sflag:$0x3] =	stream.linear.gather [hbm4b:s29+s3], $0x80, $0x38;
	[tilespmem:$0x1E900] =	vst v63  }
0x4b: {  	_ =	swait.ge [sflag:s24], $0x4000  }
0x4c: {  	[sflag:s24] =	ssyncset.done $0x0  }
0x4d: {  	[sflag:s24] =	ssyncadd.s32 $0xFFFFC000  }
0x4e: {  	_ =	swait.ge [sflag:s25], $0x80  }
0x4f: {  	[sflag:s25] =	ssyncset.done $0x0  }
0x50: {  	[sflag:s25] =	ssyncadd.s32 $0xFFFFFF80  }
0x51: {  	[spmem:s2] =	stream.indirect.scatter.add.f32 [tilespmem:s20], [sflag:$0x5], $0x80, s21, s16, $0xb8;
	[tilespmem:$0x1E900] =	vst v63  }
.Ltmp0:
0x52: {  	_ =	swait.ge [sflag:s14], $0x4000;
	(pc) =	sbr.rel @p0 .LBB2_2-.Ltmp0, $4  }
0x53: {  	[sflag:s14] =	ssyncset.done $0x0  }
0x54: {  	s30 =	sadd.s32 $0x16880, s30;
	[sflag:s14] =	ssyncadd.s32 $0xFFFFC000  }
0x55: {  	[tilespmem:s20], [sflag:$0x2] =	stream.indirect.gather [hbm4b:s4+s16], $0x80, s30, s16, $0xb8;
	[tilespmem:$0x1E900] =	vst v63  }
0x56: {  	s30 =	sadd.s32 $0x10, s29;
	s29 =	sadd.s32 $0x20, s29  }
0x57: {  	[tilespmem:s21], [sflag:$0x4] =	stream.linear.gather [hbm4b:s30+s3], $0x80, $0x38;
	[tilespmem:$0x1E900] =	vst v63  }
0x58: {  	_ =	swait.ge [sflag:s22], $0x4000  }
0x59: {  	[sflag:s22] =	ssyncset.done $0x0  }
0x5a: {  	[sflag:s22] =	ssyncadd.s32 $0xFFFFC000  }
0x5b: {  	_ =	swait.ge [sflag:s23], $0x80  }
0x5c: {  	[sflag:s23] =	ssyncset.done $0x0  }
0x5d: {  	[sflag:s23] =	ssyncadd.s32 $0xFFFFFF80  }
0x5e: {  	[spmem:s2] =	stream.indirect.scatter.add.f32 [tilespmem:s17], [sflag:$0x5], $0x80, s18, s16, $0xb8;
	[tilespmem:$0x1E900] =	vst v63  }
0x5f: {  	_ =	swait.ge [sflag:s14], $0x4000  }
0x60: {  	[sflag:s14] =	ssyncset.done $0x0  }
0x61: {  	[sflag:s14] =	ssyncadd.s32 $0xFFFFC000  }
0x62: {  	_ =	swait.ge [sflag:s24], $0x4000  }
0x63: {  	[sflag:s24] =	ssyncset.done $0x0  }
0x64: {  	[sflag:s24] =	ssyncadd.s32 $0xFFFFC000  }
0x65: {  	_ =	swait.ge [sflag:s25], $0x80  }
0x66: {  	[sflag:s25] =	ssyncset.done $0x0  }
0x67: {  	[sflag:s25] =	ssyncadd.s32 $0xFFFFFF80  }
0x68: {  	[spmem:s2] =	stream.indirect.scatter.add.f32 [tilespmem:s20], [sflag:$0x5], $0x80, s21, s16, $0xb8;
	[tilespmem:$0x1E900] =	vst v63  }
0x69: {  	_ =	swait.ge [sflag:s14], $0x4000  }
0x6a: {  	s26 =	sadd.s32 $0x1, s26;
	[sflag:s14] =	ssyncset.done $0x0  }
0x6b: {  	p0 =	sne.s32 s26, s11;
	[sflag:s14] =	ssyncadd.s32 $0xFFFFC000  }
.Ltmp1:
0x6c: {  	[bflag:$0x0] =	sbarrier.arrive $0xFFFF;
	(pc) =	sbr.rel @p0 .LBB2_1-.Ltmp1, $4  }
0x6d: {  	[hbm:s10], [sflag:s6] =	dma.local [spmem:s13], $0x2800  }
0x6e: {  	_ =	swait.ge [sflag:s14], $0x2800  }
0x6f: {  	[sflag:s14] =	ssyncset.done $0x0  }
0x70: {  	[sflag:s14] =	ssyncadd.s32 $0xFFFFD800  }
0x71: {  	_ =	sfence.sel $0x180000  }
0x72: {  	[bflag:$0x0] =	sbarrier.arrive $0xFFFF  }
0x73: {  	p0 =	sne.s32 s1, $0x0;
	_ =	strace $0x9000004D  }
0x74: {  	s0 =	sadd.s32 @!p0 $0x100000, s0;
	[bflag:$0x2] =	sbarrier.arrive $0xFFFF  }
0x75: {  	[sflag:s0] =	ssyncadd.tile.s32 @!p0 $0x1;
	_ =	shalt  }
.Lfunc_end2:
_tile_overlayer_lowered:
.L_overlay_start_2:
0x76: {  	(tag) =	ssettag $0x2  }
0x77: {  	s0 =	rddreg [dreg:$0x0];
	s2 =	stileid.u32  }
0x78: {  	s1 =	rddreg [dreg:$0x1];
	p0 =	sne.s32 s2, $0x0  }
0x79: {  	s3 =	rddreg [dreg:$0x2];
	[bflag:$0x3] =	sbarrier.arrive $0xFFFF;
	s2 =	simm.s32 @!p0 $0x1C05  }
0x7a: {  	[timem:s3], [sflag:s2] =	dma.local @!p0 [hbm:s0], s1  }
0x7b: {  	s0 =	simm.s32 @!p0 $0x5  }
0x7c: {  	_ =	swait.ge @!p0 [sflag:s0], s1  }
0x7d: {  	s1 =	ssub.s32 @!p0 $0x0, s1;
	[sflag:s0] =	ssyncset.done @!p0 $0x0  }
0x7e: {  	[sflag:s0] =	ssyncadd.s32 @!p0 s1  }
0x7f: {  	[bflag:$0x3] =	sbarrier.arrive $0xFFFF  }
0x80: {  	_ =	shalt  }

// kernel: kernel.19.cloned.1.call-start
scs
__scs_entry_jumppad:
0x0: {  	(pc) =	sbr.rel $0x88, $3  }
0x1: {  	(tag) =	ssettag $0x0;
	lr =	simm.s32 $0x1  }
0x2: {  	[smem:$0x3F9B] =	sst lr;
	_ =	strace $0xD0000000  }
0x3: {  	_ = 	snop  }
0x4: {  	_ = 	snop  }
0x5: {  	_ = 	snop  }
0x6: {  	_ = 	snop  }
0x7: {  	_ = 	snop  }
__scs_overlays_trampoline_lowered:
0x8: {  	[smem:$0x3FAA] =	sst s0  }
0x9: {  	[smem:$0x3FAB] =	sst s1  }
0xa: {  	[smem:$0x3FAC] =	sst s2  }
0xb: {  	[smem:$0x3FAD] =	sst s3  }
0xc: {  	[smem:$0x3FAE] =	sst s4  }
0xd: {  	[smem:$0x3FAF] =	sst s5  }
0xe: {  	[smem:$0x3FB0] =	sst s6  }
0xf: {  	[smem:$0x3FB1] =	sst s7  }
0x10: {  	[smem:$0x3FB2] =	sst s8  }
0x11: {  	[smem:$0x3FB3] =	sst s9;
	s0 =	simm.s32 @!p0 $0x0  }
0x12: {  	s1 =	sld [smem:$0x3F99];
	s0 =	simm.s32 @p0 $0x1  }
0x13: {  	[smem:$0x3FB4] =	sst s0;
	s0 =	simm.s32 @!p1 $0x0  }
0x14: {  	s2 =	sld [smem:$0x3F98];
	s0 =	simm.s32 @p1 $0x1  }
0x15: {  	[smem:$0x3FB5] =	sst s0;
	s0 =	simm.s32 @!p2 $0x0  }
0x16: {  	s3 =	sld [smem:$0x3FDB];
	s0 =	simm.s32 @p2 $0x1  }
0x17: {  	s4 =	simm.s32 $0x1BF5;
	[smem:$0x3FB7] =	sst s0  }
0x18: {  	s0 =	sld [smem:$0x3F9A];
	_ =	swait.ge [sflag:s4], $0x0  }
0x19: {  	s7 =	sld [smem:$0x3F9B]  }
0x1a: {  	s8 =	sadd.s32 $0xFFFFE003, lr  }
0x1b: {  	s9 =	sadd.s32 $0xFFFFFEF7, lr;
	s5 =	simm.s32 $0xFFFFFFFF;
	p2 =	slt.u32 s8, $0xFFFFF086  }
0x1c: {  	p1 =	slt.u32 s9, $0xF7A;
	s5 =	simm.s32 @!p2 $0x0  }
0x1d: {  	s5 =	simm.s32 @p1 $0x1;
	p0 =	seq.s32 s7, s2  }
0x1e: {  	s7 =	smul.u32 @!p0 $0xF7A, s2;
	p2 =	seq.s32 @!p0 s5, $0x0  }
0x1f: {  	s9 =	smul.u32 $0xF7A, s1;
	s8 =	simm.s32 @!p0 $0x1BF5;
	p2 =	por !p2, p0  }
0x20: {  	[sflag:s8] =	ssyncset.s32 @!p0 $0xFFFFF086;
	s6 =	sadd.s32 @!p0 s3, s7;
	s7 =	simm.s32 @!p0 $0x108  }
0x21: {  	s3 =	sadd.s32 s3, s9;
	s6 =	sadd.s32 @!p0 $0x88, s6;
	s7 =	simm.s32 @p2 $0x1082  }
0x22: {  	[simem:s7], [sflag:s8] =	dma.local @!p0 [hbm:s6], $0xF7A  }
0x23: {  	s9 =	sor.u32 $0xD0000000, s2;
	s6 =	simm.s32 $0x108;
	_ =	swait.ge @!p0 [sflag:s8], $0x0  }
0x24: {  	s3 =	sadd.s32 $0x88, s3;
	s6 =	simm.s32 @!p1 $0x1082;
	[sflag:s4] =	ssyncset.s32 $0xFFFFF086  }
0x25: {  	[simem:s6], [sflag:s4] =	dma.local [hbm:s3], $0xF7A  }
0x26: {  	[smem:$0x3F9B] =	sst s1;
	(tag) =	ssettag s2;
	_ =	strace s9  }
0x27: {  	s1 =	sld [smem:$0x3FAB]  }
0x28: {  	s2 =	sld [smem:$0x3FAC]  }
0x29: {  	s4 =	sld [smem:$0x3FAE]  }
0x2a: {  	p0 =	seq.s32 s5, $0x0;
	s5 =	sld [smem:$0x3FAF]  }
0x2b: {  	s6 =	sld [smem:$0x3FB0]  }
0x2c: {  	s7 =	sld [smem:$0x3FB1]  }
0x2d: {  	s3 =	simm.s32 $0x108;
	s8 =	sld [smem:$0x3FB2]  }
0x2e: {  	s3 =	simm.s32 @!p0 $0x1082;
	s9 =	sld [smem:$0x3FB3]  }
0x2f: {  	lr =	sadd.s32 s0, s3;
	s0 =	sld [smem:$0x3FAA]  }
0x30: {  	s3 =	sld [smem:$0x3FAD]  }
0x31: {  	[smem:$0x3FB6] =	sst s10  }
0x32: {  	s10 =	sld [smem:$0x3FB4];
	_ =	sdelay $0x3  }
0x33: {  	p0 =	seq.s32 s10, $0x1;
	s10 =	sld [smem:$0x3FB6];
	_ =	sdelay $0x3  }
0x34: {  	[smem:$0x3FB6] =	sst s10  }
0x35: {  	s10 =	sld [smem:$0x3FB5];
	_ =	sdelay $0x3  }
0x36: {  	p1 =	seq.s32 s10, $0x1;
	s10 =	sld [smem:$0x3FB6];
	_ =	sdelay $0x3  }
0x37: {  	[smem:$0x3FB6] =	sst s10  }
0x38: {  	s10 =	sld [smem:$0x3FB7]  }
0x39: {  	_ = 	snop;
	(pc) =	sbr.ind lr, $3  }
0x3a: {  	_ = 	snop  }
0x3b: {  	_ = 	snop  }
0x3c: {  	p2 =	seq.s32 s10, $0x1;
	s10 =	sld [smem:$0x3FB6]  }
0x3d: {  	_ =	shalt  }
0x3e: {  	_ =	shalt  }
0x3f: {  	_ =	shalt  }
0x40: {  	_ =	shalt  }
0x41: {  	_ =	shalt  }
0x42: {  	_ =	shalt  }
0x43: {  	_ =	shalt  }
0x44: {  	_ =	shalt  }
0x45: {  	_ =	shalt  }
0x46: {  	_ =	shalt  }
0x47: {  	_ =	shalt  }
0x48: {  	_ =	shalt  }
0x49: {  	_ =	shalt  }
0x4a: {  	_ =	shalt  }
0x4b: {  	_ =	shalt  }
0x4c: {  	_ =	shalt  }
0x4d: {  	_ =	shalt  }
0x4e: {  	_ =	shalt  }
0x4f: {  	_ =	shalt  }
0x50: {  	_ =	shalt  }
0x51: {  	_ =	shalt  }
0x52: {  	_ =	shalt  }
0x53: {  	_ =	shalt  }
0x54: {  	_ =	shalt  }
0x55: {  	_ =	shalt  }
0x56: {  	_ =	shalt  }
0x57: {  	_ =	shalt  }
0x58: {  	_ =	shalt  }
0x59: {  	_ =	shalt  }
0x5a: {  	_ =	shalt  }
0x5b: {  	_ =	shalt  }
0x5c: {  	_ =	shalt  }
0x5d: {  	_ =	shalt  }
0x5e: {  	_ =	shalt  }
0x5f: {  	_ =	shalt  }
0x60: {  	_ =	shalt  }
0x61: {  	_ =	shalt  }
0x62: {  	_ =	shalt  }
0x63: {  	_ =	shalt  }
0x64: {  	_ =	shalt  }
0x65: {  	_ =	shalt  }
0x66: {  	_ =	shalt  }
0x67: {  	_ =	shalt  }
0x68: {  	_ =	shalt  }
0x69: {  	_ =	shalt  }
0x6a: {  	_ =	shalt  }
0x6b: {  	_ =	shalt  }
0x6c: {  	_ =	shalt  }
0x6d: {  	_ =	shalt  }
0x6e: {  	_ =	shalt  }
0x6f: {  	_ =	shalt  }
0x70: {  	_ =	shalt  }
0x71: {  	_ =	shalt  }
0x72: {  	_ =	shalt  }
0x73: {  	_ =	shalt  }
0x74: {  	_ =	shalt  }
0x75: {  	_ =	shalt  }
0x76: {  	_ =	shalt  }
0x77: {  	_ =	shalt  }
0x78: {  	_ =	shalt  }
0x79: {  	_ =	shalt  }
0x7a: {  	_ =	shalt  }
0x7b: {  	_ =	shalt  }
0x7c: {  	_ =	shalt  }
0x7d: {  	_ =	shalt  }
0x7e: {  	_ =	shalt  }
0x7f: {  	_ =	shalt  }
0x80: {  	_ =	shalt  }
0x81: {  	_ =	shalt  }
0x82: {  	_ =	shalt  }
0x83: {  	_ =	shalt  }
0x84: {  	_ =	shalt  }
0x85: {  	_ =	shalt  }
0x86: {  	_ =	shalt  }
0x87: {  	_ =	shalt  }
.Lfunc_end0:
.L_simem_size_0:
called_computation.3_lowered:
.L_overlay_start_0:
0x88: {  	s2 =	sld [smem:$0x3FD9]  }
0x89: {  	s3 =	sld [smem:$0x3FFE];
	_ =	sdelay $0x1  }
0x8a: {  	s1 =	srdreg.scid  }
0x8b: {  	s0 =	sand.u32 $0x1, s1  }
0x8c: {  	s14 =	sshll.u32 s0, $0xA;
	s2 =	sadd.s32 s3, s2  }
0x8d: {  	s2 =	sadd.s32 s2, s14  }
0x8e: {  	[smem:$0x3FC2] =	sst s2  }
0x8f: {  	_ = 	snop  }
0x90: {  	s2 =	sld [smem:$0x3FD0];
	_ =	sdelay $0x2  }
0x91: {  	s15 =	simm.s32 $0xA;
	s4 =	simm.s32 $0x10  }
0x92: {  	[smem:s4], [sflag:s15] =	dma.local [hbm:s2], $0x1  }
0x93: {  	_ =	swait.eq [sflag:s15], $0x1  }
0x94: {  	[sflag:s15] =	ssyncset.done $0x0  }
0x95: {  	[sflag:s15] =	ssyncadd.s32 $0xFFFFFFFF  }
0x96: {  	s16 =	sld [smem:$0x10];
	(tm) =	ssettm $0x1  }
0x97: {  	s17 =	sld [smem:$0x3FFB];
	_ =	sdelay $0x3  }
0x98: {  	_ =	strace s17  }
0x99: {  	s3 =	sld [smem:$0x3FFC];
	_ =	sdelay $0x3  }
0x9a: {  	_ =	strace s3  }
0x9b: {  	s3 =	sld [smem:$0x3FFD];
	_ =	sdelay $0x3  }
0x9c: {  	_ =	strace s3  }
0x9d: {  	_ =	strace $0x8FFFFFFF  }
0x9e: {  	s18 =	sld [smem:$0x3FDB];
	_ =	sdelay $0x1  }
0x9f: {  	s19 =	simm.s32 $_scs_section_size  }
0xa0: {  	s5 =	simm.s32 $_size__tile_overlayer_lowered;
	s6 =	simm.s32 $_tile_overlayer_lowered  }
0xa1: {  	s22 =	simm.s32 $0x1BFF;
	s21 =	sshll.u32 s6, $0x1;
	s3 =	sadd.s32 s19, s18  }
0xa2: {  	s7 =	simm.s32 $0x0;
	s20 =	sshll.u32 s5, $0x1;
	s5 =	sadd.s32 s21, s3  }
0xa3: {  	[timem:s7], [sflag:s22] =	dma.local [hbm:s5], s20  }
0xa4: {  	_ =	swait.ge [sflag:s22], s20  }
0xa5: {  	s4 =	ssub.s32 $0x0, s20;
	[sflag:s22] =	ssyncset.done $0x0  }
0xa6: {  	[sflag:s22] =	ssyncadd.s32 s4;
	_ =	sdelay $0x1  }
0xa7: {  	s23 =	simm.s32 $0x1B8B  }
0xa8: {  	_ =	swait.ge [sflag:s23], $0x1  }
0xa9: {  	[sflag:s23] =	ssyncset.done $0x0  }
0xaa: {  	s25 =	simm.s32 $0x1B8E;
	s24 =	sld [smem:$0x3FFE];
	[sflag:s23] =	ssyncadd.s32 $0xFFFFFFFF  }
0xab: {  	s26 =	simm.s32 $execute0_lowered;
	[smem:$0x3FD2] =	sst s25  }
0xac: {  	s5 =	sshll.u32 s26, $0x1;
	_ =	strace $0x8000004F;
	[dreg:$0x1] =	wrdreg $0xFFFFFFFF  }
0xad: {  	s28 =	simm.s32 $_size_execute0_lowered;
	s3 =	sadd.s32 s3, s5;
	[dreg:$0x0] =	wrdreg $0x0  }
0xae: {  	s5 =	sshll.u32 s28, $0x1;
	[dreg:$0x2] =	wrdreg s3  }
0xaf: {  	[dreg:$0x3] =	wrdreg s5  }
0xb0: {  	[dreg:$0x4] =	wrdreg $0xC0  }
0xb1: {  	_ =	task [dreg:s7], $0x5FFFF  }
0xb2: {  	[dreg:$0x1] =	wrdreg $0xFFFFFFFF  }
0xb3: {  	[dreg:$0x0] =	wrdreg $0x60  }
0xb4: {  	[dreg:$0x2] =	wrdreg s24  }
0xb5: {  	[dreg:$0x3] =	wrdreg s16  }
0xb6: {  	[dreg:$0x4] =	wrdreg $0x0  }
0xb7: {  	[dreg:$0x5] =	wrdreg $0x9  }
0xb8: {  	_ =	task.clear_ibuf [dreg:s7], $0x6FFFF;
	_ =	strace $0x9000004F  }
0xb9: {  	s29 =	simm.s32 $0x9;
	_ =	strace $0x80000051  }
0xba: {  	_ =	swait.ge [sflag:s29], $0x1  }
0xbb: {  	[sflag:s29] =	ssyncadd.s32 $0xFFFFFFFF  }
0xbc: {  	_ =	strace $0x90000051  }
0xbd: {  	_ =	sfence  }
0xbe: {  	s30 =	sld [smem:$0x0];
	_ =	sdelay $0x2  }
0xbf: {  	s31 =	sshll.u32 s1, $0xD;
	s1 =	sshrl.u32 s1, $0x2  }
0xc0: {  	s3 =	sand.u32 $0x4000, s31;
	s1 =	sadd.s32 s1, s30  }
0xc1: {  	s0 =	sor.u32 s3, s0;
	s1 =	sshll.u32 s1, $0x11  }
0xc2: {  	s0 =	sor.u32 s1, s0  }
0xc3: {  	s0 =	sadd.s32 $0x8F2B, s0  }
0xc4: {  	[sflag:s0] =	ssyncadd.remote.s32 $0x1  }
0xc5: {  	_ =	sfence.sel $0xFFFF  }
0xc6: {  	[dreg:$0x0] =	wrdreg $0xFFFFFFFF;
	(pc) =	sbr.abs _section_cstart, $3  }
0xc7: {  	[dreg:$0x1] =	wrdreg $0xFFFFFFFF  }
0xc8: {  	_ =	task.clear_ibuf [dreg:s7], $0x2FFFF;
	_ =	strace $0x9FFFFFFF  }
0xc9: {  	(tm) =	ssettm $0x7FFFFFFF  }
tec
execute0_lowered:
.L_overlay_start_1:
0x0: {  	(tag) =	ssettag $0x1  }
0x1: {  	s5 =	rddreg [dreg:$0x0]  }
0x2: {  	s7 =	rddreg [dreg:$0x1];
	s0 =	srdreg.scid  }
0x3: {  	s2 =	rddreg [dreg:$0x2];
	s1 =	stileid.u32  }
0x4: {  	s3 =	simm.s32 $0x0;
	s15 =	simm.s32 $0x14000;
	s16 =	simm.s32 $0x80  }
0x5: {  	s17 =	simm.s32 $0x16900;
	s18 =	simm.s32 $0x16800;
	s19 =	simm.s32 $0x14080  }
0x6: {  	s20 =	simm.s32 $0x1A900;
	s21 =	simm.s32 $0x16880;
	s22 =	simm.s32 $0x1  }
0x7: {  	s23 =	simm.s32 $0x3;
	s24 =	simm.s32 $0x2;
	s8 =	smul.u32 $0x280, s1  }
0x8: {  	s6 =	sand.u32 $0x1, s0;
	s0 =	rddreg [dreg:$0x3];
	s9 =	smul.u32 $0x500, s1  }
0x9: {  	s25 =	simm.s32 $0x4;
	[smem:$0x7FF] =	sst s3;
	s10 =	smul.u32 $0x50000, s1  }
0xa: {  	s31 =	sshll.u32 s1, $0x6;
	s4 =	smul.u32 $0x2800, s6;
	_ =	strace $0x80000050  }
0xb: {  	s26 =	ssub.s32 $0x2, s6;
	s6 =	sshll.u32 s6, $0x4;
	s12 =	sadd.s32 s9, s5  }
0xc: {  	s28 =	sshrl.u32 s26, $0x1;
	s6 =	sor.u32 s1, s6;
	s29 =	sshrl.u32 s10, $0x2  }
0xd: {  	s8 =	sadd.s32 s8, s4;
	s4 =	sadd.s32 $0x57A00, s5;
	s13 =	ssub.s32 s26, s28  }
0xe: {  	s30 =	smul.u32 $0x500, s6;
	s14 =	sadd.s32 s29, s2;
	s6 =	sor.u32 $0x1C05, s31  }
0xf: {  	s9 =	sadd.s32 $0x2A10, s12;
	s26 =	simm.s32 $0x0;
	s8 =	sshll.u32 s8, $0x4  }
0x10: {  	s11 =	sadd.s32 s8, s5;
	s5 =	sadd.s32 s4, s8;
	s7 =	sadd.s32 s7, s30  }
0x11: {  	s8 =	sadd.s32 $0x2A00, s12;
	s12 =	sadd.s32 $0x2A20, s12;
	s10 =	sadd.s32 $0xA7A00, s11  }
0x12: {  	s11 =	smax.u32 s13, $0x1;
	s13 =	sshrl.u32 s14, $0x3;
	s14 =	simm.s32 $0x5  }
.LBB2_1:
0x13: {  	[spmem:s13], [sflag:s6] =	dma.local [hbm:s5], $0x2800  }
0x14: {  	_ =	swait.ge [sflag:s14], $0x2800  }
0x15: {  	[sflag:s14] =	ssyncset.done $0x0  }
0x16: {  	[sflag:s14] =	ssyncadd.s32 $0xFFFFD800  }
0x17: {  	[tilespmem:s15], [sflag:$0x5] =	stream.linear.gather [hbm4b:s7+s3], $0x2800, $0x38;
	[tilespmem:$0x1E900] =	vst v63  }
0x18: {  	_ =	swait.ge [sflag:s14], $0x2800  }
0x19: {  	[sflag:s14] =	ssyncset.done $0x0  }
0x1a: {  	[sflag:s14] =	ssyncadd.s32 $0xFFFFD800  }
0x1b: {  	[bflag:$0x0] =	sbarrier.arrive $0xFFFF  }
0x1c: {  	[tilespmem:s17], [sflag:$0x1] =	stream.indirect.gather [hbm4b:s4+s16], $0x80, s15, s16, $0xb8;
	[tilespmem:$0x1E900] =	vst v63  }
0x1d: {  	_ = 	snop  }
0x1e: {  	[tilespmem:s18], [sflag:$0x3] =	stream.linear.gather [hbm4b:s8+s3], $0x80, $0x38;
	[tilespmem:$0x1E900] =	vst v63  }
0x1f: {  	_ = 	snop  }
0x20: {  	[tilespmem:s20], [sflag:$0x2] =	stream.indirect.gather [hbm4b:s4+s16], $0x80, s19, s16, $0xb8;
	[tilespmem:$0x1E900] =	vst v63  }
0x21: {  	_ = 	snop  }
0x22: {  	[tilespmem:s21], [sflag:$0x4] =	stream.linear.gather [hbm4b:s9+s3], $0x80, $0x38;
	[tilespmem:$0x1E900] =	vst v63  }
0x23: {  	_ =	swait.ge [sflag:s22], $0x4000  }
0x24: {  	[sflag:s22] =	ssyncset.done $0x0  }
0x25: {  	[sflag:s22] =	ssyncadd.s32 $0xFFFFC000  }
0x26: {  	_ =	swait.ge [sflag:s23], $0x80  }
0x27: {  	[sflag:s23] =	ssyncset.done $0x0  }
0x28: {  	[sflag:s23] =	ssyncadd.s32 $0xFFFFFF80  }
0x29: {  	[spmem:s2] =	stream.indirect.scatter.add.f32 [tilespmem:s17], [sflag:$0x5], $0x80, s18, s16, $0xb8;
	[tilespmem:$0x1E900] =	vst v63  }
0x2a: {  	_ =	swait.ge [sflag:s14], $0x4000  }
0x2b: {  	[sflag:s14] =	ssyncset.done $0x0  }
0x2c: {  	s28 =	simm.s32 $0x14100;
	[sflag:s14] =	ssyncadd.s32 $0xFFFFC000  }
0x2d: {  	[tilespmem:s17], [sflag:$0x1] =	stream.indirect.gather [hbm4b:s4+s16], $0x80, s28, s16, $0xb8;
	[tilespmem:$0x1E900] =	vst v63  }
0x2e: {  	_ = 	snop  }
0x2f: {  	[tilespmem:s18], [sflag:$0x3] =	stream.linear.gather [hbm4b:s12+s3], $0x80, $0x38;
	[tilespmem:$0x1E900] =	vst v63  }
0x30: {  	_ =	swait.ge [sflag:s24], $0x4000  }
0x31: {  	[sflag:s24] =	ssyncset.done $0x0  }
0x32: {  	[sflag:s24] =	ssyncadd.s32 $0xFFFFC000  }
0x33: {  	_ =	swait.ge [sflag:s25], $0x80  }
0x34: {  	[sflag:s25] =	ssyncset.done $0x0  }
0x35: {  	[sflag:s25] =	ssyncadd.s32 $0xFFFFFF80  }
0x36: {  	[spmem:s2] =	stream.indirect.scatter.add.f32 [tilespmem:s20], [sflag:$0x5], $0x80, s21, s16, $0xb8;
	[tilespmem:$0x1E900] =	vst v63  }
0x37: {  	_ =	swait.ge [sflag:s14], $0x4000  }
0x38: {  	[sflag:s14] =	ssyncset.done $0x0  }
0x39: {  	s28 =	simm.s32 $0x14180;
	[sflag:s14] =	ssyncadd.s32 $0xFFFFC000  }
0x3a: {  	[tilespmem:s20], [sflag:$0x2] =	stream.indirect.gather [hbm4b:s4+s16], $0x80, s28, s16, $0xb8;
	[tilespmem:$0x1E900] =	vst v63  }
0x3b: {  	s30 =	sadd.s32 $0x10, s12;
	s29 =	sadd.s32 $0x20, s12;
	s28 =	simm.s32 $0xFFFF6800  }
.LBB2_2:
0x3c: {  	[tilespmem:s21], [sflag:$0x4] =	stream.linear.gather [hbm4b:s30+s3], $0x80, $0x38;
	[tilespmem:$0x1E900] =	vst v63  }
0x3d: {  	s30 =	smov.u32 s28  }
0x3e: {  	p0 =	sne.s32 s28, $0xFFFFFC00;
	s28 =	sadd.s32 $0x400, s28;
	_ =	swait.ge [sflag:s22], $0x4000  }
0x3f: {  	[sflag:s22] =	ssyncset.done $0x0  }
0x40: {  	[sflag:s22] =	ssyncadd.s32 $0xFFFFC000  }
0x41: {  	_ =	swait.ge [sflag:s23], $0x80  }
0x42: {  	[sflag:s23] =	ssyncset.done $0x0  }
0x43: {  	[sflag:s23] =	ssyncadd.s32 $0xFFFFFF80  }
0x44: {  	[spmem:s2] =	stream.indirect.scatter.add.f32 [tilespmem:s17], [sflag:$0x5], $0x80, s18, s16, $0xb8;
	[tilespmem:$0x1E900] =	vst v63  }
0x45: {  	_ =	swait.ge [sflag:s14], $0x4000  }
0x46: {  	s30 =	sshra.s32 s30, $0x2;
	[sflag:s14] =	ssyncset.done $0x0  }
0x47: {  	s31 =	sadd.s32 $0x16800, s30;
	[sflag:s14] =	ssyncadd.s32 $0xFFFFC000  }
0x48: {  	[tilespmem:s17], [sflag:$0x1] =	stream.indirect.gather [hbm4b:s4+s16], $0x80, s31, s16, $0xb8;
	[tilespmem:$0x1E900] =	vst v63  }
0x49: {  	_ = 	snop  }
0x4a: {  	[tilespmem:s18], [sflag:$0x3] =	stream.linear.gather [hbm4b:s29+s3], $0x80, $0x38;
	[tilespmem:$0x1E900] =	vst v63  }
0x4b: {  	_ =	swait.ge [sflag:s24], $0x4000  }
0x4c: {  	[sflag:s24] =	ssyncset.done $0x0  }
0x4d: {  	[sflag:s24] =	ssyncadd.s32 $0xFFFFC000  }
0x4e: {  	_ =	swait.ge [sflag:s25], $0x80  }
0x4f: {  	[sflag:s25] =	ssyncset.done $0x0  }
0x50: {  	[sflag:s25] =	ssyncadd.s32 $0xFFFFFF80  }
0x51: {  	[spmem:s2] =	stream.indirect.scatter.add.f32 [tilespmem:s20], [sflag:$0x5], $0x80, s21, s16, $0xb8;
	[tilespmem:$0x1E900] =	vst v63  }
.Ltmp0:
0x52: {  	_ =	swait.ge [sflag:s14], $0x4000;
	(pc) =	sbr.rel @p0 .LBB2_2-.Ltmp0, $4  }
0x53: {  	[sflag:s14] =	ssyncset.done $0x0  }
0x54: {  	s30 =	sadd.s32 $0x16880, s30;
	[sflag:s14] =	ssyncadd.s32 $0xFFFFC000  }
0x55: {  	[tilespmem:s20], [sflag:$0x2] =	stream.indirect.gather [hbm4b:s4+s16], $0x80, s30, s16, $0xb8;
	[tilespmem:$0x1E900] =	vst v63  }
0x56: {  	s30 =	sadd.s32 $0x10, s29;
	s29 =	sadd.s32 $0x20, s29  }
0x57: {  	[tilespmem:s21], [sflag:$0x4] =	stream.linear.gather [hbm4b:s30+s3], $0x80, $0x38;
	[tilespmem:$0x1E900] =	vst v63  }
0x58: {  	_ =	swait.ge [sflag:s22], $0x4000  }
0x59: {  	[sflag:s22] =	ssyncset.done $0x0  }
0x5a: {  	[sflag:s22] =	ssyncadd.s32 $0xFFFFC000  }
0x5b: {  	_ =	swait.ge [sflag:s23], $0x80  }
0x5c: {  	[sflag:s23] =	ssyncset.done $0x0  }
0x5d: {  	[sflag:s23] =	ssyncadd.s32 $0xFFFFFF80  }
0x5e: {  	[spmem:s2] =	stream.indirect.scatter.add.f32 [tilespmem:s17], [sflag:$0x5], $0x80, s18, s16, $0xb8;
	[tilespmem:$0x1E900] =	vst v63  }
0x5f: {  	_ =	swait.ge [sflag:s14], $0x4000  }
0x60: {  	[sflag:s14] =	ssyncset.done $0x0  }
0x61: {  	[sflag:s14] =	ssyncadd.s32 $0xFFFFC000  }
0x62: {  	_ =	swait.ge [sflag:s24], $0x4000  }
0x63: {  	[sflag:s24] =	ssyncset.done $0x0  }
0x64: {  	[sflag:s24] =	ssyncadd.s32 $0xFFFFC000  }
0x65: {  	_ =	swait.ge [sflag:s25], $0x80  }
0x66: {  	[sflag:s25] =	ssyncset.done $0x0  }
0x67: {  	[sflag:s25] =	ssyncadd.s32 $0xFFFFFF80  }
0x68: {  	[spmem:s2] =	stream.indirect.scatter.add.f32 [tilespmem:s20], [sflag:$0x5], $0x80, s21, s16, $0xb8;
	[tilespmem:$0x1E900] =	vst v63  }
0x69: {  	_ =	swait.ge [sflag:s14], $0x4000  }
0x6a: {  	s26 =	sadd.s32 $0x1, s26;
	[sflag:s14] =	ssyncset.done $0x0  }
0x6b: {  	p0 =	sne.s32 s26, s11;
	[sflag:s14] =	ssyncadd.s32 $0xFFFFC000  }
.Ltmp1:
0x6c: {  	[bflag:$0x0] =	sbarrier.arrive $0xFFFF;
	(pc) =	sbr.rel @p0 .LBB2_1-.Ltmp1, $4  }
0x6d: {  	[hbm:s10], [sflag:s6] =	dma.local [spmem:s13], $0x2800  }
0x6e: {  	_ =	swait.ge [sflag:s14], $0x2800  }
0x6f: {  	[sflag:s14] =	ssyncset.done $0x0  }
0x70: {  	[sflag:s14] =	ssyncadd.s32 $0xFFFFD800  }
0x71: {  	_ =	sfence.sel $0x180000  }
0x72: {  	[bflag:$0x0] =	sbarrier.arrive $0xFFFF  }
0x73: {  	p0 =	sne.s32 s1, $0x0;
	_ =	strace $0x90000050  }
0x74: {  	s0 =	sadd.s32 @!p0 $0x100000, s0;
	[bflag:$0x2] =	sbarrier.arrive $0xFFFF  }
0x75: {  	[sflag:s0] =	ssyncadd.tile.s32 @!p0 $0x1;
	_ =	shalt  }
.Lfunc_end2:
_tile_overlayer_lowered:
.L_overlay_start_2:
0x76: {  	(tag) =	ssettag $0x2  }
0x77: {  	s0 =	rddreg [dreg:$0x0];
	s2 =	stileid.u32  }
0x78: {  	s1 =	rddreg [dreg:$0x1];
	p0 =	sne.s32 s2, $0x0  }
0x79: {  	s3 =	rddreg [dreg:$0x2];
	[bflag:$0x3] =	sbarrier.arrive $0xFFFF;
	s2 =	simm.s32 @!p0 $0x1C05  }
0x7a: {  	[timem:s3], [sflag:s2] =	dma.local @!p0 [hbm:s0], s1  }
0x7b: {  	s0 =	simm.s32 @!p0 $0x5  }
0x7c: {  	_ =	swait.ge @!p0 [sflag:s0], s1  }
0x7d: {  	s1 =	ssub.s32 @!p0 $0x0, s1;
	[sflag:s0] =	ssyncset.done @!p0 $0x0  }
0x7e: {  	[sflag:s0] =	ssyncadd.s32 @!p0 s1  }
0x7f: {  	[bflag:$0x3] =	sbarrier.arrive $0xFFFF  }
0x80: {  	_ =	shalt  }

</sc_bundles>
